<compile_context>
chip_gen: v7x
topology: tpu7x:2x2x1
jax: 0.10.2.dev20260603
libtpu: 0.0.44.dev20260713+nightly
codegen_flags: <defaults>
</compile_context>

<pallas_src>
import dataclasses
import functools

import jax
import jax.numpy as jnp
from jax import lax
from jax.experimental import pallas as pl
from jax.experimental.pallas import tpu as pltpu
from jax.experimental.pallas import tpu_sc as plsc

NC = 2
NS = 16
NW = NC * NS
LANES = 16


def _sc_params():
    cp = pltpu.CompilerParams()
    if "needs_layout_passes" in pltpu.CompilerParams.__dataclass_fields__:
        cp = dataclasses.replace(cp, needs_layout_passes=False)
    return cp


def _sc_degree(dst2, n_pad):
    nw, ew = dst2.shape
    nr = n_pad // LANES
    mesh = plsc.VectorSubcoreMesh(core_axis_name="core", subcore_axis_name="subcore")

    @functools.partial(
        pl.kernel,
        out_type=jax.ShapeDtypeStruct((nw, nr, LANES), jnp.float32),
        mesh=mesh,
        scratch_types=[
            pltpu.VMEM((ew,), jnp.int32),
            pltpu.VMEM((nr, LANES), jnp.float32),
        ],
        compiler_params=_sc_params(),
    )
    def deg_kernel(dst_hbm, out_hbm, dst_v, hist_v):
        w = lax.axis_index("core") * NS + lax.axis_index("subcore")
        zeros = jnp.zeros((LANES,), jnp.float32)

        @pl.loop(0, nr)
        def _(r):
            hist_v[r, :] = zeros

        pltpu.sync_copy(dst_hbm.at[w], dst_v)
        ones = jnp.ones((LANES,), jnp.float32)

        @pl.loop(0, ew, step=LANES)
        def _(i):
            idx = dst_v[pl.ds(i, LANES)]
            row = lax.shift_right_logical(idx, 4)
            col = lax.bitwise_and(idx, 15)
            plsc.addupdate_scatter(hist_v, [row, col], ones)

        pltpu.sync_copy(hist_v, out_hbm.at[w])

    return deg_kernel(dst2)


def _sc_scatter(gs, pack3, n_acc):
    n, d = gs.shape
    nw, c, k = pack3.shape
    rpt = n_acc // NS
    mesh = plsc.VectorSubcoreMesh(core_axis_name="core", subcore_axis_name="subcore")

    @functools.partial(
        pl.kernel,
        out_type=jax.ShapeDtypeStruct((NC, n_acc, d), jnp.float32),
        mesh=mesh,
        scratch_types=[
            pltpu.VMEM((c, k), jnp.int32),
            pltpu.VMEM((k,), jnp.int32),
            pltpu.VMEM((k,), jnp.int32),
            pltpu.VMEM((1, k), jnp.int32),
            pltpu.VMEM((1, k), jnp.int32),
            pltpu.VMEM((k, d), jnp.float32),
            pltpu.VMEM((k, d), jnp.float32),
            pltpu.VMEM((8, d), jnp.float32),
            pltpu.VMEM_SHARED((n_acc, d), jnp.float32),
            pltpu.SemaphoreType.DMA,
            pltpu.SemaphoreType.DMA,
        ],
        compiler_params=_sc_params(),
    )
    def scat_kernel(gs_hbm, pack_hbm, out_hbm,
                    pack_v, src0_v, src1_v, dst0_v, dst1_v,
                    rows0_v, rows1_v, zrow_v, acc_sh, sem0, sem1):
        cid = lax.axis_index("core")
        sid = lax.axis_index("subcore")
        w = cid * NS + sid
        zeros = jnp.zeros((LANES,), jnp.float32)

        @pl.loop(0, 8)
        def _(r):
            @pl.loop(0, d, step=LANES)
            def _(j):
                zrow_v[r, pl.ds(j, LANES)] = zeros

        @pl.loop(0, rpt, step=8)
        def _(r):
            pltpu.sync_copy(zrow_v, acc_sh.at[pl.ds(sid * rpt + r, 8)])

        pltpu.sync_copy(pack_hbm.at[w], pack_v)

        def unpack(ci, scb, dcb):
            @pl.loop(0, k, step=LANES)
            def _(j):
                pk = pack_v[ci, pl.ds(j, LANES)]
                scb[pl.ds(j, LANES)] = lax.shift_right_logical(pk, 14)
                dcb[0, pl.ds(j, LANES)] = lax.bitwise_and(pk, 16383)

        plsc.subcore_barrier()

        unpack(0, src0_v, dst0_v)
        pltpu.async_copy(gs_hbm.at[src0_v], rows0_v, sem0)

        @pl.loop(0, c, step=2)
        def _(ci):
            pltpu.make_async_copy(gs_hbm.at[src0_v], rows0_v, sem0).wait()

            @pl.when(ci + 1 < c)
            def _():
                unpack(ci + 1, src1_v, dst1_v)
                pltpu.async_copy(gs_hbm.at[src1_v], rows1_v, sem1)

            pltpu.sync_copy(rows0_v, acc_sh.at[dst0_v.at[0]], add=True)

            @pl.when(ci + 1 < c)
            def _():
                pltpu.make_async_copy(gs_hbm.at[src1_v], rows1_v, sem1).wait()

                @pl.when(ci + 2 < c)
                def _():
                    unpack(ci + 2, src0_v, dst0_v)
                    pltpu.async_copy(gs_hbm.at[src0_v], rows0_v, sem0)

                pltpu.sync_copy(rows1_v, acc_sh.at[dst1_v.at[0]], add=True)

        plsc.subcore_barrier()
        pltpu.sync_copy(acc_sh.at[pl.ds(sid * rpt, rpt)],
                        out_hbm.at[cid].at[pl.ds(sid * rpt, rpt)])

    return scat_kernel(gs, pack3)


def _sc_link2(bT, wq3, packl):
    nf, fpt, n = bT.shape
    ngrp, eg = packl.shape
    ke = 2048
    nch = eg // ke
    rpc = ke // 128
    acc_rows = eg // 128
    mesh = plsc.VectorSubcoreMesh(core_axis_name="core", subcore_axis_name="subcore")

    @functools.partial(
        pl.kernel,
        out_type=jax.ShapeDtypeStruct((NC, NS, acc_rows, 128), jnp.float32),
        mesh=mesh,
        scratch_types=[
            pltpu.VMEM((fpt, n), jnp.float32),
            pltpu.VMEM((fpt, LANES), jnp.float32),
            pltpu.VMEM((ke,), jnp.int32),
            pltpu.VMEM((ke,), jnp.int32),
            pltpu.VMEM((rpc, 128), jnp.float32),
            pltpu.VMEM((rpc, 128), jnp.float32),
            pltpu.SemaphoreType.DMA,
            pltpu.SemaphoreType.DMA,
            pltpu.SemaphoreType.DMA,
            pltpu.SemaphoreType.DMA,
        ],
        compiler_params=_sc_params(),
    )
    def link_kernel(bT_hbm, wq_hbm, packl_hbm, out_hbm,
                    tab_v, wq_v, pk0_v, pk1_v, p0_v, p1_v,
                    semi0, semi1, semo0, semo1):
        cid = lax.axis_index("core")
        sid = lax.axis_index("subcore")
        g = lax.shift_right_logical(sid, 3)
        m = lax.bitwise_and(sid, 7)
        grp = cid * 2 + g

        pltpu.sync_copy(bT_hbm.at[m], tab_v)
        pltpu.sync_copy(wq_hbm.at[m], wq_v)

        def issue(ci, pk, sem):
            pltpu.async_copy(packl_hbm.at[grp].at[pl.ds(ci * ke, ke)], pk, sem)

        def drain_in(pk, sem):
            pltpu.make_async_copy(packl_hbm.at[grp].at[pl.ds(0, ke)], pk,
                                  sem).wait()

        def out_slab(ci):
            return out_hbm.at[cid].at[sid].at[pl.ds(ci * rpc, rpc)]

        def process(ci, pk, pv, semo, first):
            @pl.when(jnp.logical_not(first))
            def _():
                pltpu.make_async_copy(pv, out_slab(0), semo).wait()

            @pl.loop(0, ke, step=LANES)
            def _(j):
                pk16 = pk[pl.ds(j, LANES)]
                src = lax.shift_right_logical(pk16, 14)
                dst = lax.bitwise_and(pk16, 16383)
                acc = jnp.zeros((LANES,), jnp.float32)
                for f in range(fpt):
                    frow = jnp.full((LANES,), f, jnp.int32)
                    va = plsc.load_gather(tab_v, [frow, src])
                    vb = plsc.load_gather(tab_v, [frow, dst])
                    ri = plsc.bitcast(va * vb, jnp.uint32)
                    lsb = lax.bitwise_and(
                        lax.shift_right_logical(ri, jnp.uint32(16)),
                        jnp.uint32(1))
                    ri = ri + jnp.uint32(32767) + lsb
                    ri = lax.bitwise_and(ri, jnp.uint32(0xFFFF0000))
                    p = plsc.bitcast(ri, jnp.float32)
                    acc = acc + p * wq_v[f, :]
                row = lax.div(j, 128)
                lane = lax.rem(j, 128)
                pv[row, pl.ds(lane, LANES)] = acc

            pltpu.async_copy(pv, out_slab(ci), semo)

        issue(0, pk0_v, semi0)

        @pl.loop(0, nch, step=2)
        def _(ci):
            drain_in(pk0_v, semi0)

            @pl.when(ci + 1 < nch)
            def _():
                issue(ci + 1, pk1_v, semi1)

            process(ci, pk0_v, p0_v, semo0, ci == 0)

            @pl.when(ci + 1 < nch)
            def _():
                drain_in(pk1_v, semi1)

                @pl.when(ci + 2 < nch)
                def _():
                    issue(ci + 2, pk0_v, semi0)

                process(ci + 1, pk1_v, p1_v, semo1, ci == 0)

        pltpu.make_async_copy(p0_v, out_slab(0), semo0).wait()
        pltpu.make_async_copy(p1_v, out_slab(0), semo1).wait()

    return link_kernel(bT, wq3, packl)


def _tc4(lparts, bp):
    nc2, ns2, rows, lw = lparts.shape

    def body(p_ref, bp_ref, o_ref):
        s = jnp.sum(p_ref[0], axis=0) + jnp.sum(bp_ref[...])
        o_ref[...] = s[None]

    return pl.pallas_call(
        body,
        grid=(4,),
        in_specs=[
            pl.BlockSpec((1, 8, rows, lw),
                         lambda cg: (cg // 2, cg % 2, 0, 0)),
            pl.BlockSpec(bp.shape, lambda cg: (0, 0)),
        ],
        out_specs=pl.BlockSpec((1, rows, lw), lambda cg: (cg, 0, 0)),
        out_shape=jax.ShapeDtypeStruct((4, rows, lw), jnp.float32),
    )(lparts, bp)


_HI = lax.Precision.HIGHEST


def _tc1(x, degT, W1, b1, W2, b2, Wc1, blk):
    n, din = x.shape
    dp = W2.shape[1]
    d1 = Wc1.shape[1]
    grid = (n // blk,)

    def body(x_ref, deg_ref, w1_ref, b1_ref, w2_ref, b2_ref, wc1_ref,
             gs1_ref, dinv_ref):
        deg = jnp.sum(deg_ref[...], axis=1, keepdims=True) + 1.0
        dinv = lax.rsqrt(deg)
        h = jnp.maximum(jnp.dot(x_ref[...], w1_ref[...]) + b1_ref[...], 0.0)
        h = jnp.maximum(jnp.dot(h, w2_ref[...]) + b2_ref[...], 0.0)
        g1 = jnp.dot(h, wc1_ref[...])
        gs1_ref[...] = jnp.concatenate(
            [g1 * dinv, jnp.zeros((blk, dp - d1), jnp.float32)], axis=1)
        dinv_ref[...] = dinv

    return pl.pallas_call(
        body,
        grid=grid,
        in_specs=[
            pl.BlockSpec((blk, din), lambda i: (i, 0)),
            pl.BlockSpec((blk, degT.shape[1]), lambda i: (i, 0)),
            pl.BlockSpec(W1.shape, lambda i: (0, 0)),
            pl.BlockSpec(b1.shape, lambda i: (0, 0)),
            pl.BlockSpec(W2.shape, lambda i: (0, 0)),
            pl.BlockSpec(b2.shape, lambda i: (0, 0)),
            pl.BlockSpec(Wc1.shape, lambda i: (0, 0)),
        ],
        out_specs=[
            pl.BlockSpec((blk, dp), lambda i: (i, 0)),
            pl.BlockSpec((blk, 1), lambda i: (i, 0)),
        ],
        out_shape=[
            jax.ShapeDtypeStruct((n, dp), jnp.float32),
            jax.ShapeDtypeStruct((n, 1), jnp.float32),
        ],
    )(x, degT, W1, b1, W2, b2, Wc1)


def _tc2(parts, gs1, dinv, Wc2, bc1, blk):
    n, d = gs1.shape
    d1 = bc1.shape[1]
    d2 = Wc2.shape[1]
    grid = (n // blk,)

    def body(p_ref, gs1_ref, dinv_ref, wc2_ref, bc1_ref, emb1_ref, gs2_ref):
        s = (p_ref[0] + p_ref[1] + gs1_ref[...])[:, :d1]
        emb1 = jnp.maximum(dinv_ref[...] * s + bc1_ref[...], 0.0)
        emb1_ref[...] = emb1
        g2 = jnp.dot(emb1, wc2_ref[...])
        gs2_ref[...] = jnp.concatenate(
            [g2 * dinv_ref[...], jnp.zeros((blk, d - d2), jnp.float32)],
            axis=1)

    return pl.pallas_call(
        body,
        grid=grid,
        in_specs=[
            pl.BlockSpec((2, blk, d), lambda i: (0, i, 0)),
            pl.BlockSpec((blk, d), lambda i: (i, 0)),
            pl.BlockSpec((blk, 1), lambda i: (i, 0)),
            pl.BlockSpec(Wc2.shape, lambda i: (0, 0)),
            pl.BlockSpec(bc1.shape, lambda i: (0, 0)),
        ],
        out_specs=[
            pl.BlockSpec((blk, d1), lambda i: (i, 0)),
            pl.BlockSpec((blk, d), lambda i: (i, 0)),
        ],
        out_shape=[
            jax.ShapeDtypeStruct((n, d1), jnp.float32),
            jax.ShapeDtypeStruct((n, d), jnp.float32),
        ],
    )(parts, gs1, dinv, Wc2, bc1)


def _tc3(parts, gs2, dinv, bc2, Wp, blk):
    n, dp = gs2.shape
    d2 = Wp.shape[0]
    grid = (n // blk,)

    def body(p_ref, gs2_ref, dinv_ref, bc2_ref, wp_ref,
             emb2_ref, wq_ref):
        s = (p_ref[0] + p_ref[1] + gs2_ref[...])[:, :d2]
        emb2 = jnp.maximum(dinv_ref[...] * s + bc2_ref[...], 0.0)
        emb2_ref[...] = emb2

        @pl.when(pl.program_id(0) == 0)
        def _():
            wpq = wp_ref[...].astype(jnp.bfloat16).astype(jnp.float32)
            wq = jnp.sum(wpq, axis=1)
            wq_ref[...] = jnp.broadcast_to(wq[:, None], (d2, LANES)).reshape(
                d2 // 4, 4, LANES)

    return pl.pallas_call(
        body,
        grid=grid,
        in_specs=[
            pl.BlockSpec((2, blk, dp), lambda i: (0, i, 0)),
            pl.BlockSpec((blk, dp), lambda i: (i, 0)),
            pl.BlockSpec((blk, 1), lambda i: (i, 0)),
            pl.BlockSpec(bc2.shape, lambda i: (0, 0)),
            pl.BlockSpec(Wp.shape, lambda i: (0, 0)),
        ],
        out_specs=[
            pl.BlockSpec((blk, d2), lambda i: (i, 0)),
            pl.BlockSpec((d2 // 4, 4, LANES), lambda i: (0, 0, 0)),
        ],
        out_shape=[
            jax.ShapeDtypeStruct((n, d2), jnp.float32),
            jax.ShapeDtypeStruct((d2 // 4, 4, LANES), jnp.float32),
        ],
    )(parts, gs2, dinv, bc2, Wp)


def kernel(x, edge_index, edge_label_index, W1, b1, W2, b2,
           Wc1, bc1, Wc2, bc2, Wp, bp):
    n = x.shape[0]
    e = edge_index.shape[1]
    ew = e // NW
    k = 80
    c = ew // k
    n_pad = ((n + 16 * LANES - 1) // (16 * LANES)) * (16 * LANES)
    blk = 1000

    pack3 = (edge_index[0] * 16384 + edge_index[1]).reshape(NW, c, k)
    dst2 = edge_index[1].reshape(NW, ew)
    ke = 2048
    eg_real = e // 4
    eg = ((eg_real + ke - 1) // ke) * ke
    packl = jnp.pad(
        (edge_label_index[0] * 16384 + edge_label_index[1]).reshape(4, eg_real),
        ((0, 0), (0, eg - eg_real)))

    deg_parts = _sc_degree(dst2, n_pad)
    degT = deg_parts.reshape(NW, n_pad)[:, :n].T

    gs1, dinv = _tc1(x, degT, W1, b1.reshape(1, -1), W2, b2.reshape(1, -1),
                     Wc1, blk)
    p1 = _sc_scatter(gs1, pack3, n_pad)
    emb1, gs2 = _tc2(p1, gs1, dinv, Wc2, bc1.reshape(1, -1), blk)
    p2 = _sc_scatter(gs2, pack3, n_pad)
    emb2, wq3 = _tc3(p2, gs2, dinv, bc2.reshape(1, -1), Wp, blk)
    d2 = Wp.shape[0]
    bT = emb2.T.reshape(d2 // 4, 4, n)
    lparts = _sc_link2(bT, wq3, packl)
    lred = _tc4(lparts, bp.reshape(1, -1))
    logits = lred.reshape(4, eg)[:, :eg_real].reshape(e)
    return logits, emb1, emb2

# --- scband reference (transcript-rebuilt; emitter-appended) ---
"""Pipeline reference for scband-rolandlp-64862596104193 (READ-ONLY COPY).

The authoritative reference and input builder live on the scoring server;
editing this copy changes nothing except your own understanding.
"""

import jax, jax.numpy as jnp
import numpy as np


def gcn_conv(x, edge_index, W, b):
    # PyG GCNConv: add self-loops, symmetric normalization, linear transform, scatter-add, bias
    n = x.shape[0]
    h = x @ W
    loop = jnp.arange(n, dtype=edge_index.dtype)
    src = jnp.concatenate([edge_index[0], loop])
    dst = jnp.concatenate([edge_index[1], loop])
    deg = jnp.zeros((n,), dtype=h.dtype).at[dst].add(1.0)
    dinv = jnp.where(deg > 0, deg ** -0.5, 0.0)
    norm = dinv[src] * dinv[dst]
    out = jnp.zeros((n, W.shape[1]), dtype=h.dtype).at[dst].add(norm[:, None] * h[src])
    return out + b


def setup_inputs(seed: int = 0):
    key = jax.random.key(seed)
    ks = jax.random.split(key, 16)
    N, E, D = 10000, 320000, 128
    x = jax.random.normal(ks[0], (N, D), dtype=jnp.float32)
    edge_index = jax.random.randint(ks[1], (2, E), 0, N, dtype=jnp.int32)
    edge_label_index = jax.random.randint(ks[2], (2, E), 0, N, dtype=jnp.int32)
    def lin(k, fi, fo):
        return jax.random.normal(k, (fi, fo), dtype=jnp.float32) * (1.0 / np.sqrt(fi))
    W1 = lin(ks[3], D, 256); b1 = jnp.zeros((256,), dtype=jnp.float32)
    W2 = lin(ks[4], 256, 128); b2 = jnp.zeros((128,), dtype=jnp.float32)
    Wc1 = lin(ks[5], 128, 64); bc1 = jnp.zeros((64,), dtype=jnp.float32)
    Wc2 = lin(ks[6], 64, 32); bc2 = jnp.zeros((32,), dtype=jnp.float32)
    Wp = lin(ks[7], 32, 2); bp = jnp.zeros((2,), dtype=jnp.float32)
    return {"x": x, "edge_index": edge_index, "edge_label_index": edge_label_index,
            "W1": W1, "b1": b1, "W2": W2, "b2": b2,
            "Wc1": Wc1, "bc1": bc1, "Wc2": Wc2, "bc2": bc2,
            "Wp": Wp, "bp": bp}


def reference(x, edge_index, edge_label_index, W1, b1, W2, b2, Wc1, bc1, Wc2, bc2, Wp, bp):
    # isnap=0 path of ROLANDLP.forward (dropout=0.0 is identity)
    h = jax.nn.relu(x @ W1 + b1)
    h = jax.nn.relu(h @ W2 + b2)
    h = jax.nn.relu(gcn_conv(h, edge_index, Wc1, bc1))
    emb1 = h
    h = jax.nn.relu(gcn_conv(h, edge_index, Wc2, bc2))
    emb2 = h
    h_src = h[edge_label_index[0]]
    h_dst = h[edge_label_index[1]]
    h_hadamard = h_src * h_dst
    logits = jnp.sum(h_hadamard @ Wp + bp, axis=-1)
    return (logits, emb1, emb2)

if __name__ == "__main__":
    import jax
    _d = setup_inputs()
    print(jax.jit(kernel)(*tuple(_d.values())))

</pallas_src>

<mosaic_0001>
#map = affine_map<(d0, d1) -> (0, 0, 0)>
#map1 = affine_map<(d0, d1) -> (0, 0)>
#map2 = affine_map<(d0, d1) -> (0, 0, 0, 0)>
module attributes {stable_mosaic.version = 14 : i64} {
  func.func @link_kernel(%arg0: i32, %arg1: i32, %arg2: memref<8x4x10000xf32, #tpu.memory_space<hbm>>, %arg3: memref<8x4x16xf32, #tpu.memory_space<hbm>>, %arg4: memref<4x81920xi32, #tpu.memory_space<hbm>>, %arg5: memref<2x16x640x128xf32, #tpu.memory_space<hbm>>, %arg6: memref<4x10000xf32, #tpu.memory_space<vmem>>, %arg7: memref<4x16xf32, #tpu.memory_space<vmem>>, %arg8: memref<2048xi32, #tpu.memory_space<vmem>>, %arg9: memref<2048xi32, #tpu.memory_space<vmem>>, %arg10: memref<16x128xf32, #tpu.memory_space<vmem>>, %arg11: memref<16x128xf32, #tpu.memory_space<vmem>>, %arg12: memref<!tpu.dma_semaphore, #tpu.memory_space<semaphore_mem>>, %arg13: memref<!tpu.dma_semaphore, #tpu.memory_space<semaphore_mem>>, %arg14: memref<!tpu.dma_semaphore, #tpu.memory_space<semaphore_mem>>, %arg15: memref<!tpu.dma_semaphore, #tpu.memory_space<semaphore_mem>>) attributes {dimension_semantics = [#tpu.dimension_semantics<core_parallel>, #tpu.dimension_semantics<subcore_parallel>], iteration_bounds = array<i64: 2, 16>, scalar_prefetch = 0 : i64, scratch_operands = 10 : i64, tpu.core_type = #tpu.core_type<sc_vector_subcore>, window_params = [{transform_indices = #map}, {transform_indices = #map}, {transform_indices = #map1}, {transform_indices = #map2}]} {
    %shift_right_logical3A = arith.constant 3 : i32
    %shift_right_logical3A_0 = arith.shrui %arg1, %shift_right_logical3A : i32
    %and3A = arith.constant 7 : i32
    %and3A_1 = arith.andi %arg1, %and3A : i32
    %mul3A = arith.constant 2 : i32
    %mul3A_2 = arith.muli %arg0, %mul3A : i32
    %add3A = arith.addi %mul3A_2, %shift_right_logical3A_0 : i32
    "tpu.region"() ({
      %run_scoped3A = tpu.sem_alloc : memref<!tpu.dma_semaphore, #tpu.memory_space<semaphore_mem>>
      %dma_start3A_63 = arith.constant 0 : i32
      %dma_start3A_64 = arith.constant 0 : i32
      %dma_start3A_65 = tpu.memref_slice %arg2[%and3A_1, %dma_start3A_63, %dma_start3A_64] : memref<8x4x10000xf32, #tpu.memory_space<hbm>> -> memref<1x4x10000xf32, #tpu.memory_space<hbm>>
      %dma_start3A_66 = tpu.memref_squeeze %dma_start3A_65 : memref<1x4x10000xf32, #tpu.memory_space<hbm>> -> memref<4x10000xf32, #tpu.memory_space<hbm>>
      %dma_start3A_67 = arith.constant 0 : i32
      %dma_start3A_68 = arith.constant 0 : i32
      %dma_start3A_69 = tpu.memref_slice %arg2[%and3A_1, %dma_start3A_67, %dma_start3A_68] : memref<8x4x10000xf32, #tpu.memory_space<hbm>> -> memref<1x4x10000xf32, #tpu.memory_space<hbm>>
      %dma_start3A_70 = tpu.memref_squeeze %dma_start3A_69 : memref<1x4x10000xf32, #tpu.memory_space<hbm>> -> memref<4x10000xf32, #tpu.memory_space<hbm>>
      tpu.enqueue_dma source(%dma_start3A_70 : memref<4x10000xf32, #tpu.memory_space<hbm>>) target(%arg6 : memref<4x10000xf32, #tpu.memory_space<vmem>>) target_semaphore(%run_scoped3A : memref<!tpu.dma_semaphore, #tpu.memory_space<semaphore_mem>>)
      %dma_wait3A_71 = arith.constant 0 : i32
      %dma_wait3A_72 = arith.constant 0 : i32
      %dma_wait3A_73 = tpu.memref_slice %arg2[%and3A_1, %dma_wait3A_71, %dma_wait3A_72] : memref<8x4x10000xf32, #tpu.memory_space<hbm>> -> memref<1x4x10000xf32, #tpu.memory_space<hbm>>
      %dma_wait3A_74 = tpu.memref_squeeze %dma_wait3A_73 : memref<1x4x10000xf32, #tpu.memory_space<hbm>> -> memref<4x10000xf32, #tpu.memory_space<hbm>>
      %dma_wait3A_75 = arith.constant 0 : i32
      %dma_wait3A_76 = arith.constant 0 : i32
      %dma_wait3A_77 = tpu.memref_slice %arg2[%and3A_1, %dma_wait3A_75, %dma_wait3A_76] : memref<8x4x10000xf32, #tpu.memory_space<hbm>> -> memref<1x4x10000xf32, #tpu.memory_space<hbm>>
      %dma_wait3A_78 = tpu.memref_squeeze %dma_wait3A_77 : memref<1x4x10000xf32, #tpu.memory_space<hbm>> -> memref<4x10000xf32, #tpu.memory_space<hbm>>
      tpu.wait_dma2 semaphore(%run_scoped3A : memref<!tpu.dma_semaphore, #tpu.memory_space<semaphore_mem>>) src(%dma_wait3A_78 : memref<4x10000xf32, #tpu.memory_space<hbm>>) dst(%arg6 : memref<4x10000xf32, #tpu.memory_space<vmem>>)
      tpu.yield
    }) : () -> ()
    "tpu.region"() ({
      %run_scoped3A = tpu.sem_alloc : memref<!tpu.dma_semaphore, #tpu.memory_space<semaphore_mem>>
      %dma_start3A_63 = arith.constant 0 : i32
      %dma_start3A_64 = arith.constant 0 : i32
      %dma_start3A_65 = tpu.memref_slice %arg3[%and3A_1, %dma_start3A_63, %dma_start3A_64] : memref<8x4x16xf32, #tpu.memory_space<hbm>> -> memref<1x4x16xf32, #tpu.memory_space<hbm>>
      %dma_start3A_66 = tpu.memref_squeeze %dma_start3A_65 : memref<1x4x16xf32, #tpu.memory_space<hbm>> -> memref<4x16xf32, #tpu.memory_space<hbm>>
      %dma_start3A_67 = arith.constant 0 : i32
      %dma_start3A_68 = arith.constant 0 : i32
      %dma_start3A_69 = tpu.memref_slice %arg3[%and3A_1, %dma_start3A_67, %dma_start3A_68] : memref<8x4x16xf32, #tpu.memory_space<hbm>> -> memref<1x4x16xf32, #tpu.memory_space<hbm>>
      %dma_start3A_70 = tpu.memref_squeeze %dma_start3A_69 : memref<1x4x16xf32, #tpu.memory_space<hbm>> -> memref<4x16xf32, #tpu.memory_space<hbm>>
      tpu.enqueue_dma source(%dma_start3A_70 : memref<4x16xf32, #tpu.memory_space<hbm>>) target(%arg7 : memref<4x16xf32, #tpu.memory_space<vmem>>) target_semaphore(%run_scoped3A : memref<!tpu.dma_semaphore, #tpu.memory_space<semaphore_mem>>)
      %dma_wait3A_71 = arith.constant 0 : i32
      %dma_wait3A_72 = arith.constant 0 : i32
      %dma_wait3A_73 = tpu.memref_slice %arg3[%and3A_1, %dma_wait3A_71, %dma_wait3A_72] : memref<8x4x16xf32, #tpu.memory_space<hbm>> -> memref<1x4x16xf32, #tpu.memory_space<hbm>>
      %dma_wait3A_74 = tpu.memref_squeeze %dma_wait3A_73 : memref<1x4x16xf32, #tpu.memory_space<hbm>> -> memref<4x16xf32, #tpu.memory_space<hbm>>
      %dma_wait3A_75 = arith.constant 0 : i32
      %dma_wait3A_76 = arith.constant 0 : i32
      %dma_wait3A_77 = tpu.memref_slice %arg3[%and3A_1, %dma_wait3A_75, %dma_wait3A_76] : memref<8x4x16xf32, #tpu.memory_space<hbm>> -> memref<1x4x16xf32, #tpu.memory_space<hbm>>
      %dma_wait3A_78 = tpu.memref_squeeze %dma_wait3A_77 : memref<1x4x16xf32, #tpu.memory_space<hbm>> -> memref<4x16xf32, #tpu.memory_space<hbm>>
      tpu.wait_dma2 semaphore(%run_scoped3A : memref<!tpu.dma_semaphore, #tpu.memory_space<semaphore_mem>>) src(%dma_wait3A_78 : memref<4x16xf32, #tpu.memory_space<hbm>>) dst(%arg7 : memref<4x16xf32, #tpu.memory_space<vmem>>)
      tpu.yield
    }) : () -> ()
    %dma_start3A = arith.constant 0 : i32
    %dma_start3A_3 = tpu.memref_slice %arg4[%add3A, %dma_start3A] : memref<4x81920xi32, #tpu.memory_space<hbm>> -> memref<1x81920xi32, #tpu.memory_space<hbm>>
    %dma_start3A_4 = tpu.memref_squeeze %dma_start3A_3 : memref<1x81920xi32, #tpu.memory_space<hbm>> -> memref<81920xi32, #tpu.memory_space<hbm>>
    %dma_start3A_5 = arith.constant 0 : i32
    %dma_start3A_6 = tpu.memref_slice %dma_start3A_4[%dma_start3A_5] : memref<81920xi32, #tpu.memory_space<hbm>> -> memref<2048xi32, #tpu.memory_space<hbm>>
    %dma_start3A_7 = arith.constant 0 : i32
    %dma_start3A_8 = tpu.memref_slice %arg4[%add3A, %dma_start3A_7] : memref<4x81920xi32, #tpu.memory_space<hbm>> -> memref<1x81920xi32, #tpu.memory_space<hbm>>
    %dma_start3A_9 = tpu.memref_squeeze %dma_start3A_8 : memref<1x81920xi32, #tpu.memory_space<hbm>> -> memref<81920xi32, #tpu.memory_space<hbm>>
    %dma_start3A_10 = arith.constant 0 : i32
    %dma_start3A_11 = tpu.memref_slice %dma_start3A_9[%dma_start3A_10] : memref<81920xi32, #tpu.memory_space<hbm>> -> memref<2048xi32, #tpu.memory_space<hbm>>
    tpu.enqueue_dma source(%dma_start3A_11 : memref<2048xi32, #tpu.memory_space<hbm>>) target(%arg8 : memref<2048xi32, #tpu.memory_space<vmem>>) target_semaphore(%arg12 : memref<!tpu.dma_semaphore, #tpu.memory_space<semaphore_mem>>)
    %scan3A = arith.constant 0 : i32
    %scan3A_12 = arith.constant 20 : i32
    %scan3A_13 = arith.addi %scan3A, %scan3A_12 : i32
    %scan3A_14 = arith.constant 1 : i32
    scf.for %scan3A_63 = %scan3A to %scan3A_13 step %scan3A_14  : i32 {
      %mul3A_64 = arith.constant 2 : i32
      %mul3A_65 = arith.muli %scan3A_63, %mul3A_64 : i32
      %add3A_66 = arith.constant 0 : i32
      %add3A_67 = arith.addi %add3A_66, %mul3A_65 : i32
      %dma_wait3A_68 = arith.constant 0 : i32
      %dma_wait3A_69 = tpu.memref_slice %arg4[%add3A, %dma_wait3A_68] : memref<4x81920xi32, #tpu.memory_space<hbm>> -> memref<1x81920xi32, #tpu.memory_space<hbm>>
      %dma_wait3A_70 = tpu.memref_squeeze %dma_wait3A_69 : memref<1x81920xi32, #tpu.memory_space<hbm>> -> memref<81920xi32, #tpu.memory_space<hbm>>
      %dma_wait3A_71 = arith.constant 0 : i32
      %dma_wait3A_72 = tpu.memref_slice %dma_wait3A_70[%dma_wait3A_71] : memref<81920xi32, #tpu.memory_space<hbm>> -> memref<2048xi32, #tpu.memory_space<hbm>>
      %dma_wait3A_73 = arith.constant 0 : i32
      %dma_wait3A_74 = tpu.memref_slice %arg4[%add3A, %dma_wait3A_73] : memref<4x81920xi32, #tpu.memory_space<hbm>> -> memref<1x81920xi32, #tpu.memory_space<hbm>>
      %dma_wait3A_75 = tpu.memref_squeeze %dma_wait3A_74 : memref<1x81920xi32, #tpu.memory_space<hbm>> -> memref<81920xi32, #tpu.memory_space<hbm>>
      %dma_wait3A_76 = arith.constant 0 : i32
      %dma_wait3A_77 = tpu.memref_slice %dma_wait3A_75[%dma_wait3A_76] : memref<81920xi32, #tpu.memory_space<hbm>> -> memref<2048xi32, #tpu.memory_space<hbm>>
      tpu.wait_dma2 semaphore(%arg12 : memref<!tpu.dma_semaphore, #tpu.memory_space<semaphore_mem>>) src(%dma_wait3A_77 : memref<2048xi32, #tpu.memory_space<hbm>>) dst(%arg8 : memref<2048xi32, #tpu.memory_space<vmem>>)
      %add3A_78 = arith.constant 1 : i32
      %add3A_79 = arith.addi %add3A_67, %add3A_78 : i32
      %lt3A = arith.constant 40 : i32
      %lt3A_80 = arith.cmpi slt, %add3A_79, %lt3A : i32
      %convert_element_type3A = arith.extui %lt3A_80 : i1 to i32
      %cond3A = arith.constant 0 : i32
      %cond3A_81 = arith.cmpi ne, %convert_element_type3A, %cond3A : i32
      scf.if %cond3A_81 {
        %add3A_123 = arith.constant 1 : i32
        %add3A_124 = arith.addi %add3A_67, %add3A_123 : i32
        %mul3A_125 = arith.constant 2048 : i32
        %mul3A_126 = arith.muli %add3A_124, %mul3A_125 : i32
        %dma_start3A_127 = arith.constant 0 : i32
        %dma_start3A_128 = tpu.memref_slice %arg4[%add3A, %dma_start3A_127] : memref<4x81920xi32, #tpu.memory_space<hbm>> -> memref<1x81920xi32, #tpu.memory_space<hbm>>
        %dma_start3A_129 = tpu.memref_squeeze %dma_start3A_128 : memref<1x81920xi32, #tpu.memory_space<hbm>> -> memref<81920xi32, #tpu.memory_space<hbm>>
        %dma_start3A_130 = tpu.memref_slice %dma_start3A_129[%mul3A_126] : memref<81920xi32, #tpu.memory_space<hbm>> -> memref<2048xi32, #tpu.memory_space<hbm>>
        %dma_start3A_131 = arith.constant 0 : i32
        %dma_start3A_132 = tpu.memref_slice %arg4[%add3A, %dma_start3A_131] : memref<4x81920xi32, #tpu.memory_space<hbm>> -> memref<1x81920xi32, #tpu.memory_space<hbm>>
        %dma_start3A_133 = tpu.memref_squeeze %dma_start3A_132 : memref<1x81920xi32, #tpu.memory_space<hbm>> -> memref<81920xi32, #tpu.memory_space<hbm>>
        %dma_start3A_134 = tpu.memref_slice %dma_start3A_133[%mul3A_126] : memref<81920xi32, #tpu.memory_space<hbm>> -> memref<2048xi32, #tpu.memory_space<hbm>>
        tpu.enqueue_dma source(%dma_start3A_134 : memref<2048xi32, #tpu.memory_space<hbm>>) target(%arg9 : memref<2048xi32, #tpu.memory_space<vmem>>) target_semaphore(%arg13 : memref<!tpu.dma_semaphore, #tpu.memory_space<semaphore_mem>>)
      } else {
      }
      %eq3A = arith.constant 0 : i32
      %eq3A_82 = arith.cmpi eq, %add3A_67, %eq3A : i32
      %not3A = arith.constant true
      %not3A_83 = arith.xori %eq3A_82, %not3A : i1
      %convert_element_type3A_84 = arith.extui %not3A_83 : i1 to i32
      %cond3A_85 = arith.constant 0 : i32
      %cond3A_86 = arith.cmpi ne, %convert_element_type3A_84, %cond3A_85 : i32
      scf.if %cond3A_86 {
        %dma_wait3A_123 = arith.constant 0 : i32
        %dma_wait3A_124 = arith.constant 0 : i32
        %dma_wait3A_125 = arith.constant 0 : i32
        %dma_wait3A_126 = tpu.memref_slice %arg5[%arg0, %dma_wait3A_123, %dma_wait3A_124, %dma_wait3A_125] : memref<2x16x640x128xf32, #tpu.memory_space<hbm>> -> memref<1x16x640x128xf32, #tpu.memory_space<hbm>>
        %dma_wait3A_127 = tpu.memref_squeeze %dma_wait3A_126 : memref<1x16x640x128xf32, #tpu.memory_space<hbm>> -> memref<16x640x128xf32, #tpu.memory_space<hbm>>
        %dma_wait3A_128 = arith.constant 0 : i32
        %dma_wait3A_129 = arith.constant 0 : i32
        %dma_wait3A_130 = tpu.memref_slice %dma_wait3A_127[%arg1, %dma_wait3A_128, %dma_wait3A_129] : memref<16x640x128xf32, #tpu.memory_space<hbm>> -> memref<1x640x128xf32, #tpu.memory_space<hbm>>
        %dma_wait3A_131 = tpu.memref_squeeze %dma_wait3A_130 : memref<1x640x128xf32, #tpu.memory_space<hbm>> -> memref<640x128xf32, #tpu.memory_space<hbm>>
        %dma_wait3A_132 = arith.constant 0 : i32
        %dma_wait3A_133 = arith.constant 0 : i32
        %dma_wait3A_134 = tpu.memref_slice %dma_wait3A_131[%dma_wait3A_132, %dma_wait3A_133] : memref<640x128xf32, #tpu.memory_space<hbm>> -> memref<16x128xf32, #tpu.memory_space<hbm>>
        %dma_wait3A_135 = arith.constant 0 : i32
        %dma_wait3A_136 = arith.constant 0 : i32
        %dma_wait3A_137 = arith.constant 0 : i32
        %dma_wait3A_138 = tpu.memref_slice %arg5[%arg0, %dma_wait3A_135, %dma_wait3A_136, %dma_wait3A_137] : memref<2x16x640x128xf32, #tpu.memory_space<hbm>> -> memref<1x16x640x128xf32, #tpu.memory_space<hbm>>
        %dma_wait3A_139 = tpu.memref_squeeze %dma_wait3A_138 : memref<1x16x640x128xf32, #tpu.memory_space<hbm>> -> memref<16x640x128xf32, #tpu.memory_space<hbm>>
        %dma_wait3A_140 = arith.constant 0 : i32
        %dma_wait3A_141 = arith.constant 0 : i32
        %dma_wait3A_142 = tpu.memref_slice %dma_wait3A_139[%arg1, %dma_wait3A_140, %dma_wait3A_141] : memref<16x640x128xf32, #tpu.memory_space<hbm>> -> memref<1x640x128xf32, #tpu.memory_space<hbm>>
        %dma_wait3A_143 = tpu.memref_squeeze %dma_wait3A_142 : memref<1x640x128xf32, #tpu.memory_space<hbm>> -> memref<640x128xf32, #tpu.memory_space<hbm>>
        %dma_wait3A_144 = arith.constant 0 : i32
        %dma_wait3A_145 = arith.constant 0 : i32
        %dma_wait3A_146 = tpu.memref_slice %dma_wait3A_143[%dma_wait3A_144, %dma_wait3A_145] : memref<640x128xf32, #tpu.memory_space<hbm>> -> memref<16x128xf32, #tpu.memory_space<hbm>>
        tpu.wait_dma2 semaphore(%arg14 : memref<!tpu.dma_semaphore, #tpu.memory_space<semaphore_mem>>) src(%arg10 : memref<16x128xf32, #tpu.memory_space<vmem>>) dst(%dma_wait3A_146 : memref<16x128xf32, #tpu.memory_space<hbm>>)
      } else {
      }
      %scan3A_87 = arith.constant 0 : i32
      %scan3A_88 = arith.constant 128 : i32
      %scan3A_89 = arith.addi %scan3A_87, %scan3A_88 : i32
      %scan3A_90 = arith.constant 1 : i32
      scf.for %scan3A_123 = %scan3A_87 to %scan3A_89 step %scan3A_90  : i32 {
        %mul3A_124 = arith.constant 16 : i32
        %mul3A_125 = arith.muli %scan3A_123, %mul3A_124 : i32
        %add3A_126 = arith.constant 0 : i32
        %add3A_127 = arith.addi %add3A_126, %mul3A_125 : i32
        %get3A = arith.index_cast %add3A_127 : i32 to index
        %get3A_128 = tpu.vector_load %arg8[%get3A] {strides = array<i32>} : memref<2048xi32, #tpu.memory_space<vmem>>, vector<16xi32>,
        %shift_right_logical3A_129 = arith.constant 14 : i32
        %shift_right_logical3A_130 = vector.broadcast %shift_right_logical3A_129 : i32 to vector<16xi32>
        %shift_right_logical3A_131 = arith.shrui %get3A_128, %shift_right_logical3A_130 : vector<16xi32>
        %and3A_132 = arith.constant 16383 : i32
        %and3A_133 = vector.broadcast %and3A_132 : i32 to vector<16xi32>
        %and3A_134 = arith.andi %get3A_128, %and3A_133 : vector<16xi32>
        %broadcast_in_dim3A = arith.constant 0.000000e+00 : f32
        %broadcast_in_dim3A_135 = vector.broadcast %broadcast_in_dim3A : f32 to vector<16xf32>
        %broadcast_in_dim3A_136 = arith.constant 0 : i32
        %broadcast_in_dim3A_137 = vector.broadcast %broadcast_in_dim3A_136 : i32 to vector<16xi32>
        %gather3A = tpu.vector_load_idx %arg6[%broadcast_in_dim3A_137, %shift_right_logical3A_131] : memref<4x10000xf32, #tpu.memory_space<vmem>>[vector<16xi32>, vector<16xi32>], vector<16xf32>,
        %gather3A_138 = tpu.vector_load_idx %arg6[%broadcast_in_dim3A_137, %and3A_134] : memref<4x10000xf32, #tpu.memory_space<vmem>>[vector<16xi32>, vector<16xi32>], vector<16xf32>,
        %mul3A_139 = arith.mulf %gather3A, %gather3A_138 : vector<16xf32>
        %bitcast3A = vector.bitcast %mul3A_139 : vector<16xf32> to vector<16xi32>
        %shift_right_logical3A_140 = arith.constant 16 : i32
        %shift_right_logical3A_141 = vector.broadcast %shift_right_logical3A_140 : i32 to vector<16xi32>
        %shift_right_logical3A_142 = arith.shrui %bitcast3A, %shift_right_logical3A_141 : vector<16xi32>
        %and3A_143 = arith.constant 1 : i32
        %and3A_144 = vector.broadcast %and3A_143 : i32 to vector<16xi32>
        %and3A_145 = arith.andi %shift_right_logical3A_142, %and3A_144 : vector<16xi32>
        %add3A_146 = arith.constant 32767 : i32
        %add3A_147 = vector.broadcast %add3A_146 : i32 to vector<16xi32>
        %add3A_148 = arith.addi %bitcast3A, %add3A_147 : vector<16xi32>
        %add3A_149 = arith.addi %add3A_148, %and3A_145 : vector<16xi32>
        %and3A_150 = arith.constant -65536 : i32
        %and3A_151 = vector.broadcast %and3A_150 : i32 to vector<16xi32>
        %and3A_152 = arith.andi %add3A_149, %and3A_151 : vector<16xi32>
        %bitcast3A_153 = vector.bitcast %and3A_152 : vector<16xi32> to vector<16xf32>
        %get3A_154 = arith.constant 0 : i32
        %get3A_155 = arith.index_cast %get3A_154 : i32 to index
        %get3A_156 = arith.constant 0 : index
        %get3A_157 = tpu.vector_load %arg7[%get3A_155, %get3A_156] {strides = array<i32>} : memref<4x16xf32, #tpu.memory_space<vmem>>, vector<16xf32>,
        %mul3A_158 = arith.mulf %bitcast3A_153, %get3A_157 : vector<16xf32>
        %add3A_159 = arith.addf %broadcast_in_dim3A_135, %mul3A_158 : vector<16xf32>
        %broadcast_in_dim3A_160 = arith.constant 1 : i32
        %broadcast_in_dim3A_161 = vector.broadcast %broadcast_in_dim3A_160 : i32 to vector<16xi32>
        %gather3A_162 = tpu.vector_load_idx %arg6[%broadcast_in_dim3A_161, %shift_right_logical3A_131] : memref<4x10000xf32, #tpu.memory_space<vmem>>[vector<16xi32>, vector<16xi32>], vector<16xf32>,
        %gather3A_163 = tpu.vector_load_idx %arg6[%broadcast_in_dim3A_161, %and3A_134] : memref<4x10000xf32, #tpu.memory_space<vmem>>[vector<16xi32>, vector<16xi32>], vector<16xf32>,
        %mul3A_164 = arith.mulf %gather3A_162, %gather3A_163 : vector<16xf32>
        %bitcast3A_165 = vector.bitcast %mul3A_164 : vector<16xf32> to vector<16xi32>
        %shift_right_logical3A_166 = arith.constant 16 : i32
        %shift_right_logical3A_167 = vector.broadcast %shift_right_logical3A_166 : i32 to vector<16xi32>
        %shift_right_logical3A_168 = arith.shrui %bitcast3A_165, %shift_right_logical3A_167 : vector<16xi32>
        %and3A_169 = arith.constant 1 : i32
        %and3A_170 = vector.broadcast %and3A_169 : i32 to vector<16xi32>
        %and3A_171 = arith.andi %shift_right_logical3A_168, %and3A_170 : vector<16xi32>
        %add3A_172 = arith.constant 32767 : i32
        %add3A_173 = vector.broadcast %add3A_172 : i32 to vector<16xi32>
        %add3A_174 = arith.addi %bitcast3A_165, %add3A_173 : vector<16xi32>
        %add3A_175 = arith.addi %add3A_174, %and3A_171 : vector<16xi32>
        %and3A_176 = arith.constant -65536 : i32
        %and3A_177 = vector.broadcast %and3A_176 : i32 to vector<16xi32>
        %and3A_178 = arith.andi %add3A_175, %and3A_177 : vector<16xi32>
        %bitcast3A_179 = vector.bitcast %and3A_178 : vector<16xi32> to vector<16xf32>
        %get3A_180 = arith.constant 1 : i32
        %get3A_181 = arith.index_cast %get3A_180 : i32 to index
        %get3A_182 = arith.constant 0 : index
        %get3A_183 = tpu.vector_load %arg7[%get3A_181, %get3A_182] {strides = array<i32>} : memref<4x16xf32, #tpu.memory_space<vmem>>, vector<16xf32>,
        %mul3A_184 = arith.mulf %bitcast3A_179, %get3A_183 : vector<16xf32>
        %add3A_185 = arith.addf %add3A_159, %mul3A_184 : vector<16xf32>
        %broadcast_in_dim3A_186 = arith.constant 2 : i32
        %broadcast_in_dim3A_187 = vector.broadcast %broadcast_in_dim3A_186 : i32 to vector<16xi32>
        %gather3A_188 = tpu.vector_load_idx %arg6[%broadcast_in_dim3A_187, %shift_right_logical3A_131] : memref<4x10000xf32, #tpu.memory_space<vmem>>[vector<16xi32>, vector<16xi32>], vector<16xf32>,
        %gather3A_189 = tpu.vector_load_idx %arg6[%broadcast_in_dim3A_187, %and3A_134] : memref<4x10000xf32, #tpu.memory_space<vmem>>[vector<16xi32>, vector<16xi32>], vector<16xf32>,
        %mul3A_190 = arith.mulf %gather3A_188, %gather3A_189 : vector<16xf32>
        %bitcast3A_191 = vector.bitcast %mul3A_190 : vector<16xf32> to vector<16xi32>
        %shift_right_logical3A_192 = arith.constant 16 : i32
        %shift_right_logical3A_193 = vector.broadcast %shift_right_logical3A_192 : i32 to vector<16xi32>
        %shift_right_logical3A_194 = arith.shrui %bitcast3A_191, %shift_right_logical3A_193 : vector<16xi32>
        %and3A_195 = arith.constant 1 : i32
        %and3A_196 = vector.broadcast %and3A_195 : i32 to vector<16xi32>
        %and3A_197 = arith.andi %shift_right_logical3A_194, %and3A_196 : vector<16xi32>
        %add3A_198 = arith.constant 32767 : i32
        %add3A_199 = vector.broadcast %add3A_198 : i32 to vector<16xi32>
        %add3A_200 = arith.addi %bitcast3A_191, %add3A_199 : vector<16xi32>
        %add3A_201 = arith.addi %add3A_200, %and3A_197 : vector<16xi32>
        %and3A_202 = arith.constant -65536 : i32
        %and3A_203 = vector.broadcast %and3A_202 : i32 to vector<16xi32>
        %and3A_204 = arith.andi %add3A_201, %and3A_203 : vector<16xi32>
        %bitcast3A_205 = vector.bitcast %and3A_204 : vector<16xi32> to vector<16xf32>
        %get3A_206 = arith.constant 2 : i32
        %get3A_207 = arith.index_cast %get3A_206 : i32 to index
        %get3A_208 = arith.constant 0 : index
        %get3A_209 = tpu.vector_load %arg7[%get3A_207, %get3A_208] {strides = array<i32>} : memref<4x16xf32, #tpu.memory_space<vmem>>, vector<16xf32>,
        %mul3A_210 = arith.mulf %bitcast3A_205, %get3A_209 : vector<16xf32>
        %add3A_211 = arith.addf %add3A_185, %mul3A_210 : vector<16xf32>
        %broadcast_in_dim3A_212 = arith.constant 3 : i32
        %broadcast_in_dim3A_213 = vector.broadcast %broadcast_in_dim3A_212 : i32 to vector<16xi32>
        %gather3A_214 = tpu.vector_load_idx %arg6[%broadcast_in_dim3A_213, %shift_right_logical3A_131] : memref<4x10000xf32, #tpu.memory_space<vmem>>[vector<16xi32>, vector<16xi32>], vector<16xf32>,
        %gather3A_215 = tpu.vector_load_idx %arg6[%broadcast_in_dim3A_213, %and3A_134] : memref<4x10000xf32, #tpu.memory_space<vmem>>[vector<16xi32>, vector<16xi32>], vector<16xf32>,
        %mul3A_216 = arith.mulf %gather3A_214, %gather3A_215 : vector<16xf32>
        %bitcast3A_217 = vector.bitcast %mul3A_216 : vector<16xf32> to vector<16xi32>
        %shift_right_logical3A_218 = arith.constant 16 : i32
        %shift_right_logical3A_219 = vector.broadcast %shift_right_logical3A_218 : i32 to vector<16xi32>
        %shift_right_logical3A_220 = arith.shrui %bitcast3A_217, %shift_right_logical3A_219 : vector<16xi32>
        %and3A_221 = arith.constant 1 : i32
        %and3A_222 = vector.broadcast %and3A_221 : i32 to vector<16xi32>
        %and3A_223 = arith.andi %shift_right_logical3A_220, %and3A_222 : vector<16xi32>
        %add3A_224 = arith.constant 32767 : i32
        %add3A_225 = vector.broadcast %add3A_224 : i32 to vector<16xi32>
        %add3A_226 = arith.addi %bitcast3A_217, %add3A_225 : vector<16xi32>
        %add3A_227 = arith.addi %add3A_226, %and3A_223 : vector<16xi32>
        %and3A_228 = arith.constant -65536 : i32
        %and3A_229 = vector.broadcast %and3A_228 : i32 to vector<16xi32>
        %and3A_230 = arith.andi %add3A_227, %and3A_229 : vector<16xi32>
        %bitcast3A_231 = vector.bitcast %and3A_230 : vector<16xi32> to vector<16xf32>
        %get3A_232 = arith.constant 3 : i32
        %get3A_233 = arith.index_cast %get3A_232 : i32 to index
        %get3A_234 = arith.constant 0 : index
        %get3A_235 = tpu.vector_load %arg7[%get3A_233, %get3A_234] {strides = array<i32>} : memref<4x16xf32, #tpu.memory_space<vmem>>, vector<16xf32>,
        %mul3A_236 = arith.mulf %bitcast3A_231, %get3A_235 : vector<16xf32>
        %add3A_237 = arith.addf %add3A_211, %mul3A_236 : vector<16xf32>
        %div3A = arith.constant 128 : i32
        %div3A_238 = arith.divsi %add3A_127, %div3A : i32
        %rem3A = arith.constant 128 : i32
        %rem3A_239 = arith.remsi %add3A_127, %rem3A : i32
        %swap3A = arith.index_cast %div3A_238 : i32 to index
        %swap3A_240 = arith.index_cast %rem3A_239 : i32 to index
        %swap3A_241 = tpu.vector_load %arg10[%swap3A, %swap3A_240] {strides = array<i32>} : memref<16x128xf32, #tpu.memory_space<vmem>>, vector<16xf32>,
        tpu.vector_store %arg10[%swap3A, %swap3A_240], %add3A_237 {strides = array<i32>} : memref<16x128xf32, #tpu.memory_space<vmem>>, vector<16xf32>,
      }
      %scan3A_91 = arith.constant 128 : i32
      %mul3A_92 = arith.constant 16 : i32
      %mul3A_93 = arith.muli %add3A_67, %mul3A_92 : i32
      %dma_start3A_94 = arith.constant 0 : i32
      %dma_start3A_95 = arith.constant 0 : i32
      %dma_start3A_96 = arith.constant 0 : i32
      %dma_start3A_97 = tpu.memref_slice %arg5[%arg0, %dma_start3A_94, %dma_start3A_95, %dma_start3A_96] : memref<2x16x640x128xf32, #tpu.memory_space<hbm>> -> memref<1x16x640x128xf32, #tpu.memory_space<hbm>>
      %dma_start3A_98 = tpu.memref_squeeze %dma_start3A_97 : memref<1x16x640x128xf32, #tpu.memory_space<hbm>> -> memref<16x640x128xf32, #tpu.memory_space<hbm>>
      %dma_start3A_99 = arith.constant 0 : i32
      %dma_start3A_100 = arith.constant 0 : i32
      %dma_start3A_101 = tpu.memref_slice %dma_start3A_98[%arg1, %dma_start3A_99, %dma_start3A_100] : memref<16x640x128xf32, #tpu.memory_space<hbm>> -> memref<1x640x128xf32, #tpu.memory_space<hbm>>
      %dma_start3A_102 = tpu.memref_squeeze %dma_start3A_101 : memref<1x640x128xf32, #tpu.memory_space<hbm>> -> memref<640x128xf32, #tpu.memory_space<hbm>>
      %dma_start3A_103 = arith.constant 0 : i32
      %dma_start3A_104 = tpu.memref_slice %dma_start3A_102[%mul3A_93, %dma_start3A_103] : memref<640x128xf32, #tpu.memory_space<hbm>> -> memref<16x128xf32, #tpu.memory_space<hbm>>
      %dma_start3A_105 = arith.constant 0 : i32
      %dma_start3A_106 = arith.constant 0 : i32
      %dma_start3A_107 = arith.constant 0 : i32
      %dma_start3A_108 = tpu.memref_slice %arg5[%arg0, %dma_start3A_105, %dma_start3A_106, %dma_start3A_107] : memref<2x16x640x128xf32, #tpu.memory_space<hbm>> -> memref<1x16x640x128xf32, #tpu.memory_space<hbm>>
      %dma_start3A_109 = tpu.memref_squeeze %dma_start3A_108 : memref<1x16x640x128xf32, #tpu.memory_space<hbm>> -> memref<16x640x128xf32, #tpu.memory_space<hbm>>
      %dma_start3A_110 = arith.constant 0 : i32
      %dma_start3A_111 = arith.constant 0 : i32
      %dma_start3A_112 = tpu.memref_slice %dma_start3A_109[%arg1, %dma_start3A_110, %dma_start3A_111] : memref<16x640x128xf32, #tpu.memory_space<hbm>> -> memref<1x640x128xf32, #tpu.memory_space<hbm>>
      %dma_start3A_113 = tpu.memref_squeeze %dma_start3A_112 : memref<1x640x128xf32, #tpu.memory_space<hbm>> -> memref<640x128xf32, #tpu.memory_space<hbm>>
      %dma_start3A_114 = arith.constant 0 : i32
      %dma_start3A_115 = tpu.memref_slice %dma_start3A_113[%mul3A_93, %dma_start3A_114] : memref<640x128xf32, #tpu.memory_space<hbm>> -> memref<16x128xf32, #tpu.memory_space<hbm>>
      tpu.enqueue_dma source(%arg10 : memref<16x128xf32, #tpu.memory_space<vmem>>) target(%dma_start3A_115 : memref<16x128xf32, #tpu.memory_space<hbm>>) target_semaphore(%arg14 : memref<!tpu.dma_semaphore, #tpu.memory_space<semaphore_mem>>)
      %add3A_116 = arith.constant 1 : i32
      %add3A_117 = arith.addi %add3A_67, %add3A_116 : i32
      %lt3A_118 = arith.constant 40 : i32
      %lt3A_119 = arith.cmpi slt, %add3A_117, %lt3A_118 : i32
      %convert_element_type3A_120 = arith.extui %lt3A_119 : i1 to i32
      %cond3A_121 = arith.constant 0 : i32
      %cond3A_122 = arith.cmpi ne, %convert_element_type3A_120, %cond3A_121 : i32
      scf.if %cond3A_122 {
        %dma_wait3A_123 = arith.constant 0 : i32
        %dma_wait3A_124 = tpu.memref_slice %arg4[%add3A, %dma_wait3A_123] : memref<4x81920xi32, #tpu.memory_space<hbm>> -> memref<1x81920xi32, #tpu.memory_space<hbm>>
        %dma_wait3A_125 = tpu.memref_squeeze %dma_wait3A_124 : memref<1x81920xi32, #tpu.memory_space<hbm>> -> memref<81920xi32, #tpu.memory_space<hbm>>
        %dma_wait3A_126 = arith.constant 0 : i32
        %dma_wait3A_127 = tpu.memref_slice %dma_wait3A_125[%dma_wait3A_126] : memref<81920xi32, #tpu.memory_space<hbm>> -> memref<2048xi32, #tpu.memory_space<hbm>>
        %dma_wait3A_128 = arith.constant 0 : i32
        %dma_wait3A_129 = tpu.memref_slice %arg4[%add3A, %dma_wait3A_128] : memref<4x81920xi32, #tpu.memory_space<hbm>> -> memref<1x81920xi32, #tpu.memory_space<hbm>>
        %dma_wait3A_130 = tpu.memref_squeeze %dma_wait3A_129 : memref<1x81920xi32, #tpu.memory_space<hbm>> -> memref<81920xi32, #tpu.memory_space<hbm>>
        %dma_wait3A_131 = arith.constant 0 : i32
        %dma_wait3A_132 = tpu.memref_slice %dma_wait3A_130[%dma_wait3A_131] : memref<81920xi32, #tpu.memory_space<hbm>> -> memref<2048xi32, #tpu.memory_space<hbm>>
        tpu.wait_dma2 semaphore(%arg13 : memref<!tpu.dma_semaphore, #tpu.memory_space<semaphore_mem>>) src(%dma_wait3A_132 : memref<2048xi32, #tpu.memory_space<hbm>>) dst(%arg9 : memref<2048xi32, #tpu.memory_space<vmem>>)
        %add3A_133 = arith.constant 2 : i32
        %add3A_134 = arith.addi %add3A_67, %add3A_133 : i32
        %lt3A_135 = arith.constant 40 : i32
        %lt3A_136 = arith.cmpi slt, %add3A_134, %lt3A_135 : i32
        %convert_element_type3A_137 = arith.extui %lt3A_136 : i1 to i32
        %cond3A_138 = arith.constant 0 : i32
        %cond3A_139 = arith.cmpi ne, %convert_element_type3A_137, %cond3A_138 : i32
        scf.if %cond3A_139 {
          %add3A_178 = arith.constant 2 : i32
          %add3A_179 = arith.addi %add3A_67, %add3A_178 : i32
          %mul3A_180 = arith.constant 2048 : i32
          %mul3A_181 = arith.muli %add3A_179, %mul3A_180 : i32
          %dma_start3A_182 = arith.constant 0 : i32
          %dma_start3A_183 = tpu.memref_slice %arg4[%add3A, %dma_start3A_182] : memref<4x81920xi32, #tpu.memory_space<hbm>> -> memref<1x81920xi32, #tpu.memory_space<hbm>>
          %dma_start3A_184 = tpu.memref_squeeze %dma_start3A_183 : memref<1x81920xi32, #tpu.memory_space<hbm>> -> memref<81920xi32, #tpu.memory_space<hbm>>
          %dma_start3A_185 = tpu.memref_slice %dma_start3A_184[%mul3A_181] : memref<81920xi32, #tpu.memory_space<hbm>> -> memref<2048xi32, #tpu.memory_space<hbm>>
          %dma_start3A_186 = arith.constant 0 : i32
          %dma_start3A_187 = tpu.memref_slice %arg4[%add3A, %dma_start3A_186] : memref<4x81920xi32, #tpu.memory_space<hbm>> -> memref<1x81920xi32, #tpu.memory_space<hbm>>
          %dma_start3A_188 = tpu.memref_squeeze %dma_start3A_187 : memref<1x81920xi32, #tpu.memory_space<hbm>> -> memref<81920xi32, #tpu.memory_space<hbm>>
          %dma_start3A_189 = tpu.memref_slice %dma_start3A_188[%mul3A_181] : memref<81920xi32, #tpu.memory_space<hbm>> -> memref<2048xi32, #tpu.memory_space<hbm>>
          tpu.enqueue_dma source(%dma_start3A_189 : memref<2048xi32, #tpu.memory_space<hbm>>) target(%arg8 : memref<2048xi32, #tpu.memory_space<vmem>>) target_semaphore(%arg12 : memref<!tpu.dma_semaphore, #tpu.memory_space<semaphore_mem>>)
        } else {
        }
        %add3A_140 = arith.constant 1 : i32
        %add3A_141 = arith.addi %add3A_67, %add3A_140 : i32
        %eq3A_142 = arith.constant 0 : i32
        %eq3A_143 = arith.cmpi eq, %add3A_67, %eq3A_142 : i32
        %not3A_144 = arith.constant true
        %not3A_145 = arith.xori %eq3A_143, %not3A_144 : i1
        %convert_element_type3A_146 = arith.extui %not3A_145 : i1 to i32
        %cond3A_147 = arith.constant 0 : i32
        %cond3A_148 = arith.cmpi ne, %convert_element_type3A_146, %cond3A_147 : i32
        scf.if %cond3A_148 {
          %dma_wait3A_178 = arith.constant 0 : i32
          %dma_wait3A_179 = arith.constant 0 : i32
          %dma_wait3A_180 = arith.constant 0 : i32
          %dma_wait3A_181 = tpu.memref_slice %arg5[%arg0, %dma_wait3A_178, %dma_wait3A_179, %dma_wait3A_180] : memref<2x16x640x128xf32, #tpu.memory_space<hbm>> -> memref<1x16x640x128xf32, #tpu.memory_space<hbm>>
          %dma_wait3A_182 = tpu.memref_squeeze %dma_wait3A_181 : memref<1x16x640x128xf32, #tpu.memory_space<hbm>> -> memref<16x640x128xf32, #tpu.memory_space<hbm>>
          %dma_wait3A_183 = arith.constant 0 : i32
          %dma_wait3A_184 = arith.constant 0 : i32
          %dma_wait3A_185 = tpu.memref_slice %dma_wait3A_182[%arg1, %dma_wait3A_183, %dma_wait3A_184] : memref<16x640x128xf32, #tpu.memory_space<hbm>> -> memref<1x640x128xf32, #tpu.memory_space<hbm>>
          %dma_wait3A_186 = tpu.memref_squeeze %dma_wait3A_185 : memref<1x640x128xf32, #tpu.memory_space<hbm>> -> memref<640x128xf32, #tpu.memory_space<hbm>>
          %dma_wait3A_187 = arith.constant 0 : i32
          %dma_wait3A_188 = arith.constant 0 : i32
          %dma_wait3A_189 = tpu.memref_slice %dma_wait3A_186[%dma_wait3A_187, %dma_wait3A_188] : memref<640x128xf32, #tpu.memory_space<hbm>> -> memref<16x128xf32, #tpu.memory_space<hbm>>
          %dma_wait3A_190 = arith.constant 0 : i32
          %dma_wait3A_191 = arith.constant 0 : i32
          %dma_wait3A_192 = arith.constant 0 : i32
          %dma_wait3A_193 = tpu.memref_slice %arg5[%arg0, %dma_wait3A_190, %dma_wait3A_191, %dma_wait3A_192] : memref<2x16x640x128xf32, #tpu.memory_space<hbm>> -> memref<1x16x640x128xf32, #tpu.memory_space<hbm>>
          %dma_wait3A_194 = tpu.memref_squeeze %dma_wait3A_193 : memref<1x16x640x128xf32, #tpu.memory_space<hbm>> -> memref<16x640x128xf32, #tpu.memory_space<hbm>>
          %dma_wait3A_195 = arith.constant 0 : i32
          %dma_wait3A_196 = arith.constant 0 : i32
          %dma_wait3A_197 = tpu.memref_slice %dma_wait3A_194[%arg1, %dma_wait3A_195, %dma_wait3A_196] : memref<16x640x128xf32, #tpu.memory_space<hbm>> -> memref<1x640x128xf32, #tpu.memory_space<hbm>>
          %dma_wait3A_198 = tpu.memref_squeeze %dma_wait3A_197 : memref<1x640x128xf32, #tpu.memory_space<hbm>> -> memref<640x128xf32, #tpu.memory_space<hbm>>
          %dma_wait3A_199 = arith.constant 0 : i32
          %dma_wait3A_200 = arith.constant 0 : i32
          %dma_wait3A_201 = tpu.memref_slice %dma_wait3A_198[%dma_wait3A_199, %dma_wait3A_200] : memref<640x128xf32, #tpu.memory_space<hbm>> -> memref<16x128xf32, #tpu.memory_space<hbm>>
          tpu.wait_dma2 semaphore(%arg15 : memref<!tpu.dma_semaphore, #tpu.memory_space<semaphore_mem>>) src(%arg11 : memref<16x128xf32, #tpu.memory_space<vmem>>) dst(%dma_wait3A_201 : memref<16x128xf32, #tpu.memory_space<hbm>>)
        } else {
        }
        %scan3A_149 = arith.constant 0 : i32
        %scan3A_150 = arith.constant 128 : i32
        %scan3A_151 = arith.addi %scan3A_149, %scan3A_150 : i32
        %scan3A_152 = arith.constant 1 : i32
        scf.for %scan3A_178 = %scan3A_149 to %scan3A_151 step %scan3A_152  : i32 {
          %mul3A_179 = arith.constant 16 : i32
          %mul3A_180 = arith.muli %scan3A_178, %mul3A_179 : i32
          %add3A_181 = arith.constant 0 : i32
          %add3A_182 = arith.addi %add3A_181, %mul3A_180 : i32
          %get3A = arith.index_cast %add3A_182 : i32 to index
          %get3A_183 = tpu.vector_load %arg9[%get3A] {strides = array<i32>} : memref<2048xi32, #tpu.memory_space<vmem>>, vector<16xi32>,
          %shift_right_logical3A_184 = arith.constant 14 : i32
          %shift_right_logical3A_185 = vector.broadcast %shift_right_logical3A_184 : i32 to vector<16xi32>
          %shift_right_logical3A_186 = arith.shrui %get3A_183, %shift_right_logical3A_185 : vector<16xi32>
          %and3A_187 = arith.constant 16383 : i32
          %and3A_188 = vector.broadcast %and3A_187 : i32 to vector<16xi32>
          %and3A_189 = arith.andi %get3A_183, %and3A_188 : vector<16xi32>
          %broadcast_in_dim3A = arith.constant 0.000000e+00 : f32
          %broadcast_in_dim3A_190 = vector.broadcast %broadcast_in_dim3A : f32 to vector<16xf32>
          %broadcast_in_dim3A_191 = arith.constant 0 : i32
          %broadcast_in_dim3A_192 = vector.broadcast %broadcast_in_dim3A_191 : i32 to vector<16xi32>
          %gather3A = tpu.vector_load_idx %arg6[%broadcast_in_dim3A_192, %shift_right_logical3A_186] : memref<4x10000xf32, #tpu.memory_space<vmem>>[vector<16xi32>, vector<16xi32>], vector<16xf32>,
          %gather3A_193 = tpu.vector_load_idx %arg6[%broadcast_in_dim3A_192, %and3A_189] : memref<4x10000xf32, #tpu.memory_space<vmem>>[vector<16xi32>, vector<16xi32>], vector<16xf32>,
          %mul3A_194 = arith.mulf %gather3A, %gather3A_193 : vector<16xf32>
          %bitcast3A = vector.bitcast %mul3A_194 : vector<16xf32> to vector<16xi32>
          %shift_right_logical3A_195 = arith.constant 16 : i32
          %shift_right_logical3A_196 = vector.broadcast %shift_right_logical3A_195 : i32 to vector<16xi32>
          %shift_right_logical3A_197 = arith.shrui %bitcast3A, %shift_right_logical3A_196 : vector<16xi32>
          %and3A_198 = arith.constant 1 : i32
          %and3A_199 = vector.broadcast %and3A_198 : i32 to vector<16xi32>
          %and3A_200 = arith.andi %shift_right_logical3A_197, %and3A_199 : vector<16xi32>
          %add3A_201 = arith.constant 32767 : i32
          %add3A_202 = vector.broadcast %add3A_201 : i32 to vector<16xi32>
          %add3A_203 = arith.addi %bitcast3A, %add3A_202 : vector<16xi32>
          %add3A_204 = arith.addi %add3A_203, %and3A_200 : vector<16xi32>
          %and3A_205 = arith.constant -65536 : i32
          %and3A_206 = vector.broadcast %and3A_205 : i32 to vector<16xi32>
          %and3A_207 = arith.andi %add3A_204, %and3A_206 : vector<16xi32>
          %bitcast3A_208 = vector.bitcast %and3A_207 : vector<16xi32> to vector<16xf32>
          %get3A_209 = arith.constant 0 : i32
          %get3A_210 = arith.index_cast %get3A_209 : i32 to index
          %get3A_211 = arith.constant 0 : index
          %get3A_212 = tpu.vector_load %arg7[%get3A_210, %get3A_211] {strides = array<i32>} : memref<4x16xf32, #tpu.memory_space<vmem>>, vector<16xf32>,
          %mul3A_213 = arith.mulf %bitcast3A_208, %get3A_212 : vector<16xf32>
          %add3A_214 = arith.addf %broadcast_in_dim3A_190, %mul3A_213 : vector<16xf32>
          %broadcast_in_dim3A_215 = arith.constant 1 : i32
          %broadcast_in_dim3A_216 = vector.broadcast %broadcast_in_dim3A_215 : i32 to vector<16xi32>
          %gather3A_217 = tpu.vector_load_idx %arg6[%broadcast_in_dim3A_216, %shift_right_logical3A_186] : memref<4x10000xf32, #tpu.memory_space<vmem>>[vector<16xi32>, vector<16xi32>], vector<16xf32>,
          %gather3A_218 = tpu.vector_load_idx %arg6[%broadcast_in_dim3A_216, %and3A_189] : memref<4x10000xf32, #tpu.memory_space<vmem>>[vector<16xi32>, vector<16xi32>], vector<16xf32>,
          %mul3A_219 = arith.mulf %gather3A_217, %gather3A_218 : vector<16xf32>
          %bitcast3A_220 = vector.bitcast %mul3A_219 : vector<16xf32> to vector<16xi32>
          %shift_right_logical3A_221 = arith.constant 16 : i32
          %shift_right_logical3A_222 = vector.broadcast %shift_right_logical3A_221 : i32 to vector<16xi32>
          %shift_right_logical3A_223 = arith.shrui %bitcast3A_220, %shift_right_logical3A_222 : vector<16xi32>
          %and3A_224 = arith.constant 1 : i32
          %and3A_225 = vector.broadcast %and3A_224 : i32 to vector<16xi32>
          %and3A_226 = arith.andi %shift_right_logical3A_223, %and3A_225 : vector<16xi32>
          %add3A_227 = arith.constant 32767 : i32
          %add3A_228 = vector.broadcast %add3A_227 : i32 to vector<16xi32>
          %add3A_229 = arith.addi %bitcast3A_220, %add3A_228 : vector<16xi32>
          %add3A_230 = arith.addi %add3A_229, %and3A_226 : vector<16xi32>
          %and3A_231 = arith.constant -65536 : i32
          %and3A_232 = vector.broadcast %and3A_231 : i32 to vector<16xi32>
          %and3A_233 = arith.andi %add3A_230, %and3A_232 : vector<16xi32>
          %bitcast3A_234 = vector.bitcast %and3A_233 : vector<16xi32> to vector<16xf32>
          %get3A_235 = arith.constant 1 : i32
          %get3A_236 = arith.index_cast %get3A_235 : i32 to index
          %get3A_237 = arith.constant 0 : index
          %get3A_238 = tpu.vector_load %arg7[%get3A_236, %get3A_237] {strides = array<i32>} : memref<4x16xf32, #tpu.memory_space<vmem>>, vector<16xf32>,
          %mul3A_239 = arith.mulf %bitcast3A_234, %get3A_238 : vector<16xf32>
          %add3A_240 = arith.addf %add3A_214, %mul3A_239 : vector<16xf32>
          %broadcast_in_dim3A_241 = arith.constant 2 : i32
          %broadcast_in_dim3A_242 = vector.broadcast %broadcast_in_dim3A_241 : i32 to vector<16xi32>
          %gather3A_243 = tpu.vector_load_idx %arg6[%broadcast_in_dim3A_242, %shift_right_logical3A_186] : memref<4x10000xf32, #tpu.memory_space<vmem>>[vector<16xi32>, vector<16xi32>], vector<16xf32>,
          %gather3A_244 = tpu.vector_load_idx %arg6[%broadcast_in_dim3A_242, %and3A_189] : memref<4x10000xf32, #tpu.memory_space<vmem>>[vector<16xi32>, vector<16xi32>], vector<16xf32>,
          %mul3A_245 = arith.mulf %gather3A_243, %gather3A_244 : vector<16xf32>
          %bitcast3A_246 = vector.bitcast %mul3A_245 : vector<16xf32> to vector<16xi32>
          %shift_right_logical3A_247 = arith.constant 16 : i32
          %shift_right_logical3A_248 = vector.broadcast %shift_right_logical3A_247 : i32 to vector<16xi32>
          %shift_right_logical3A_249 = arith.shrui %bitcast3A_246, %shift_right_logical3A_248 : vector<16xi32>
          %and3A_250 = arith.constant 1 : i32
          %and3A_251 = vector.broadcast %and3A_250 : i32 to vector<16xi32>
          %and3A_252 = arith.andi %shift_right_logical3A_249, %and3A_251 : vector<16xi32>
          %add3A_253 = arith.constant 32767 : i32
          %add3A_254 = vector.broadcast %add3A_253 : i32 to vector<16xi32>
          %add3A_255 = arith.addi %bitcast3A_246, %add3A_254 : vector<16xi32>
          %add3A_256 = arith.addi %add3A_255, %and3A_252 : vector<16xi32>
          %and3A_257 = arith.constant -65536 : i32
          %and3A_258 = vector.broadcast %and3A_257 : i32 to vector<16xi32>
          %and3A_259 = arith.andi %add3A_256, %and3A_258 : vector<16xi32>
          %bitcast3A_260 = vector.bitcast %and3A_259 : vector<16xi32> to vector<16xf32>
          %get3A_261 = arith.constant 2 : i32
          %get3A_262 = arith.index_cast %get3A_261 : i32 to index
          %get3A_263 = arith.constant 0 : index
          %get3A_264 = tpu.vector_load %arg7[%get3A_262, %get3A_263] {strides = array<i32>} : memref<4x16xf32, #tpu.memory_space<vmem>>, vector<16xf32>,
          %mul3A_265 = arith.mulf %bitcast3A_260, %get3A_264 : vector<16xf32>
          %add3A_266 = arith.addf %add3A_240, %mul3A_265 : vector<16xf32>
          %broadcast_in_dim3A_267 = arith.constant 3 : i32
          %broadcast_in_dim3A_268 = vector.broadcast %broadcast_in_dim3A_267 : i32 to vector<16xi32>
          %gather3A_269 = tpu.vector_load_idx %arg6[%broadcast_in_dim3A_268, %shift_right_logical3A_186] : memref<4x10000xf32, #tpu.memory_space<vmem>>[vector<16xi32>, vector<16xi32>], vector<16xf32>,
          %gather3A_270 = tpu.vector_load_idx %arg6[%broadcast_in_dim3A_268, %and3A_189] : memref<4x10000xf32, #tpu.memory_space<vmem>>[vector<16xi32>, vector<16xi32>], vector<16xf32>,
          %mul3A_271 = arith.mulf %gather3A_269, %gather3A_270 : vector<16xf32>
          %bitcast3A_272 = vector.bitcast %mul3A_271 : vector<16xf32> to vector<16xi32>
          %shift_right_logical3A_273 = arith.constant 16 : i32
          %shift_right_logical3A_274 = vector.broadcast %shift_right_logical3A_273 : i32 to vector<16xi32>
          %shift_right_logical3A_275 = arith.shrui %bitcast3A_272, %shift_right_logical3A_274 : vector<16xi32>
          %and3A_276 = arith.constant 1 : i32
          %and3A_277 = vector.broadcast %and3A_276 : i32 to vector<16xi32>
          %and3A_278 = arith.andi %shift_right_logical3A_275, %and3A_277 : vector<16xi32>
          %add3A_279 = arith.constant 32767 : i32
          %add3A_280 = vector.broadcast %add3A_279 : i32 to vector<16xi32>
          %add3A_281 = arith.addi %bitcast3A_272, %add3A_280 : vector<16xi32>
          %add3A_282 = arith.addi %add3A_281, %and3A_278 : vector<16xi32>
          %and3A_283 = arith.constant -65536 : i32
          %and3A_284 = vector.broadcast %and3A_283 : i32 to vector<16xi32>
          %and3A_285 = arith.andi %add3A_282, %and3A_284 : vector<16xi32>
          %bitcast3A_286 = vector.bitcast %and3A_285 : vector<16xi32> to vector<16xf32>
          %get3A_287 = arith.constant 3 : i32
          %get3A_288 = arith.index_cast %get3A_287 : i32 to index
          %get3A_289 = arith.constant 0 : index
          %get3A_290 = tpu.vector_load %arg7[%get3A_288, %get3A_289] {strides = array<i32>} : memref<4x16xf32, #tpu.memory_space<vmem>>, vector<16xf32>,
          %mul3A_291 = arith.mulf %bitcast3A_286, %get3A_290 : vector<16xf32>
          %add3A_292 = arith.addf %add3A_266, %mul3A_291 : vector<16xf32>
          %div3A = arith.constant 128 : i32
          %div3A_293 = arith.divsi %add3A_182, %div3A : i32
          %rem3A = arith.constant 128 : i32
          %rem3A_294 = arith.remsi %add3A_182, %rem3A : i32
          %swap3A = arith.index_cast %div3A_293 : i32 to index
          %swap3A_295 = arith.index_cast %rem3A_294 : i32 to index
          %swap3A_296 = tpu.vector_load %arg11[%swap3A, %swap3A_295] {strides = array<i32>} : memref<16x128xf32, #tpu.memory_space<vmem>>, vector<16xf32>,
          tpu.vector_store %arg11[%swap3A, %swap3A_295], %add3A_292 {strides = array<i32>} : memref<16x128xf32, #tpu.memory_space<vmem>>, vector<16xf32>,
        }
        %scan3A_153 = arith.constant 128 : i32
        %mul3A_154 = arith.constant 16 : i32
        %mul3A_155 = arith.muli %add3A_141, %mul3A_154 : i32
        %dma_start3A_156 = arith.constant 0 : i32
        %dma_start3A_157 = arith.constant 0 : i32
        %dma_start3A_158 = arith.constant 0 : i32
        %dma_start3A_159 = tpu.memref_slice %arg5[%arg0, %dma_start3A_156, %dma_start3A_157, %dma_start3A_158] : memref<2x16x640x128xf32, #tpu.memory_space<hbm>> -> memref<1x16x640x128xf32, #tpu.memory_space<hbm>>
        %dma_start3A_160 = tpu.memref_squeeze %dma_start3A_159 : memref<1x16x640x128xf32, #tpu.memory_space<hbm>> -> memref<16x640x128xf32, #tpu.memory_space<hbm>>
        %dma_start3A_161 = arith.constant 0 : i32
        %dma_start3A_162 = arith.constant 0 : i32
        %dma_start3A_163 = tpu.memref_slice %dma_start3A_160[%arg1, %dma_start3A_161, %dma_start3A_162] : memref<16x640x128xf32, #tpu.memory_space<hbm>> -> memref<1x640x128xf32, #tpu.memory_space<hbm>>
        %dma_start3A_164 = tpu.memref_squeeze %dma_start3A_163 : memref<1x640x128xf32, #tpu.memory_space<hbm>> -> memref<640x128xf32, #tpu.memory_space<hbm>>
        %dma_start3A_165 = arith.constant 0 : i32
        %dma_start3A_166 = tpu.memref_slice %dma_start3A_164[%mul3A_155, %dma_start3A_165] : memref<640x128xf32, #tpu.memory_space<hbm>> -> memref<16x128xf32, #tpu.memory_space<hbm>>
        %dma_start3A_167 = arith.constant 0 : i32
        %dma_start3A_168 = arith.constant 0 : i32
        %dma_start3A_169 = arith.constant 0 : i32
        %dma_start3A_170 = tpu.memref_slice %arg5[%arg0, %dma_start3A_167, %dma_start3A_168, %dma_start3A_169] : memref<2x16x640x128xf32, #tpu.memory_space<hbm>> -> memref<1x16x640x128xf32, #tpu.memory_space<hbm>>
        %dma_start3A_171 = tpu.memref_squeeze %dma_start3A_170 : memref<1x16x640x128xf32, #tpu.memory_space<hbm>> -> memref<16x640x128xf32, #tpu.memory_space<hbm>>
        %dma_start3A_172 = arith.constant 0 : i32
        %dma_start3A_173 = arith.constant 0 : i32
        %dma_start3A_174 = tpu.memref_slice %dma_start3A_171[%arg1, %dma_start3A_172, %dma_start3A_173] : memref<16x640x128xf32, #tpu.memory_space<hbm>> -> memref<1x640x128xf32, #tpu.memory_space<hbm>>
        %dma_start3A_175 = tpu.memref_squeeze %dma_start3A_174 : memref<1x640x128xf32, #tpu.memory_space<hbm>> -> memref<640x128xf32, #tpu.memory_space<hbm>>
        %dma_start3A_176 = arith.constant 0 : i32
        %dma_start3A_177 = tpu.memref_slice %dma_start3A_175[%mul3A_155, %dma_start3A_176] : memref<640x128xf32, #tpu.memory_space<hbm>> -> memref<16x128xf32, #tpu.memory_space<hbm>>
        tpu.enqueue_dma source(%arg11 : memref<16x128xf32, #tpu.memory_space<vmem>>) target(%dma_start3A_177 : memref<16x128xf32, #tpu.memory_space<hbm>>) target_semaphore(%arg15 : memref<!tpu.dma_semaphore, #tpu.memory_space<semaphore_mem>>)
      } else {
      }
    }
    %scan3A_15 = arith.constant 20 : i32
    %dma_wait3A = arith.constant 0 : i32
    %dma_wait3A_16 = arith.constant 0 : i32
    %dma_wait3A_17 = arith.constant 0 : i32
    %dma_wait3A_18 = tpu.memref_slice %arg5[%arg0, %dma_wait3A, %dma_wait3A_16, %dma_wait3A_17] : memref<2x16x640x128xf32, #tpu.memory_space<hbm>> -> memref<1x16x640x128xf32, #tpu.memory_space<hbm>>
    %dma_wait3A_19 = tpu.memref_squeeze %dma_wait3A_18 : memref<1x16x640x128xf32, #tpu.memory_space<hbm>> -> memref<16x640x128xf32, #tpu.memory_space<hbm>>
    %dma_wait3A_20 = arith.constant 0 : i32
    %dma_wait3A_21 = arith.constant 0 : i32
    %dma_wait3A_22 = tpu.memref_slice %dma_wait3A_19[%arg1, %dma_wait3A_20, %dma_wait3A_21] : memref<16x640x128xf32, #tpu.memory_space<hbm>> -> memref<1x640x128xf32, #tpu.memory_space<hbm>>
    %dma_wait3A_23 = tpu.memref_squeeze %dma_wait3A_22 : memref<1x640x128xf32, #tpu.memory_space<hbm>> -> memref<640x128xf32, #tpu.memory_space<hbm>>
    %dma_wait3A_24 = arith.constant 0 : i32
    %dma_wait3A_25 = arith.constant 0 : i32
    %dma_wait3A_26 = tpu.memref_slice %dma_wait3A_23[%dma_wait3A_24, %dma_wait3A_25] : memref<640x128xf32, #tpu.memory_space<hbm>> -> memref<16x128xf32, #tpu.memory_space<hbm>>
    %dma_wait3A_27 = arith.constant 0 : i32
    %dma_wait3A_28 = arith.constant 0 : i32
    %dma_wait3A_29 = arith.constant 0 : i32
    %dma_wait3A_30 = tpu.memref_slice %arg5[%arg0, %dma_wait3A_27, %dma_wait3A_28, %dma_wait3A_29] : memref<2x16x640x128xf32, #tpu.memory_space<hbm>> -> memref<1x16x640x128xf32, #tpu.memory_space<hbm>>
    %dma_wait3A_31 = tpu.memref_squeeze %dma_wait3A_30 : memref<1x16x640x128xf32, #tpu.memory_space<hbm>> -> memref<16x640x128xf32, #tpu.memory_space<hbm>>
    %dma_wait3A_32 = arith.constant 0 : i32
    %dma_wait3A_33 = arith.constant 0 : i32
    %dma_wait3A_34 = tpu.memref_slice %dma_wait3A_31[%arg1, %dma_wait3A_32, %dma_wait3A_33] : memref<16x640x128xf32, #tpu.memory_space<hbm>> -> memref<1x640x128xf32, #tpu.memory_space<hbm>>
    %dma_wait3A_35 = tpu.memref_squeeze %dma_wait3A_34 : memref<1x640x128xf32, #tpu.memory_space<hbm>> -> memref<640x128xf32, #tpu.memory_space<hbm>>
    %dma_wait3A_36 = arith.constant 0 : i32
    %dma_wait3A_37 = arith.constant 0 : i32
    %dma_wait3A_38 = tpu.memref_slice %dma_wait3A_35[%dma_wait3A_36, %dma_wait3A_37] : memref<640x128xf32, #tpu.memory_space<hbm>> -> memref<16x128xf32, #tpu.memory_space<hbm>>
    tpu.wait_dma2 semaphore(%arg14 : memref<!tpu.dma_semaphore, #tpu.memory_space<semaphore_mem>>) src(%arg10 : memref<16x128xf32, #tpu.memory_space<vmem>>) dst(%dma_wait3A_38 : memref<16x128xf32, #tpu.memory_space<hbm>>)
    %dma_wait3A_39 = arith.constant 0 : i32
    %dma_wait3A_40 = arith.constant 0 : i32
    %dma_wait3A_41 = arith.constant 0 : i32
    %dma_wait3A_42 = tpu.memref_slice %arg5[%arg0, %dma_wait3A_39, %dma_wait3A_40, %dma_wait3A_41] : memref<2x16x640x128xf32, #tpu.memory_space<hbm>> -> memref<1x16x640x128xf32, #tpu.memory_space<hbm>>
    %dma_wait3A_43 = tpu.memref_squeeze %dma_wait3A_42 : memref<1x16x640x128xf32, #tpu.memory_space<hbm>> -> memref<16x640x128xf32, #tpu.memory_space<hbm>>
    %dma_wait3A_44 = arith.constant 0 : i32
    %dma_wait3A_45 = arith.constant 0 : i32
    %dma_wait3A_46 = tpu.memref_slice %dma_wait3A_43[%arg1, %dma_wait3A_44, %dma_wait3A_45] : memref<16x640x128xf32, #tpu.memory_space<hbm>> -> memref<1x640x128xf32, #tpu.memory_space<hbm>>
    %dma_wait3A_47 = tpu.memref_squeeze %dma_wait3A_46 : memref<1x640x128xf32, #tpu.memory_space<hbm>> -> memref<640x128xf32, #tpu.memory_space<hbm>>
    %dma_wait3A_48 = arith.constant 0 : i32
    %dma_wait3A_49 = arith.constant 0 : i32
    %dma_wait3A_50 = tpu.memref_slice %dma_wait3A_47[%dma_wait3A_48, %dma_wait3A_49] : memref<640x128xf32, #tpu.memory_space<hbm>> -> memref<16x128xf32, #tpu.memory_space<hbm>>
    %dma_wait3A_51 = arith.constant 0 : i32
    %dma_wait3A_52 = arith.constant 0 : i32
    %dma_wait3A_53 = arith.constant 0 : i32
    %dma_wait3A_54 = tpu.memref_slice %arg5[%arg0, %dma_wait3A_51, %dma_wait3A_52, %dma_wait3A_53] : memref<2x16x640x128xf32, #tpu.memory_space<hbm>> -> memref<1x16x640x128xf32, #tpu.memory_space<hbm>>
    %dma_wait3A_55 = tpu.memref_squeeze %dma_wait3A_54 : memref<1x16x640x128xf32, #tpu.memory_space<hbm>> -> memref<16x640x128xf32, #tpu.memory_space<hbm>>
    %dma_wait3A_56 = arith.constant 0 : i32
    %dma_wait3A_57 = arith.constant 0 : i32
    %dma_wait3A_58 = tpu.memref_slice %dma_wait3A_55[%arg1, %dma_wait3A_56, %dma_wait3A_57] : memref<16x640x128xf32, #tpu.memory_space<hbm>> -> memref<1x640x128xf32, #tpu.memory_space<hbm>>
    %dma_wait3A_59 = tpu.memref_squeeze %dma_wait3A_58 : memref<1x640x128xf32, #tpu.memory_space<hbm>> -> memref<640x128xf32, #tpu.memory_space<hbm>>
    %dma_wait3A_60 = arith.constant 0 : i32
    %dma_wait3A_61 = arith.constant 0 : i32
    %dma_wait3A_62 = tpu.memref_slice %dma_wait3A_59[%dma_wait3A_60, %dma_wait3A_61] : memref<640x128xf32, #tpu.memory_space<hbm>> -> memref<16x128xf32, #tpu.memory_space<hbm>>
    tpu.wait_dma2 semaphore(%arg15 : memref<!tpu.dma_semaphore, #tpu.memory_space<semaphore_mem>>) src(%arg11 : memref<16x128xf32, #tpu.memory_space<vmem>>) dst(%dma_wait3A_62 : memref<16x128xf32, #tpu.memory_space<hbm>>)
    return
  }
}

#map = affine_map<(d0, d1) -> (0, 0)>
#map1 = affine_map<(d0, d1) -> (0, 0, 0)>
module attributes {stable_mosaic.version = 14 : i64} {
  func.func @deg_kernel(%arg0: i32, %arg1: i32, %arg2: memref<32x10000xi32, #tpu.memory_space<hbm>>, %arg3: memref<32x640x16xf32, #tpu.memory_space<hbm>>, %arg4: memref<10000xi32, #tpu.memory_space<vmem>>, %arg5: memref<640x16xf32, #tpu.memory_space<vmem>>) attributes {dimension_semantics = [#tpu.dimension_semantics<core_parallel>, #tpu.dimension_semantics<subcore_parallel>], iteration_bounds = array<i64: 2, 16>, scalar_prefetch = 0 : i64, scratch_operands = 2 : i64, tpu.core_type = #tpu.core_type<sc_vector_subcore>, window_params = [{transform_indices = #map}, {transform_indices = #map1}]} {
    %mul3A = arith.constant 16 : i32
    %mul3A_0 = arith.muli %arg0, %mul3A : i32
    %add3A = arith.addi %mul3A_0, %arg1 : i32
    %broadcast_in_dim3A = arith.constant 0.000000e+00 : f32
    %broadcast_in_dim3A_1 = vector.broadcast %broadcast_in_dim3A : f32 to vector<16xf32>
    %scan3A = arith.constant 0 : i32
    %scan3A_2 = arith.constant 640 : i32
    %scan3A_3 = arith.addi %scan3A, %scan3A_2 : i32
    %scan3A_4 = arith.constant 1 : i32
    scf.for %scan3A_13 = %scan3A to %scan3A_3 step %scan3A_4  : i32 {
      %mul3A_14 = arith.constant 1 : i32
      %mul3A_15 = arith.muli %scan3A_13, %mul3A_14 : i32
      %add3A_16 = arith.constant 0 : i32
      %add3A_17 = arith.addi %add3A_16, %mul3A_15 : i32
      %swap3A = arith.index_cast %add3A_17 : i32 to index
      %swap3A_18 = arith.constant 0 : index
      %swap3A_19 = tpu.vector_load %arg5[%swap3A, %swap3A_18] {strides = array<i32>} : memref<640x16xf32, #tpu.memory_space<vmem>>, vector<16xf32>,
      tpu.vector_store %arg5[%swap3A, %swap3A_18], %broadcast_in_dim3A_1 {strides = array<i32>} : memref<640x16xf32, #tpu.memory_space<vmem>>, vector<16xf32>,
    }
    %scan3A_5 = arith.constant 640 : i32
    "tpu.region"() ({
      %run_scoped3A = tpu.sem_alloc : memref<!tpu.dma_semaphore, #tpu.memory_space<semaphore_mem>>
      %dma_start3A = arith.constant 0 : i32
      %dma_start3A_13 = tpu.memref_slice %arg2[%add3A, %dma_start3A] : memref<32x10000xi32, #tpu.memory_space<hbm>> -> memref<1x10000xi32, #tpu.memory_space<hbm>>
      %dma_start3A_14 = tpu.memref_squeeze %dma_start3A_13 : memref<1x10000xi32, #tpu.memory_space<hbm>> -> memref<10000xi32, #tpu.memory_space<hbm>>
      %dma_start3A_15 = arith.constant 0 : i32
      %dma_start3A_16 = tpu.memref_slice %arg2[%add3A, %dma_start3A_15] : memref<32x10000xi32, #tpu.memory_space<hbm>> -> memref<1x10000xi32, #tpu.memory_space<hbm>>
      %dma_start3A_17 = tpu.memref_squeeze %dma_start3A_16 : memref<1x10000xi32, #tpu.memory_space<hbm>> -> memref<10000xi32, #tpu.memory_space<hbm>>
      tpu.enqueue_dma source(%dma_start3A_17 : memref<10000xi32, #tpu.memory_space<hbm>>) target(%arg4 : memref<10000xi32, #tpu.memory_space<vmem>>) target_semaphore(%run_scoped3A : memref<!tpu.dma_semaphore, #tpu.memory_space<semaphore_mem>>)
      %dma_wait3A = arith.constant 0 : i32
      %dma_wait3A_18 = tpu.memref_slice %arg2[%add3A, %dma_wait3A] : memref<32x10000xi32, #tpu.memory_space<hbm>> -> memref<1x10000xi32, #tpu.memory_space<hbm>>
      %dma_wait3A_19 = tpu.memref_squeeze %dma_wait3A_18 : memref<1x10000xi32, #tpu.memory_space<hbm>> -> memref<10000xi32, #tpu.memory_space<hbm>>
      %dma_wait3A_20 = arith.constant 0 : i32
      %dma_wait3A_21 = tpu.memref_slice %arg2[%add3A, %dma_wait3A_20] : memref<32x10000xi32, #tpu.memory_space<hbm>> -> memref<1x10000xi32, #tpu.memory_space<hbm>>
      %dma_wait3A_22 = tpu.memref_squeeze %dma_wait3A_21 : memref<1x10000xi32, #tpu.memory_space<hbm>> -> memref<10000xi32, #tpu.memory_space<hbm>>
      tpu.wait_dma2 semaphore(%run_scoped3A : memref<!tpu.dma_semaphore, #tpu.memory_space<semaphore_mem>>) src(%dma_wait3A_22 : memref<10000xi32, #tpu.memory_space<hbm>>) dst(%arg4 : memref<10000xi32, #tpu.memory_space<vmem>>)
      tpu.yield
    }) : () -> ()
    %broadcast_in_dim3A_6 = arith.constant 1.000000e+00 : f32
    %broadcast_in_dim3A_7 = vector.broadcast %broadcast_in_dim3A_6 : f32 to vector<16xf32>
    %scan3A_8 = arith.constant 0 : i32
    %scan3A_9 = arith.constant 625 : i32
    %scan3A_10 = arith.addi %scan3A_8, %scan3A_9 : i32
    %scan3A_11 = arith.constant 1 : i32
    scf.for %scan3A_13 = %scan3A_8 to %scan3A_10 step %scan3A_11  : i32 {
      %mul3A_14 = arith.constant 16 : i32
      %mul3A_15 = arith.muli %scan3A_13, %mul3A_14 : i32
      %add3A_16 = arith.constant 0 : i32
      %add3A_17 = arith.addi %add3A_16, %mul3A_15 : i32
      %get3A = arith.index_cast %add3A_17 : i32 to index
      %get3A_18 = tpu.vector_load %arg4[%get3A] {strides = array<i32>} : memref<10000xi32, #tpu.memory_space<vmem>>, vector<16xi32>,
      %shift_right_logical3A = arith.constant 4 : i32
      %shift_right_logical3A_19 = vector.broadcast %shift_right_logical3A : i32 to vector<16xi32>
      %shift_right_logical3A_20 = arith.shrui %get3A_18, %shift_right_logical3A_19 : vector<16xi32>
      %and3A = arith.constant 15 : i32
      %and3A_21 = vector.broadcast %and3A : i32 to vector<16xi32>
      %and3A_22 = arith.andi %get3A_18, %and3A_21 : vector<16xi32>
      tpu.vector_store_idx %arg5[%shift_right_logical3A_20, %and3A_22], %broadcast_in_dim3A_7 {add = true} : memref<640x16xf32, #tpu.memory_space<vmem>>[vector<16xi32>, vector<16xi32>], vector<16xf32>,
    }
    %scan3A_12 = arith.constant 625 : i32
    "tpu.region"() ({
      %run_scoped3A = tpu.sem_alloc : memref<!tpu.dma_semaphore, #tpu.memory_space<semaphore_mem>>
      %dma_start3A = arith.constant 0 : i32
      %dma_start3A_13 = arith.constant 0 : i32
      %dma_start3A_14 = tpu.memref_slice %arg3[%add3A, %dma_start3A, %dma_start3A_13] : memref<32x640x16xf32, #tpu.memory_space<hbm>> -> memref<1x640x16xf32, #tpu.memory_space<hbm>>
      %dma_start3A_15 = tpu.memref_squeeze %dma_start3A_14 : memref<1x640x16xf32, #tpu.memory_space<hbm>> -> memref<640x16xf32, #tpu.memory_space<hbm>>
      %dma_start3A_16 = arith.constant 0 : i32
      %dma_start3A_17 = arith.constant 0 : i32
      %dma_start3A_18 = tpu.memref_slice %arg3[%add3A, %dma_start3A_16, %dma_start3A_17] : memref<32x640x16xf32, #tpu.memory_space<hbm>> -> memref<1x640x16xf32, #tpu.memory_space<hbm>>
      %dma_start3A_19 = tpu.memref_squeeze %dma_start3A_18 : memref<1x640x16xf32, #tpu.memory_space<hbm>> -> memref<640x16xf32, #tpu.memory_space<hbm>>
      tpu.enqueue_dma source(%arg5 : memref<640x16xf32, #tpu.memory_space<vmem>>) target(%dma_start3A_19 : memref<640x16xf32, #tpu.memory_space<hbm>>) target_semaphore(%run_scoped3A : memref<!tpu.dma_semaphore, #tpu.memory_space<semaphore_mem>>)
      %dma_wait3A = arith.constant 0 : i32
      %dma_wait3A_20 = arith.constant 0 : i32
      %dma_wait3A_21 = tpu.memref_slice %arg3[%add3A, %dma_wait3A, %dma_wait3A_20] : memref<32x640x16xf32, #tpu.memory_space<hbm>> -> memref<1x640x16xf32, #tpu.memory_space<hbm>>
      %dma_wait3A_22 = tpu.memref_squeeze %dma_wait3A_21 : memref<1x640x16xf32, #tpu.memory_space<hbm>> -> memref<640x16xf32, #tpu.memory_space<hbm>>
      %dma_wait3A_23 = arith.constant 0 : i32
      %dma_wait3A_24 = arith.constant 0 : i32
      %dma_wait3A_25 = tpu.memref_slice %arg3[%add3A, %dma_wait3A_23, %dma_wait3A_24] : memref<32x640x16xf32, #tpu.memory_space<hbm>> -> memref<1x640x16xf32, #tpu.memory_space<hbm>>
      %dma_wait3A_26 = tpu.memref_squeeze %dma_wait3A_25 : memref<1x640x16xf32, #tpu.memory_space<hbm>> -> memref<640x16xf32, #tpu.memory_space<hbm>>
      tpu.wait_dma2 semaphore(%run_scoped3A : memref<!tpu.dma_semaphore, #tpu.memory_space<semaphore_mem>>) src(%arg5 : memref<640x16xf32, #tpu.memory_space<vmem>>) dst(%dma_wait3A_26 : memref<640x16xf32, #tpu.memory_space<hbm>>)
      tpu.yield
    }) : () -> ()
    return
  }
}

#map = affine_map<(d0, d1) -> (0, 0)>
#map1 = affine_map<(d0, d1) -> (0, 0, 0)>
module attributes {stable_mosaic.version = 14 : i64} {
  func.func @scat_kernel(%arg0: i32, %arg1: i32, %arg2: memref<10000x128xf32, #tpu.memory_space<hbm>>, %arg3: memref<32x125x80xi32, #tpu.memory_space<hbm>>, %arg4: memref<2x10240x128xf32, #tpu.memory_space<hbm>>, %arg5: memref<125x80xi32, #tpu.memory_space<vmem>>, %arg6: memref<80xi32, #tpu.memory_space<vmem>>, %arg7: memref<80xi32, #tpu.memory_space<vmem>>, %arg8: memref<1x80xi32, #tpu.memory_space<vmem>>, %arg9: memref<1x80xi32, #tpu.memory_space<vmem>>, %arg10: memref<80x128xf32, #tpu.memory_space<vmem>>, %arg11: memref<80x128xf32, #tpu.memory_space<vmem>>, %arg12: memref<8x128xf32, #tpu.memory_space<vmem>>, %arg13: memref<10240x128xf32, #tpu.memory_space<vmem_shared>>, %arg14: memref<!tpu.dma_semaphore, #tpu.memory_space<semaphore_mem>>, %arg15: memref<!tpu.dma_semaphore, #tpu.memory_space<semaphore_mem>>) attributes {dimension_semantics = [#tpu.dimension_semantics<core_parallel>, #tpu.dimension_semantics<subcore_parallel>], iteration_bounds = array<i64: 2, 16>, scalar_prefetch = 0 : i64, scratch_operands = 11 : i64, tpu.core_type = #tpu.core_type<sc_vector_subcore>, window_params = [{transform_indices = #map}, {transform_indices = #map1}, {transform_indices = #map1}]} {
    %mul3A = arith.constant 16 : i32
    %mul3A_0 = arith.muli %arg0, %mul3A : i32
    %add3A = arith.addi %mul3A_0, %arg1 : i32
    %broadcast_in_dim3A = arith.constant 0.000000e+00 : f32
    %broadcast_in_dim3A_1 = vector.broadcast %broadcast_in_dim3A : f32 to vector<16xf32>
    %scan3A = arith.constant 0 : i32
    %scan3A_2 = arith.constant 8 : i32
    %scan3A_3 = arith.addi %scan3A, %scan3A_2 : i32
    %scan3A_4 = arith.constant 1 : i32
    scf.for %scan3A_28 = %scan3A to %scan3A_3 step %scan3A_4  : i32 {
      %mul3A_29 = arith.constant 1 : i32
      %mul3A_30 = arith.muli %scan3A_28, %mul3A_29 : i32
      %add3A_31 = arith.constant 0 : i32
      %add3A_32 = arith.addi %add3A_31, %mul3A_30 : i32
      %scan3A_33 = arith.constant 0 : i32
      %scan3A_34 = arith.constant 8 : i32
      %scan3A_35 = arith.addi %scan3A_33, %scan3A_34 : i32
      %scan3A_36 = arith.constant 1 : i32
      scf.for %scan3A_38 = %scan3A_33 to %scan3A_35 step %scan3A_36  : i32 {
        %mul3A_39 = arith.constant 16 : i32
        %mul3A_40 = arith.muli %scan3A_38, %mul3A_39 : i32
        %add3A_41 = arith.constant 0 : i32
        %add3A_42 = arith.addi %add3A_41, %mul3A_40 : i32
        %swap3A = arith.index_cast %add3A_32 : i32 to index
        %swap3A_43 = arith.index_cast %add3A_42 : i32 to index
        %swap3A_44 = tpu.vector_load %arg12[%swap3A, %swap3A_43] {strides = array<i32>} : memref<8x128xf32, #tpu.memory_space<vmem>>, vector<16xf32>,
        tpu.vector_store %arg12[%swap3A, %swap3A_43], %broadcast_in_dim3A_1 {strides = array<i32>} : memref<8x128xf32, #tpu.memory_space<vmem>>, vector<16xf32>,
      }
      %scan3A_37 = arith.constant 8 : i32
    }
    %scan3A_5 = arith.constant 8 : i32
    %scan3A_6 = arith.constant 0 : i32
    %scan3A_7 = arith.constant 80 : i32
    %scan3A_8 = arith.addi %scan3A_6, %scan3A_7 : i32
    %scan3A_9 = arith.constant 1 : i32
    scf.for %scan3A_28 = %scan3A_6 to %scan3A_8 step %scan3A_9  : i32 {
      %mul3A_29 = arith.constant 8 : i32
      %mul3A_30 = arith.muli %scan3A_28, %mul3A_29 : i32
      %add3A_31 = arith.constant 0 : i32
      %add3A_32 = arith.addi %add3A_31, %mul3A_30 : i32
      %mul3A_33 = arith.constant 640 : i32
      %mul3A_34 = arith.muli %arg1, %mul3A_33 : i32
      %add3A_35 = arith.addi %mul3A_34, %add3A_32 : i32
      "tpu.region"() ({
        %run_scoped3A = tpu.sem_alloc : memref<!tpu.dma_semaphore, #tpu.memory_space<semaphore_mem>>
        %dma_start3A_36 = arith.constant 0 : i32
        %dma_start3A_37 = tpu.memref_slice %arg13[%add3A_35, %dma_start3A_36] : memref<10240x128xf32, #tpu.memory_space<vmem_shared>> -> memref<8x128xf32, #tpu.memory_space<vmem_shared>>
        %dma_start3A_38 = arith.constant 0 : i32
        %dma_start3A_39 = tpu.memref_slice %arg13[%add3A_35, %dma_start3A_38] : memref<10240x128xf32, #tpu.memory_space<vmem_shared>> -> memref<8x128xf32, #tpu.memory_space<vmem_shared>>
        tpu.enqueue_dma source(%arg12 : memref<8x128xf32, #tpu.memory_space<vmem>>) target(%dma_start3A_39 : memref<8x128xf32, #tpu.memory_space<vmem_shared>>) target_semaphore(%run_scoped3A : memref<!tpu.dma_semaphore, #tpu.memory_space<semaphore_mem>>)
        %dma_wait3A = arith.constant 0 : i32
        %dma_wait3A_40 = tpu.memref_slice %arg13[%add3A_35, %dma_wait3A] : memref<10240x128xf32, #tpu.memory_space<vmem_shared>> -> memref<8x128xf32, #tpu.memory_space<vmem_shared>>
        %dma_wait3A_41 = arith.constant 0 : i32
        %dma_wait3A_42 = tpu.memref_slice %arg13[%add3A_35, %dma_wait3A_41] : memref<10240x128xf32, #tpu.memory_space<vmem_shared>> -> memref<8x128xf32, #tpu.memory_space<vmem_shared>>
        tpu.wait_dma2 semaphore(%run_scoped3A : memref<!tpu.dma_semaphore, #tpu.memory_space<semaphore_mem>>) src(%arg12 : memref<8x128xf32, #tpu.memory_space<vmem>>) dst(%dma_wait3A_42 : memref<8x128xf32, #tpu.memory_space<vmem_shared>>)
        tpu.yield
      }) : () -> ()
    }
    %scan3A_10 = arith.constant 80 : i32
    "tpu.region"() ({
      %run_scoped3A = tpu.sem_alloc : memref<!tpu.dma_semaphore, #tpu.memory_space<semaphore_mem>>
      %dma_start3A_28 = arith.constant 0 : i32
      %dma_start3A_29 = arith.constant 0 : i32
      %dma_start3A_30 = tpu.memref_slice %arg3[%add3A, %dma_start3A_28, %dma_start3A_29] : memref<32x125x80xi32, #tpu.memory_space<hbm>> -> memref<1x125x80xi32, #tpu.memory_space<hbm>>
      %dma_start3A_31 = tpu.memref_squeeze %dma_start3A_30 : memref<1x125x80xi32, #tpu.memory_space<hbm>> -> memref<125x80xi32, #tpu.memory_space<hbm>>
      %dma_start3A_32 = arith.constant 0 : i32
      %dma_start3A_33 = arith.constant 0 : i32
      %dma_start3A_34 = tpu.memref_slice %arg3[%add3A, %dma_start3A_32, %dma_start3A_33] : memref<32x125x80xi32, #tpu.memory_space<hbm>> -> memref<1x125x80xi32, #tpu.memory_space<hbm>>
      %dma_start3A_35 = tpu.memref_squeeze %dma_start3A_34 : memref<1x125x80xi32, #tpu.memory_space<hbm>> -> memref<125x80xi32, #tpu.memory_space<hbm>>
      tpu.enqueue_dma source(%dma_start3A_35 : memref<125x80xi32, #tpu.memory_space<hbm>>) target(%arg5 : memref<125x80xi32, #tpu.memory_space<vmem>>) target_semaphore(%run_scoped3A : memref<!tpu.dma_semaphore, #tpu.memory_space<semaphore_mem>>)
      %dma_wait3A = arith.constant 0 : i32
      %dma_wait3A_36 = arith.constant 0 : i32
      %dma_wait3A_37 = tpu.memref_slice %arg3[%add3A, %dma_wait3A, %dma_wait3A_36] : memref<32x125x80xi32, #tpu.memory_space<hbm>> -> memref<1x125x80xi32, #tpu.memory_space<hbm>>
      %dma_wait3A_38 = tpu.memref_squeeze %dma_wait3A_37 : memref<1x125x80xi32, #tpu.memory_space<hbm>> -> memref<125x80xi32, #tpu.memory_space<hbm>>
      %dma_wait3A_39 = arith.constant 0 : i32
      %dma_wait3A_40 = arith.constant 0 : i32
      %dma_wait3A_41 = tpu.memref_slice %arg3[%add3A, %dma_wait3A_39, %dma_wait3A_40] : memref<32x125x80xi32, #tpu.memory_space<hbm>> -> memref<1x125x80xi32, #tpu.memory_space<hbm>>
      %dma_wait3A_42 = tpu.memref_squeeze %dma_wait3A_41 : memref<1x125x80xi32, #tpu.memory_space<hbm>> -> memref<125x80xi32, #tpu.memory_space<hbm>>
      tpu.wait_dma2 semaphore(%run_scoped3A : memref<!tpu.dma_semaphore, #tpu.memory_space<semaphore_mem>>) src(%dma_wait3A_42 : memref<125x80xi32, #tpu.memory_space<hbm>>) dst(%arg5 : memref<125x80xi32, #tpu.memory_space<vmem>>)
      tpu.yield
    }) : () -> ()
    %barrier3A = arith.constant 0 : index
    tpu.barrier barrier_id(%barrier3A)
    %scan3A_11 = arith.constant 0 : i32
    %scan3A_12 = arith.constant 5 : i32
    %scan3A_13 = arith.addi %scan3A_11, %scan3A_12 : i32
    %scan3A_14 = arith.constant 1 : i32
    scf.for %scan3A_28 = %scan3A_11 to %scan3A_13 step %scan3A_14  : i32 {
      %mul3A_29 = arith.constant 16 : i32
      %mul3A_30 = arith.muli %scan3A_28, %mul3A_29 : i32
      %add3A_31 = arith.constant 0 : i32
      %add3A_32 = arith.addi %add3A_31, %mul3A_30 : i32
      %get3A = arith.constant 0 : i32
      %get3A_33 = arith.index_cast %get3A : i32 to index
      %get3A_34 = arith.index_cast %add3A_32 : i32 to index
      %get3A_35 = tpu.vector_load %arg5[%get3A_33, %get3A_34] {strides = array<i32>} : memref<125x80xi32, #tpu.memory_space<vmem>>, vector<16xi32>,
      %shift_right_logical3A = arith.constant 14 : i32
      %shift_right_logical3A_36 = vector.broadcast %shift_right_logical3A : i32 to vector<16xi32>
      %shift_right_logical3A_37 = arith.shrui %get3A_35, %shift_right_logical3A_36 : vector<16xi32>
      %swap3A = arith.index_cast %add3A_32 : i32 to index
      %swap3A_38 = tpu.vector_load %arg6[%swap3A] {strides = array<i32>} : memref<80xi32, #tpu.memory_space<vmem>>, vector<16xi32>,
      tpu.vector_store %arg6[%swap3A], %shift_right_logical3A_37 {strides = array<i32>} : memref<80xi32, #tpu.memory_space<vmem>>, vector<16xi32>,
      %and3A = arith.constant 16383 : i32
      %and3A_39 = vector.broadcast %and3A : i32 to vector<16xi32>
      %and3A_40 = arith.andi %get3A_35, %and3A_39 : vector<16xi32>
      %swap3A_41 = arith.constant 0 : i32
      %swap3A_42 = arith.index_cast %swap3A_41 : i32 to index
      %swap3A_43 = arith.index_cast %add3A_32 : i32 to index
      %swap3A_44 = tpu.vector_load %arg8[%swap3A_42, %swap3A_43] {strides = array<i32>} : memref<1x80xi32, #tpu.memory_space<vmem>>, vector<16xi32>,
      tpu.vector_store %arg8[%swap3A_42, %swap3A_43], %and3A_40 {strides = array<i32>} : memref<1x80xi32, #tpu.memory_space<vmem>>, vector<16xi32>,
    }
    %scan3A_15 = arith.constant 5 : i32
    %dma_start3A = arith.constant 0 : i32
    %dma_start3A_16 = arith.constant 0 : i32
    %dma_start3A_17 = tpu.memref_slice %arg2[%dma_start3A, %dma_start3A_16] : memref<10000x128xf32, #tpu.memory_space<hbm>> -> memref<10000x128xf32, #tpu.memory_space<hbm>>
    tpu.enqueue_indirect_dma source(%dma_start3A_17 : memref<10000x128xf32, #tpu.memory_space<hbm>>) target(%arg10 : memref<80x128xf32, #tpu.memory_space<vmem>>) offsets(%arg6 : memref<80xi32, #tpu.memory_space<vmem>>) semaphore(%arg14 : memref<!tpu.dma_semaphore, #tpu.memory_space<semaphore_mem>>)
    %scan3A_18 = arith.constant 0 : i32
    %scan3A_19 = arith.constant 63 : i32
    %scan3A_20 = arith.addi %scan3A_18, %scan3A_19 : i32
    %scan3A_21 = arith.constant 1 : i32
    scf.for %scan3A_28 = %scan3A_18 to %scan3A_20 step %scan3A_21  : i32 {
      %mul3A_29 = arith.constant 2 : i32
      %mul3A_30 = arith.muli %scan3A_28, %mul3A_29 : i32
      %add3A_31 = arith.constant 0 : i32
      %add3A_32 = arith.addi %add3A_31, %mul3A_30 : i32
      %dma_wait3A = arith.constant 0 : i32
      %dma_wait3A_33 = arith.constant 0 : i32
      %dma_wait3A_34 = tpu.memref_slice %arg2[%dma_wait3A, %dma_wait3A_33] : memref<10000x128xf32, #tpu.memory_space<hbm>> -> memref<10000x128xf32, #tpu.memory_space<hbm>>
      tpu.wait_indirect_dma semaphore(%arg14 : memref<!tpu.dma_semaphore, #tpu.memory_space<semaphore_mem>>) src(%dma_wait3A_34 : memref<10000x128xf32, #tpu.memory_space<hbm>>) dst(%arg10 : memref<80x128xf32, #tpu.memory_space<vmem>>)
      %add3A_35 = arith.constant 1 : i32
      %add3A_36 = arith.addi %add3A_32, %add3A_35 : i32
      %lt3A = arith.constant 125 : i32
      %lt3A_37 = arith.cmpi slt, %add3A_36, %lt3A : i32
      %convert_element_type3A = arith.extui %lt3A_37 : i1 to i32
      %cond3A = arith.constant 0 : i32
      %cond3A_38 = arith.cmpi ne, %convert_element_type3A, %cond3A : i32
      scf.if %cond3A_38 {
        %add3A_46 = arith.constant 1 : i32
        %add3A_47 = arith.addi %add3A_32, %add3A_46 : i32
        %scan3A_48 = arith.constant 0 : i32
        %scan3A_49 = arith.constant 5 : i32
        %scan3A_50 = arith.addi %scan3A_48, %scan3A_49 : i32
        %scan3A_51 = arith.constant 1 : i32
        scf.for %scan3A_56 = %scan3A_48 to %scan3A_50 step %scan3A_51  : i32 {
          %mul3A_57 = arith.constant 16 : i32
          %mul3A_58 = arith.muli %scan3A_56, %mul3A_57 : i32
          %add3A_59 = arith.constant 0 : i32
          %add3A_60 = arith.addi %add3A_59, %mul3A_58 : i32
          %get3A = arith.index_cast %add3A_47 : i32 to index
          %get3A_61 = arith.index_cast %add3A_60 : i32 to index
          %get3A_62 = tpu.vector_load %arg5[%get3A, %get3A_61] {strides = array<i32>} : memref<125x80xi32, #tpu.memory_space<vmem>>, vector<16xi32>,
          %shift_right_logical3A = arith.constant 14 : i32
          %shift_right_logical3A_63 = vector.broadcast %shift_right_logical3A : i32 to vector<16xi32>
          %shift_right_logical3A_64 = arith.shrui %get3A_62, %shift_right_logical3A_63 : vector<16xi32>
          %swap3A = arith.index_cast %add3A_60 : i32 to index
          %swap3A_65 = tpu.vector_load %arg7[%swap3A] {strides = array<i32>} : memref<80xi32, #tpu.memory_space<vmem>>, vector<16xi32>,
          tpu.vector_store %arg7[%swap3A], %shift_right_logical3A_64 {strides = array<i32>} : memref<80xi32, #tpu.memory_space<vmem>>, vector<16xi32>,
          %and3A = arith.constant 16383 : i32
          %and3A_66 = vector.broadcast %and3A : i32 to vector<16xi32>
          %and3A_67 = arith.andi %get3A_62, %and3A_66 : vector<16xi32>
          %swap3A_68 = arith.constant 0 : i32
          %swap3A_69 = arith.index_cast %swap3A_68 : i32 to index
          %swap3A_70 = arith.index_cast %add3A_60 : i32 to index
          %swap3A_71 = tpu.vector_load %arg9[%swap3A_69, %swap3A_70] {strides = array<i32>} : memref<1x80xi32, #tpu.memory_space<vmem>>, vector<16xi32>,
          tpu.vector_store %arg9[%swap3A_69, %swap3A_70], %and3A_67 {strides = array<i32>} : memref<1x80xi32, #tpu.memory_space<vmem>>, vector<16xi32>,
        }
        %scan3A_52 = arith.constant 5 : i32
        %dma_start3A_53 = arith.constant 0 : i32
        %dma_start3A_54 = arith.constant 0 : i32
        %dma_start3A_55 = tpu.memref_slice %arg2[%dma_start3A_53, %dma_start3A_54] : memref<10000x128xf32, #tpu.memory_space<hbm>> -> memref<10000x128xf32, #tpu.memory_space<hbm>>
        tpu.enqueue_indirect_dma source(%dma_start3A_55 : memref<10000x128xf32, #tpu.memory_space<hbm>>) target(%arg11 : memref<80x128xf32, #tpu.memory_space<vmem>>) offsets(%arg7 : memref<80xi32, #tpu.memory_space<vmem>>) semaphore(%arg15 : memref<!tpu.dma_semaphore, #tpu.memory_space<semaphore_mem>>)
      } else {
      }
      %run_scoped3A = arith.constant 0 : i32
      "tpu.region"() ({
        %run_scoped3A_46 = tpu.sem_alloc : memref<!tpu.dma_semaphore, #tpu.memory_space<semaphore_mem>>
        %dma_start3A_47 = arith.constant 0 : i32
        %dma_start3A_48 = tpu.memref_slice %arg8[%run_scoped3A, %dma_start3A_47] : memref<1x80xi32, #tpu.memory_space<vmem>> -> memref<1x80xi32, #tpu.memory_space<vmem>>
        %dma_start3A_49 = tpu.memref_squeeze %dma_start3A_48 : memref<1x80xi32, #tpu.memory_space<vmem>> -> memref<80xi32, #tpu.memory_space<vmem>>
        %dma_start3A_50 = arith.constant 0 : i32
        %dma_start3A_51 = arith.constant 0 : i32
        %dma_start3A_52 = tpu.memref_slice %arg13[%dma_start3A_50, %dma_start3A_51] : memref<10240x128xf32, #tpu.memory_space<vmem_shared>> -> memref<10240x128xf32, #tpu.memory_space<vmem_shared>>
        tpu.enqueue_indirect_dma source(%arg10 : memref<80x128xf32, #tpu.memory_space<vmem>>) target(%dma_start3A_52 : memref<10240x128xf32, #tpu.memory_space<vmem_shared>>) offsets(%dma_start3A_49 : memref<80xi32, #tpu.memory_space<vmem>>) semaphore(%run_scoped3A_46 : memref<!tpu.dma_semaphore, #tpu.memory_space<semaphore_mem>>) {add = true}
        %dma_wait3A_53 = arith.constant 0 : i32
        %dma_wait3A_54 = tpu.memref_slice %arg8[%run_scoped3A, %dma_wait3A_53] : memref<1x80xi32, #tpu.memory_space<vmem>> -> memref<1x80xi32, #tpu.memory_space<vmem>>
        %dma_wait3A_55 = tpu.memref_squeeze %dma_wait3A_54 : memref<1x80xi32, #tpu.memory_space<vmem>> -> memref<80xi32, #tpu.memory_space<vmem>>
        %dma_wait3A_56 = arith.constant 0 : i32
        %dma_wait3A_57 = arith.constant 0 : i32
        %dma_wait3A_58 = tpu.memref_slice %arg13[%dma_wait3A_56, %dma_wait3A_57] : memref<10240x128xf32, #tpu.memory_space<vmem_shared>> -> memref<10240x128xf32, #tpu.memory_space<vmem_shared>>
        tpu.wait_indirect_dma semaphore(%run_scoped3A_46 : memref<!tpu.dma_semaphore, #tpu.memory_space<semaphore_mem>>) src(%arg10 : memref<80x128xf32, #tpu.memory_space<vmem>>) dst(%dma_wait3A_58 : memref<10240x128xf32, #tpu.memory_space<vmem_shared>>)
        tpu.yield
      }) : () -> ()
      %add3A_39 = arith.constant 1 : i32
      %add3A_40 = arith.addi %add3A_32, %add3A_39 : i32
      %lt3A_41 = arith.constant 125 : i32
      %lt3A_42 = arith.cmpi slt, %add3A_40, %lt3A_41 : i32
      %convert_element_type3A_43 = arith.extui %lt3A_42 : i1 to i32
      %cond3A_44 = arith.constant 0 : i32
      %cond3A_45 = arith.cmpi ne, %convert_element_type3A_43, %cond3A_44 : i32
      scf.if %cond3A_45 {
        %dma_wait3A_46 = arith.constant 0 : i32
        %dma_wait3A_47 = arith.constant 0 : i32
        %dma_wait3A_48 = tpu.memref_slice %arg2[%dma_wait3A_46, %dma_wait3A_47] : memref<10000x128xf32, #tpu.memory_space<hbm>> -> memref<10000x128xf32, #tpu.memory_space<hbm>>
        tpu.wait_indirect_dma semaphore(%arg15 : memref<!tpu.dma_semaphore, #tpu.memory_space<semaphore_mem>>) src(%dma_wait3A_48 : memref<10000x128xf32, #tpu.memory_space<hbm>>) dst(%arg11 : memref<80x128xf32, #tpu.memory_space<vmem>>)
        %add3A_49 = arith.constant 2 : i32
        %add3A_50 = arith.addi %add3A_32, %add3A_49 : i32
        %lt3A_51 = arith.constant 125 : i32
        %lt3A_52 = arith.cmpi slt, %add3A_50, %lt3A_51 : i32
        %convert_element_type3A_53 = arith.extui %lt3A_52 : i1 to i32
        %cond3A_54 = arith.constant 0 : i32
        %cond3A_55 = arith.cmpi ne, %convert_element_type3A_53, %cond3A_54 : i32
        scf.if %cond3A_55 {
          %add3A_57 = arith.constant 2 : i32
          %add3A_58 = arith.addi %add3A_32, %add3A_57 : i32
          %scan3A_59 = arith.constant 0 : i32
          %scan3A_60 = arith.constant 5 : i32
          %scan3A_61 = arith.addi %scan3A_59, %scan3A_60 : i32
          %scan3A_62 = arith.constant 1 : i32
          scf.for %scan3A_67 = %scan3A_59 to %scan3A_61 step %scan3A_62  : i32 {
            %mul3A_68 = arith.constant 16 : i32
            %mul3A_69 = arith.muli %scan3A_67, %mul3A_68 : i32
            %add3A_70 = arith.constant 0 : i32
            %add3A_71 = arith.addi %add3A_70, %mul3A_69 : i32
            %get3A = arith.index_cast %add3A_58 : i32 to index
            %get3A_72 = arith.index_cast %add3A_71 : i32 to index
            %get3A_73 = tpu.vector_load %arg5[%get3A, %get3A_72] {strides = array<i32>} : memref<125x80xi32, #tpu.memory_space<vmem>>, vector<16xi32>,
            %shift_right_logical3A = arith.constant 14 : i32
            %shift_right_logical3A_74 = vector.broadcast %shift_right_logical3A : i32 to vector<16xi32>
            %shift_right_logical3A_75 = arith.shrui %get3A_73, %shift_right_logical3A_74 : vector<16xi32>
            %swap3A = arith.index_cast %add3A_71 : i32 to index
            %swap3A_76 = tpu.vector_load %arg6[%swap3A] {strides = array<i32>} : memref<80xi32, #tpu.memory_space<vmem>>, vector<16xi32>,
            tpu.vector_store %arg6[%swap3A], %shift_right_logical3A_75 {strides = array<i32>} : memref<80xi32, #tpu.memory_space<vmem>>, vector<16xi32>,
            %and3A = arith.constant 16383 : i32
            %and3A_77 = vector.broadcast %and3A : i32 to vector<16xi32>
            %and3A_78 = arith.andi %get3A_73, %and3A_77 : vector<16xi32>
            %swap3A_79 = arith.constant 0 : i32
            %swap3A_80 = arith.index_cast %swap3A_79 : i32 to index
            %swap3A_81 = arith.index_cast %add3A_71 : i32 to index
            %swap3A_82 = tpu.vector_load %arg8[%swap3A_80, %swap3A_81] {strides = array<i32>} : memref<1x80xi32, #tpu.memory_space<vmem>>, vector<16xi32>,
            tpu.vector_store %arg8[%swap3A_80, %swap3A_81], %and3A_78 {strides = array<i32>} : memref<1x80xi32, #tpu.memory_space<vmem>>, vector<16xi32>,
          }
          %scan3A_63 = arith.constant 5 : i32
          %dma_start3A_64 = arith.constant 0 : i32
          %dma_start3A_65 = arith.constant 0 : i32
          %dma_start3A_66 = tpu.memref_slice %arg2[%dma_start3A_64, %dma_start3A_65] : memref<10000x128xf32, #tpu.memory_space<hbm>> -> memref<10000x128xf32, #tpu.memory_space<hbm>>
          tpu.enqueue_indirect_dma source(%dma_start3A_66 : memref<10000x128xf32, #tpu.memory_space<hbm>>) target(%arg10 : memref<80x128xf32, #tpu.memory_space<vmem>>) offsets(%arg6 : memref<80xi32, #tpu.memory_space<vmem>>) semaphore(%arg14 : memref<!tpu.dma_semaphore, #tpu.memory_space<semaphore_mem>>)
        } else {
        }
        %run_scoped3A_56 = arith.constant 0 : i32
        "tpu.region"() ({
          %run_scoped3A_57 = tpu.sem_alloc : memref<!tpu.dma_semaphore, #tpu.memory_space<semaphore_mem>>
          %dma_start3A_58 = arith.constant 0 : i32
          %dma_start3A_59 = tpu.memref_slice %arg9[%run_scoped3A_56, %dma_start3A_58] : memref<1x80xi32, #tpu.memory_space<vmem>> -> memref<1x80xi32, #tpu.memory_space<vmem>>
          %dma_start3A_60 = tpu.memref_squeeze %dma_start3A_59 : memref<1x80xi32, #tpu.memory_space<vmem>> -> memref<80xi32, #tpu.memory_space<vmem>>
          %dma_start3A_61 = arith.constant 0 : i32
          %dma_start3A_62 = arith.constant 0 : i32
          %dma_start3A_63 = tpu.memref_slice %arg13[%dma_start3A_61, %dma_start3A_62] : memref<10240x128xf32, #tpu.memory_space<vmem_shared>> -> memref<10240x128xf32, #tpu.memory_space<vmem_shared>>
          tpu.enqueue_indirect_dma source(%arg11 : memref<80x128xf32, #tpu.memory_space<vmem>>) target(%dma_start3A_63 : memref<10240x128xf32, #tpu.memory_space<vmem_shared>>) offsets(%dma_start3A_60 : memref<80xi32, #tpu.memory_space<vmem>>) semaphore(%run_scoped3A_57 : memref<!tpu.dma_semaphore, #tpu.memory_space<semaphore_mem>>) {add = true}
          %dma_wait3A_64 = arith.constant 0 : i32
          %dma_wait3A_65 = tpu.memref_slice %arg9[%run_scoped3A_56, %dma_wait3A_64] : memref<1x80xi32, #tpu.memory_space<vmem>> -> memref<1x80xi32, #tpu.memory_space<vmem>>
          %dma_wait3A_66 = tpu.memref_squeeze %dma_wait3A_65 : memref<1x80xi32, #tpu.memory_space<vmem>> -> memref<80xi32, #tpu.memory_space<vmem>>
          %dma_wait3A_67 = arith.constant 0 : i32
          %dma_wait3A_68 = arith.constant 0 : i32
          %dma_wait3A_69 = tpu.memref_slice %arg13[%dma_wait3A_67, %dma_wait3A_68] : memref<10240x128xf32, #tpu.memory_space<vmem_shared>> -> memref<10240x128xf32, #tpu.memory_space<vmem_shared>>
          tpu.wait_indirect_dma semaphore(%run_scoped3A_57 : memref<!tpu.dma_semaphore, #tpu.memory_space<semaphore_mem>>) src(%arg11 : memref<80x128xf32, #tpu.memory_space<vmem>>) dst(%dma_wait3A_69 : memref<10240x128xf32, #tpu.memory_space<vmem_shared>>)
          tpu.yield
        }) : () -> ()
      } else {
      }
    }
    %scan3A_22 = arith.constant 63 : i32
    %barrier3A_23 = arith.constant 0 : index
    tpu.barrier barrier_id(%barrier3A_23)
    %mul3A_24 = arith.constant 640 : i32
    %mul3A_25 = arith.muli %arg1, %mul3A_24 : i32
    %mul3A_26 = arith.constant 640 : i32
    %mul3A_27 = arith.muli %arg1, %mul3A_26 : i32
    "tpu.region"() ({
      %run_scoped3A = tpu.sem_alloc : memref<!tpu.dma_semaphore, #tpu.memory_space<semaphore_mem>>
      %dma_start3A_28 = arith.constant 0 : i32
      %dma_start3A_29 = arith.constant 0 : i32
      %dma_start3A_30 = tpu.memref_slice %arg4[%arg0, %dma_start3A_28, %dma_start3A_29] : memref<2x10240x128xf32, #tpu.memory_space<hbm>> -> memref<1x10240x128xf32, #tpu.memory_space<hbm>>
      %dma_start3A_31 = tpu.memref_squeeze %dma_start3A_30 : memref<1x10240x128xf32, #tpu.memory_space<hbm>> -> memref<10240x128xf32, #tpu.memory_space<hbm>>
      %dma_start3A_32 = arith.constant 0 : i32
      %dma_start3A_33 = tpu.memref_slice %dma_start3A_31[%mul3A_27, %dma_start3A_32] : memref<10240x128xf32, #tpu.memory_space<hbm>> -> memref<640x128xf32, #tpu.memory_space<hbm>>
      %dma_start3A_34 = arith.constant 0 : i32
      %dma_start3A_35 = tpu.memref_slice %arg13[%mul3A_25, %dma_start3A_34] : memref<10240x128xf32, #tpu.memory_space<vmem_shared>> -> memref<640x128xf32, #tpu.memory_space<vmem_shared>>
      tpu.enqueue_dma source(%dma_start3A_35 : memref<640x128xf32, #tpu.memory_space<vmem_shared>>) target(%dma_start3A_33 : memref<640x128xf32, #tpu.memory_space<hbm>>) target_semaphore(%run_scoped3A : memref<!tpu.dma_semaphore, #tpu.memory_space<semaphore_mem>>)
      %dma_wait3A = arith.constant 0 : i32
      %dma_wait3A_36 = arith.constant 0 : i32
      %dma_wait3A_37 = tpu.memref_slice %arg4[%arg0, %dma_wait3A, %dma_wait3A_36] : memref<2x10240x128xf32, #tpu.memory_space<hbm>> -> memref<1x10240x128xf32, #tpu.memory_space<hbm>>
      %dma_wait3A_38 = tpu.memref_squeeze %dma_wait3A_37 : memref<1x10240x128xf32, #tpu.memory_space<hbm>> -> memref<10240x128xf32, #tpu.memory_space<hbm>>
      %dma_wait3A_39 = arith.constant 0 : i32
      %dma_wait3A_40 = tpu.memref_slice %dma_wait3A_38[%mul3A_27, %dma_wait3A_39] : memref<10240x128xf32, #tpu.memory_space<hbm>> -> memref<640x128xf32, #tpu.memory_space<hbm>>
      %dma_wait3A_41 = arith.constant 0 : i32
      %dma_wait3A_42 = tpu.memref_slice %arg13[%mul3A_25, %dma_wait3A_41] : memref<10240x128xf32, #tpu.memory_space<vmem_shared>> -> memref<640x128xf32, #tpu.memory_space<vmem_shared>>
      tpu.wait_dma2 semaphore(%run_scoped3A : memref<!tpu.dma_semaphore, #tpu.memory_space<semaphore_mem>>) src(%dma_wait3A_42 : memref<640x128xf32, #tpu.memory_space<vmem_shared>>) dst(%dma_wait3A_40 : memref<640x128xf32, #tpu.memory_space<hbm>>)
      tpu.yield
    }) : () -> ()
    return
  }
}

#map = affine_map<(d0, d1) -> (0, 0)>
#map1 = affine_map<(d0, d1) -> (0, 0, 0)>
module attributes {stable_mosaic.version = 14 : i64} {
  func.func @scat_kernel(%arg0: i32, %arg1: i32, %arg2: memref<10000x128xf32, #tpu.memory_space<hbm>>, %arg3: memref<32x125x80xi32, #tpu.memory_space<hbm>>, %arg4: memref<2x10240x128xf32, #tpu.memory_space<hbm>>, %arg5: memref<125x80xi32, #tpu.memory_space<vmem>>, %arg6: memref<80xi32, #tpu.memory_space<vmem>>, %arg7: memref<80xi32, #tpu.memory_space<vmem>>, %arg8: memref<1x80xi32, #tpu.memory_space<vmem>>, %arg9: memref<1x80xi32, #tpu.memory_space<vmem>>, %arg10: memref<80x128xf32, #tpu.memory_space<vmem>>, %arg11: memref<80x128xf32, #tpu.memory_space<vmem>>, %arg12: memref<8x128xf32, #tpu.memory_space<vmem>>, %arg13: memref<10240x128xf32, #tpu.memory_space<vmem_shared>>, %arg14: memref<!tpu.dma_semaphore, #tpu.memory_space<semaphore_mem>>, %arg15: memref<!tpu.dma_semaphore, #tpu.memory_space<semaphore_mem>>) attributes {dimension_semantics = [#tpu.dimension_semantics<core_parallel>, #tpu.dimension_semantics<subcore_parallel>], iteration_bounds = array<i64: 2, 16>, scalar_prefetch = 0 : i64, scratch_operands = 11 : i64, tpu.core_type = #tpu.core_type<sc_vector_subcore>, window_params = [{transform_indices = #map}, {transform_indices = #map1}, {transform_indices = #map1}]} {
    %mul3A = arith.constant 16 : i32
    %mul3A_0 = arith.muli %arg0, %mul3A : i32
    %add3A = arith.addi %mul3A_0, %arg1 : i32
    %broadcast_in_dim3A = arith.constant 0.000000e+00 : f32
    %broadcast_in_dim3A_1 = vector.broadcast %broadcast_in_dim3A : f32 to vector<16xf32>
    %scan3A = arith.constant 0 : i32
    %scan3A_2 = arith.constant 8 : i32
    %scan3A_3 = arith.addi %scan3A, %scan3A_2 : i32
    %scan3A_4 = arith.constant 1 : i32
    scf.for %scan3A_28 = %scan3A to %scan3A_3 step %scan3A_4  : i32 {
      %mul3A_29 = arith.constant 1 : i32
      %mul3A_30 = arith.muli %scan3A_28, %mul3A_29 : i32
      %add3A_31 = arith.constant 0 : i32
      %add3A_32 = arith.addi %add3A_31, %mul3A_30 : i32
      %scan3A_33 = arith.constant 0 : i32
      %scan3A_34 = arith.constant 8 : i32
      %scan3A_35 = arith.addi %scan3A_33, %scan3A_34 : i32
      %scan3A_36 = arith.constant 1 : i32
      scf.for %scan3A_38 = %scan3A_33 to %scan3A_35 step %scan3A_36  : i32 {
        %mul3A_39 = arith.constant 16 : i32
        %mul3A_40 = arith.muli %scan3A_38, %mul3A_39 : i32
        %add3A_41 = arith.constant 0 : i32
        %add3A_42 = arith.addi %add3A_41, %mul3A_40 : i32
        %swap3A = arith.index_cast %add3A_32 : i32 to index
        %swap3A_43 = arith.index_cast %add3A_42 : i32 to index
        %swap3A_44 = tpu.vector_load %arg12[%swap3A, %swap3A_43] {strides = array<i32>} : memref<8x128xf32, #tpu.memory_space<vmem>>, vector<16xf32>,
        tpu.vector_store %arg12[%swap3A, %swap3A_43], %broadcast_in_dim3A_1 {strides = array<i32>} : memref<8x128xf32, #tpu.memory_space<vmem>>, vector<16xf32>,
      }
      %scan3A_37 = arith.constant 8 : i32
    }
    %scan3A_5 = arith.constant 8 : i32
    %scan3A_6 = arith.constant 0 : i32
    %scan3A_7 = arith.constant 80 : i32
    %scan3A_8 = arith.addi %scan3A_6, %scan3A_7 : i32
    %scan3A_9 = arith.constant 1 : i32
    scf.for %scan3A_28 = %scan3A_6 to %scan3A_8 step %scan3A_9  : i32 {
      %mul3A_29 = arith.constant 8 : i32
      %mul3A_30 = arith.muli %scan3A_28, %mul3A_29 : i32
      %add3A_31 = arith.constant 0 : i32
      %add3A_32 = arith.addi %add3A_31, %mul3A_30 : i32
      %mul3A_33 = arith.constant 640 : i32
      %mul3A_34 = arith.muli %arg1, %mul3A_33 : i32
      %add3A_35 = arith.addi %mul3A_34, %add3A_32 : i32
      "tpu.region"() ({
        %run_scoped3A = tpu.sem_alloc : memref<!tpu.dma_semaphore, #tpu.memory_space<semaphore_mem>>
        %dma_start3A_36 = arith.constant 0 : i32
        %dma_start3A_37 = tpu.memref_slice %arg13[%add3A_35, %dma_start3A_36] : memref<10240x128xf32, #tpu.memory_space<vmem_shared>> -> memref<8x128xf32, #tpu.memory_space<vmem_shared>>
        %dma_start3A_38 = arith.constant 0 : i32
        %dma_start3A_39 = tpu.memref_slice %arg13[%add3A_35, %dma_start3A_38] : memref<10240x128xf32, #tpu.memory_space<vmem_shared>> -> memref<8x128xf32, #tpu.memory_space<vmem_shared>>
        tpu.enqueue_dma source(%arg12 : memref<8x128xf32, #tpu.memory_space<vmem>>) target(%dma_start3A_39 : memref<8x128xf32, #tpu.memory_space<vmem_shared>>) target_semaphore(%run_scoped3A : memref<!tpu.dma_semaphore, #tpu.memory_space<semaphore_mem>>)
        %dma_wait3A = arith.constant 0 : i32
        %dma_wait3A_40 = tpu.memref_slice %arg13[%add3A_35, %dma_wait3A] : memref<10240x128xf32, #tpu.memory_space<vmem_shared>> -> memref<8x128xf32, #tpu.memory_space<vmem_shared>>
        %dma_wait3A_41 = arith.constant 0 : i32
        %dma_wait3A_42 = tpu.memref_slice %arg13[%add3A_35, %dma_wait3A_41] : memref<10240x128xf32, #tpu.memory_space<vmem_shared>> -> memref<8x128xf32, #tpu.memory_space<vmem_shared>>
        tpu.wait_dma2 semaphore(%run_scoped3A : memref<!tpu.dma_semaphore, #tpu.memory_space<semaphore_mem>>) src(%arg12 : memref<8x128xf32, #tpu.memory_space<vmem>>) dst(%dma_wait3A_42 : memref<8x128xf32, #tpu.memory_space<vmem_shared>>)
        tpu.yield
      }) : () -> ()
    }
    %scan3A_10 = arith.constant 80 : i32
    "tpu.region"() ({
      %run_scoped3A = tpu.sem_alloc : memref<!tpu.dma_semaphore, #tpu.memory_space<semaphore_mem>>
      %dma_start3A_28 = arith.constant 0 : i32
      %dma_start3A_29 = arith.constant 0 : i32
      %dma_start3A_30 = tpu.memref_slice %arg3[%add3A, %dma_start3A_28, %dma_start3A_29] : memref<32x125x80xi32, #tpu.memory_space<hbm>> -> memref<1x125x80xi32, #tpu.memory_space<hbm>>
      %dma_start3A_31 = tpu.memref_squeeze %dma_start3A_30 : memref<1x125x80xi32, #tpu.memory_space<hbm>> -> memref<125x80xi32, #tpu.memory_space<hbm>>
      %dma_start3A_32 = arith.constant 0 : i32
      %dma_start3A_33 = arith.constant 0 : i32
      %dma_start3A_34 = tpu.memref_slice %arg3[%add3A, %dma_start3A_32, %dma_start3A_33] : memref<32x125x80xi32, #tpu.memory_space<hbm>> -> memref<1x125x80xi32, #tpu.memory_space<hbm>>
      %dma_start3A_35 = tpu.memref_squeeze %dma_start3A_34 : memref<1x125x80xi32, #tpu.memory_space<hbm>> -> memref<125x80xi32, #tpu.memory_space<hbm>>
      tpu.enqueue_dma source(%dma_start3A_35 : memref<125x80xi32, #tpu.memory_space<hbm>>) target(%arg5 : memref<125x80xi32, #tpu.memory_space<vmem>>) target_semaphore(%run_scoped3A : memref<!tpu.dma_semaphore, #tpu.memory_space<semaphore_mem>>)
      %dma_wait3A = arith.constant 0 : i32
      %dma_wait3A_36 = arith.constant 0 : i32
      %dma_wait3A_37 = tpu.memref_slice %arg3[%add3A, %dma_wait3A, %dma_wait3A_36] : memref<32x125x80xi32, #tpu.memory_space<hbm>> -> memref<1x125x80xi32, #tpu.memory_space<hbm>>
      %dma_wait3A_38 = tpu.memref_squeeze %dma_wait3A_37 : memref<1x125x80xi32, #tpu.memory_space<hbm>> -> memref<125x80xi32, #tpu.memory_space<hbm>>
      %dma_wait3A_39 = arith.constant 0 : i32
      %dma_wait3A_40 = arith.constant 0 : i32
      %dma_wait3A_41 = tpu.memref_slice %arg3[%add3A, %dma_wait3A_39, %dma_wait3A_40] : memref<32x125x80xi32, #tpu.memory_space<hbm>> -> memref<1x125x80xi32, #tpu.memory_space<hbm>>
      %dma_wait3A_42 = tpu.memref_squeeze %dma_wait3A_41 : memref<1x125x80xi32, #tpu.memory_space<hbm>> -> memref<125x80xi32, #tpu.memory_space<hbm>>
      tpu.wait_dma2 semaphore(%run_scoped3A : memref<!tpu.dma_semaphore, #tpu.memory_space<semaphore_mem>>) src(%dma_wait3A_42 : memref<125x80xi32, #tpu.memory_space<hbm>>) dst(%arg5 : memref<125x80xi32, #tpu.memory_space<vmem>>)
      tpu.yield
    }) : () -> ()
    %barrier3A = arith.constant 0 : index
    tpu.barrier barrier_id(%barrier3A)
    %scan3A_11 = arith.constant 0 : i32
    %scan3A_12 = arith.constant 5 : i32
    %scan3A_13 = arith.addi %scan3A_11, %scan3A_12 : i32
    %scan3A_14 = arith.constant 1 : i32
    scf.for %scan3A_28 = %scan3A_11 to %scan3A_13 step %scan3A_14  : i32 {
      %mul3A_29 = arith.constant 16 : i32
      %mul3A_30 = arith.muli %scan3A_28, %mul3A_29 : i32
      %add3A_31 = arith.constant 0 : i32
      %add3A_32 = arith.addi %add3A_31, %mul3A_30 : i32
      %get3A = arith.constant 0 : i32
      %get3A_33 = arith.index_cast %get3A : i32 to index
      %get3A_34 = arith.index_cast %add3A_32 : i32 to index
      %get3A_35 = tpu.vector_load %arg5[%get3A_33, %get3A_34] {strides = array<i32>} : memref<125x80xi32, #tpu.memory_space<vmem>>, vector<16xi32>,
      %shift_right_logical3A = arith.constant 14 : i32
      %shift_right_logical3A_36 = vector.broadcast %shift_right_logical3A : i32 to vector<16xi32>
      %shift_right_logical3A_37 = arith.shrui %get3A_35, %shift_right_logical3A_36 : vector<16xi32>
      %swap3A = arith.index_cast %add3A_32 : i32 to index
      %swap3A_38 = tpu.vector_load %arg6[%swap3A] {strides = array<i32>} : memref<80xi32, #tpu.memory_space<vmem>>, vector<16xi32>,
      tpu.vector_store %arg6[%swap3A], %shift_right_logical3A_37 {strides = array<i32>} : memref<80xi32, #tpu.memory_space<vmem>>, vector<16xi32>,
      %and3A = arith.constant 16383 : i32
      %and3A_39 = vector.broadcast %and3A : i32 to vector<16xi32>
      %and3A_40 = arith.andi %get3A_35, %and3A_39 : vector<16xi32>
      %swap3A_41 = arith.constant 0 : i32
      %swap3A_42 = arith.index_cast %swap3A_41 : i32 to index
      %swap3A_43 = arith.index_cast %add3A_32 : i32 to index
      %swap3A_44 = tpu.vector_load %arg8[%swap3A_42, %swap3A_43] {strides = array<i32>} : memref<1x80xi32, #tpu.memory_space<vmem>>, vector<16xi32>,
      tpu.vector_store %arg8[%swap3A_42, %swap3A_43], %and3A_40 {strides = array<i32>} : memref<1x80xi32, #tpu.memory_space<vmem>>, vector<16xi32>,
    }
    %scan3A_15 = arith.constant 5 : i32
    %dma_start3A = arith.constant 0 : i32
    %dma_start3A_16 = arith.constant 0 : i32
    %dma_start3A_17 = tpu.memref_slice %arg2[%dma_start3A, %dma_start3A_16] : memref<10000x128xf32, #tpu.memory_space<hbm>> -> memref<10000x128xf32, #tpu.memory_space<hbm>>
    tpu.enqueue_indirect_dma source(%dma_start3A_17 : memref<10000x128xf32, #tpu.memory_space<hbm>>) target(%arg10 : memref<80x128xf32, #tpu.memory_space<vmem>>) offsets(%arg6 : memref<80xi32, #tpu.memory_space<vmem>>) semaphore(%arg14 : memref<!tpu.dma_semaphore, #tpu.memory_space<semaphore_mem>>)
    %scan3A_18 = arith.constant 0 : i32
    %scan3A_19 = arith.constant 63 : i32
    %scan3A_20 = arith.addi %scan3A_18, %scan3A_19 : i32
    %scan3A_21 = arith.constant 1 : i32
    scf.for %scan3A_28 = %scan3A_18 to %scan3A_20 step %scan3A_21  : i32 {
      %mul3A_29 = arith.constant 2 : i32
      %mul3A_30 = arith.muli %scan3A_28, %mul3A_29 : i32
      %add3A_31 = arith.constant 0 : i32
      %add3A_32 = arith.addi %add3A_31, %mul3A_30 : i32
      %dma_wait3A = arith.constant 0 : i32
      %dma_wait3A_33 = arith.constant 0 : i32
      %dma_wait3A_34 = tpu.memref_slice %arg2[%dma_wait3A, %dma_wait3A_33] : memref<10000x128xf32, #tpu.memory_space<hbm>> -> memref<10000x128xf32, #tpu.memory_space<hbm>>
      tpu.wait_indirect_dma semaphore(%arg14 : memref<!tpu.dma_semaphore, #tpu.memory_space<semaphore_mem>>) src(%dma_wait3A_34 : memref<10000x128xf32, #tpu.memory_space<hbm>>) dst(%arg10 : memref<80x128xf32, #tpu.memory_space<vmem>>)
      %add3A_35 = arith.constant 1 : i32
      %add3A_36 = arith.addi %add3A_32, %add3A_35 : i32
      %lt3A = arith.constant 125 : i32
      %lt3A_37 = arith.cmpi slt, %add3A_36, %lt3A : i32
      %convert_element_type3A = arith.extui %lt3A_37 : i1 to i32
      %cond3A = arith.constant 0 : i32
      %cond3A_38 = arith.cmpi ne, %convert_element_type3A, %cond3A : i32
      scf.if %cond3A_38 {
        %add3A_46 = arith.constant 1 : i32
        %add3A_47 = arith.addi %add3A_32, %add3A_46 : i32
        %scan3A_48 = arith.constant 0 : i32
        %scan3A_49 = arith.constant 5 : i32
        %scan3A_50 = arith.addi %scan3A_48, %scan3A_49 : i32
        %scan3A_51 = arith.constant 1 : i32
        scf.for %scan3A_56 = %scan3A_48 to %scan3A_50 step %scan3A_51  : i32 {
          %mul3A_57 = arith.constant 16 : i32
          %mul3A_58 = arith.muli %scan3A_56, %mul3A_57 : i32
          %add3A_59 = arith.constant 0 : i32
          %add3A_60 = arith.addi %add3A_59, %mul3A_58 : i32
          %get3A = arith.index_cast %add3A_47 : i32 to index
          %get3A_61 = arith.index_cast %add3A_60 : i32 to index
          %get3A_62 = tpu.vector_load %arg5[%get3A, %get3A_61] {strides = array<i32>} : memref<125x80xi32, #tpu.memory_space<vmem>>, vector<16xi32>,
          %shift_right_logical3A = arith.constant 14 : i32
          %shift_right_logical3A_63 = vector.broadcast %shift_right_logical3A : i32 to vector<16xi32>
          %shift_right_logical3A_64 = arith.shrui %get3A_62, %shift_right_logical3A_63 : vector<16xi32>
          %swap3A = arith.index_cast %add3A_60 : i32 to index
          %swap3A_65 = tpu.vector_load %arg7[%swap3A] {strides = array<i32>} : memref<80xi32, #tpu.memory_space<vmem>>, vector<16xi32>,
          tpu.vector_store %arg7[%swap3A], %shift_right_logical3A_64 {strides = array<i32>} : memref<80xi32, #tpu.memory_space<vmem>>, vector<16xi32>,
          %and3A = arith.constant 16383 : i32
          %and3A_66 = vector.broadcast %and3A : i32 to vector<16xi32>
          %and3A_67 = arith.andi %get3A_62, %and3A_66 : vector<16xi32>
          %swap3A_68 = arith.constant 0 : i32
          %swap3A_69 = arith.index_cast %swap3A_68 : i32 to index
          %swap3A_70 = arith.index_cast %add3A_60 : i32 to index
          %swap3A_71 = tpu.vector_load %arg9[%swap3A_69, %swap3A_70] {strides = array<i32>} : memref<1x80xi32, #tpu.memory_space<vmem>>, vector<16xi32>,
          tpu.vector_store %arg9[%swap3A_69, %swap3A_70], %and3A_67 {strides = array<i32>} : memref<1x80xi32, #tpu.memory_space<vmem>>, vector<16xi32>,
        }
        %scan3A_52 = arith.constant 5 : i32
        %dma_start3A_53 = arith.constant 0 : i32
        %dma_start3A_54 = arith.constant 0 : i32
        %dma_start3A_55 = tpu.memref_slice %arg2[%dma_start3A_53, %dma_start3A_54] : memref<10000x128xf32, #tpu.memory_space<hbm>> -> memref<10000x128xf32, #tpu.memory_space<hbm>>
        tpu.enqueue_indirect_dma source(%dma_start3A_55 : memref<10000x128xf32, #tpu.memory_space<hbm>>) target(%arg11 : memref<80x128xf32, #tpu.memory_space<vmem>>) offsets(%arg7 : memref<80xi32, #tpu.memory_space<vmem>>) semaphore(%arg15 : memref<!tpu.dma_semaphore, #tpu.memory_space<semaphore_mem>>)
      } else {
      }
      %run_scoped3A = arith.constant 0 : i32
      "tpu.region"() ({
        %run_scoped3A_46 = tpu.sem_alloc : memref<!tpu.dma_semaphore, #tpu.memory_space<semaphore_mem>>
        %dma_start3A_47 = arith.constant 0 : i32
        %dma_start3A_48 = tpu.memref_slice %arg8[%run_scoped3A, %dma_start3A_47] : memref<1x80xi32, #tpu.memory_space<vmem>> -> memref<1x80xi32, #tpu.memory_space<vmem>>
        %dma_start3A_49 = tpu.memref_squeeze %dma_start3A_48 : memref<1x80xi32, #tpu.memory_space<vmem>> -> memref<80xi32, #tpu.memory_space<vmem>>
        %dma_start3A_50 = arith.constant 0 : i32
        %dma_start3A_51 = arith.constant 0 : i32
        %dma_start3A_52 = tpu.memref_slice %arg13[%dma_start3A_50, %dma_start3A_51] : memref<10240x128xf32, #tpu.memory_space<vmem_shared>> -> memref<10240x128xf32, #tpu.memory_space<vmem_shared>>
        tpu.enqueue_indirect_dma source(%arg10 : memref<80x128xf32, #tpu.memory_space<vmem>>) target(%dma_start3A_52 : memref<10240x128xf32, #tpu.memory_space<vmem_shared>>) offsets(%dma_start3A_49 : memref<80xi32, #tpu.memory_space<vmem>>) semaphore(%run_scoped3A_46 : memref<!tpu.dma_semaphore, #tpu.memory_space<semaphore_mem>>) {add = true}
        %dma_wait3A_53 = arith.constant 0 : i32
        %dma_wait3A_54 = tpu.memref_slice %arg8[%run_scoped3A, %dma_wait3A_53] : memref<1x80xi32, #tpu.memory_space<vmem>> -> memref<1x80xi32, #tpu.memory_space<vmem>>
        %dma_wait3A_55 = tpu.memref_squeeze %dma_wait3A_54 : memref<1x80xi32, #tpu.memory_space<vmem>> -> memref<80xi32, #tpu.memory_space<vmem>>
        %dma_wait3A_56 = arith.constant 0 : i32
        %dma_wait3A_57 = arith.constant 0 : i32
        %dma_wait3A_58 = tpu.memref_slice %arg13[%dma_wait3A_56, %dma_wait3A_57] : memref<10240x128xf32, #tpu.memory_space<vmem_shared>> -> memref<10240x128xf32, #tpu.memory_space<vmem_shared>>
        tpu.wait_indirect_dma semaphore(%run_scoped3A_46 : memref<!tpu.dma_semaphore, #tpu.memory_space<semaphore_mem>>) src(%arg10 : memref<80x128xf32, #tpu.memory_space<vmem>>) dst(%dma_wait3A_58 : memref<10240x128xf32, #tpu.memory_space<vmem_shared>>)
        tpu.yield
      }) : () -> ()
      %add3A_39 = arith.constant 1 : i32
      %add3A_40 = arith.addi %add3A_32, %add3A_39 : i32
      %lt3A_41 = arith.constant 125 : i32
      %lt3A_42 = arith.cmpi slt, %add3A_40, %lt3A_41 : i32
      %convert_element_type3A_43 = arith.extui %lt3A_42 : i1 to i32
      %cond3A_44 = arith.constant 0 : i32
      %cond3A_45 = arith.cmpi ne, %convert_element_type3A_43, %cond3A_44 : i32
      scf.if %cond3A_45 {
        %dma_wait3A_46 = arith.constant 0 : i32
        %dma_wait3A_47 = arith.constant 0 : i32
        %dma_wait3A_48 = tpu.memref_slice %arg2[%dma_wait3A_46, %dma_wait3A_47] : memref<10000x128xf32, #tpu.memory_space<hbm>> -> memref<10000x128xf32, #tpu.memory_space<hbm>>
        tpu.wait_indirect_dma semaphore(%arg15 : memref<!tpu.dma_semaphore, #tpu.memory_space<semaphore_mem>>) src(%dma_wait3A_48 : memref<10000x128xf32, #tpu.memory_space<hbm>>) dst(%arg11 : memref<80x128xf32, #tpu.memory_space<vmem>>)
        %add3A_49 = arith.constant 2 : i32
        %add3A_50 = arith.addi %add3A_32, %add3A_49 : i32
        %lt3A_51 = arith.constant 125 : i32
        %lt3A_52 = arith.cmpi slt, %add3A_50, %lt3A_51 : i32
        %convert_element_type3A_53 = arith.extui %lt3A_52 : i1 to i32
        %cond3A_54 = arith.constant 0 : i32
        %cond3A_55 = arith.cmpi ne, %convert_element_type3A_53, %cond3A_54 : i32
        scf.if %cond3A_55 {
          %add3A_57 = arith.constant 2 : i32
          %add3A_58 = arith.addi %add3A_32, %add3A_57 : i32
          %scan3A_59 = arith.constant 0 : i32
          %scan3A_60 = arith.constant 5 : i32
          %scan3A_61 = arith.addi %scan3A_59, %scan3A_60 : i32
          %scan3A_62 = arith.constant 1 : i32
          scf.for %scan3A_67 = %scan3A_59 to %scan3A_61 step %scan3A_62  : i32 {
            %mul3A_68 = arith.constant 16 : i32
            %mul3A_69 = arith.muli %scan3A_67, %mul3A_68 : i32
            %add3A_70 = arith.constant 0 : i32
            %add3A_71 = arith.addi %add3A_70, %mul3A_69 : i32
            %get3A = arith.index_cast %add3A_58 : i32 to index
            %get3A_72 = arith.index_cast %add3A_71 : i32 to index
            %get3A_73 = tpu.vector_load %arg5[%get3A, %get3A_72] {strides = array<i32>} : memref<125x80xi32, #tpu.memory_space<vmem>>, vector<16xi32>,
            %shift_right_logical3A = arith.constant 14 : i32
            %shift_right_logical3A_74 = vector.broadcast %shift_right_logical3A : i32 to vector<16xi32>
            %shift_right_logical3A_75 = arith.shrui %get3A_73, %shift_right_logical3A_74 : vector<16xi32>
            %swap3A = arith.index_cast %add3A_71 : i32 to index
            %swap3A_76 = tpu.vector_load %arg6[%swap3A] {strides = array<i32>} : memref<80xi32, #tpu.memory_space<vmem>>, vector<16xi32>,
            tpu.vector_store %arg6[%swap3A], %shift_right_logical3A_75 {strides = array<i32>} : memref<80xi32, #tpu.memory_space<vmem>>, vector<16xi32>,
            %and3A = arith.constant 16383 : i32
            %and3A_77 = vector.broadcast %and3A : i32 to vector<16xi32>
            %and3A_78 = arith.andi %get3A_73, %and3A_77 : vector<16xi32>
            %swap3A_79 = arith.constant 0 : i32
            %swap3A_80 = arith.index_cast %swap3A_79 : i32 to index
            %swap3A_81 = arith.index_cast %add3A_71 : i32 to index
            %swap3A_82 = tpu.vector_load %arg8[%swap3A_80, %swap3A_81] {strides = array<i32>} : memref<1x80xi32, #tpu.memory_space<vmem>>, vector<16xi32>,
            tpu.vector_store %arg8[%swap3A_80, %swap3A_81], %and3A_78 {strides = array<i32>} : memref<1x80xi32, #tpu.memory_space<vmem>>, vector<16xi32>,
          }
          %scan3A_63 = arith.constant 5 : i32
          %dma_start3A_64 = arith.constant 0 : i32
          %dma_start3A_65 = arith.constant 0 : i32
          %dma_start3A_66 = tpu.memref_slice %arg2[%dma_start3A_64, %dma_start3A_65] : memref<10000x128xf32, #tpu.memory_space<hbm>> -> memref<10000x128xf32, #tpu.memory_space<hbm>>
          tpu.enqueue_indirect_dma source(%dma_start3A_66 : memref<10000x128xf32, #tpu.memory_space<hbm>>) target(%arg10 : memref<80x128xf32, #tpu.memory_space<vmem>>) offsets(%arg6 : memref<80xi32, #tpu.memory_space<vmem>>) semaphore(%arg14 : memref<!tpu.dma_semaphore, #tpu.memory_space<semaphore_mem>>)
        } else {
        }
        %run_scoped3A_56 = arith.constant 0 : i32
        "tpu.region"() ({
          %run_scoped3A_57 = tpu.sem_alloc : memref<!tpu.dma_semaphore, #tpu.memory_space<semaphore_mem>>
          %dma_start3A_58 = arith.constant 0 : i32
          %dma_start3A_59 = tpu.memref_slice %arg9[%run_scoped3A_56, %dma_start3A_58] : memref<1x80xi32, #tpu.memory_space<vmem>> -> memref<1x80xi32, #tpu.memory_space<vmem>>
          %dma_start3A_60 = tpu.memref_squeeze %dma_start3A_59 : memref<1x80xi32, #tpu.memory_space<vmem>> -> memref<80xi32, #tpu.memory_space<vmem>>
          %dma_start3A_61 = arith.constant 0 : i32
          %dma_start3A_62 = arith.constant 0 : i32
          %dma_start3A_63 = tpu.memref_slice %arg13[%dma_start3A_61, %dma_start3A_62] : memref<10240x128xf32, #tpu.memory_space<vmem_shared>> -> memref<10240x128xf32, #tpu.memory_space<vmem_shared>>
          tpu.enqueue_indirect_dma source(%arg11 : memref<80x128xf32, #tpu.memory_space<vmem>>) target(%dma_start3A_63 : memref<10240x128xf32, #tpu.memory_space<vmem_shared>>) offsets(%dma_start3A_60 : memref<80xi32, #tpu.memory_space<vmem>>) semaphore(%run_scoped3A_57 : memref<!tpu.dma_semaphore, #tpu.memory_space<semaphore_mem>>) {add = true}
          %dma_wait3A_64 = arith.constant 0 : i32
          %dma_wait3A_65 = tpu.memref_slice %arg9[%run_scoped3A_56, %dma_wait3A_64] : memref<1x80xi32, #tpu.memory_space<vmem>> -> memref<1x80xi32, #tpu.memory_space<vmem>>
          %dma_wait3A_66 = tpu.memref_squeeze %dma_wait3A_65 : memref<1x80xi32, #tpu.memory_space<vmem>> -> memref<80xi32, #tpu.memory_space<vmem>>
          %dma_wait3A_67 = arith.constant 0 : i32
          %dma_wait3A_68 = arith.constant 0 : i32
          %dma_wait3A_69 = tpu.memref_slice %arg13[%dma_wait3A_67, %dma_wait3A_68] : memref<10240x128xf32, #tpu.memory_space<vmem_shared>> -> memref<10240x128xf32, #tpu.memory_space<vmem_shared>>
          tpu.wait_indirect_dma semaphore(%run_scoped3A_57 : memref<!tpu.dma_semaphore, #tpu.memory_space<semaphore_mem>>) src(%arg11 : memref<80x128xf32, #tpu.memory_space<vmem>>) dst(%dma_wait3A_69 : memref<10240x128xf32, #tpu.memory_space<vmem_shared>>)
          tpu.yield
        }) : () -> ()
      } else {
      }
    }
    %scan3A_22 = arith.constant 63 : i32
    %barrier3A_23 = arith.constant 0 : index
    tpu.barrier barrier_id(%barrier3A_23)
    %mul3A_24 = arith.constant 640 : i32
    %mul3A_25 = arith.muli %arg1, %mul3A_24 : i32
    %mul3A_26 = arith.constant 640 : i32
    %mul3A_27 = arith.muli %arg1, %mul3A_26 : i32
    "tpu.region"() ({
      %run_scoped3A = tpu.sem_alloc : memref<!tpu.dma_semaphore, #tpu.memory_space<semaphore_mem>>
      %dma_start3A_28 = arith.constant 0 : i32
      %dma_start3A_29 = arith.constant 0 : i32
      %dma_start3A_30 = tpu.memref_slice %arg4[%arg0, %dma_start3A_28, %dma_start3A_29] : memref<2x10240x128xf32, #tpu.memory_space<hbm>> -> memref<1x10240x128xf32, #tpu.memory_space<hbm>>
      %dma_start3A_31 = tpu.memref_squeeze %dma_start3A_30 : memref<1x10240x128xf32, #tpu.memory_space<hbm>> -> memref<10240x128xf32, #tpu.memory_space<hbm>>
      %dma_start3A_32 = arith.constant 0 : i32
      %dma_start3A_33 = tpu.memref_slice %dma_start3A_31[%mul3A_27, %dma_start3A_32] : memref<10240x128xf32, #tpu.memory_space<hbm>> -> memref<640x128xf32, #tpu.memory_space<hbm>>
      %dma_start3A_34 = arith.constant 0 : i32
      %dma_start3A_35 = tpu.memref_slice %arg13[%mul3A_25, %dma_start3A_34] : memref<10240x128xf32, #tpu.memory_space<vmem_shared>> -> memref<640x128xf32, #tpu.memory_space<vmem_shared>>
      tpu.enqueue_dma source(%dma_start3A_35 : memref<640x128xf32, #tpu.memory_space<vmem_shared>>) target(%dma_start3A_33 : memref<640x128xf32, #tpu.memory_space<hbm>>) target_semaphore(%run_scoped3A : memref<!tpu.dma_semaphore, #tpu.memory_space<semaphore_mem>>)
      %dma_wait3A = arith.constant 0 : i32
      %dma_wait3A_36 = arith.constant 0 : i32
      %dma_wait3A_37 = tpu.memref_slice %arg4[%arg0, %dma_wait3A, %dma_wait3A_36] : memref<2x10240x128xf32, #tpu.memory_space<hbm>> -> memref<1x10240x128xf32, #tpu.memory_space<hbm>>
      %dma_wait3A_38 = tpu.memref_squeeze %dma_wait3A_37 : memref<1x10240x128xf32, #tpu.memory_space<hbm>> -> memref<10240x128xf32, #tpu.memory_space<hbm>>
      %dma_wait3A_39 = arith.constant 0 : i32
      %dma_wait3A_40 = tpu.memref_slice %dma_wait3A_38[%mul3A_27, %dma_wait3A_39] : memref<10240x128xf32, #tpu.memory_space<hbm>> -> memref<640x128xf32, #tpu.memory_space<hbm>>
      %dma_wait3A_41 = arith.constant 0 : i32
      %dma_wait3A_42 = tpu.memref_slice %arg13[%mul3A_25, %dma_wait3A_41] : memref<10240x128xf32, #tpu.memory_space<vmem_shared>> -> memref<640x128xf32, #tpu.memory_space<vmem_shared>>
      tpu.wait_dma2 semaphore(%run_scoped3A : memref<!tpu.dma_semaphore, #tpu.memory_space<semaphore_mem>>) src(%dma_wait3A_42 : memref<640x128xf32, #tpu.memory_space<vmem_shared>>) dst(%dma_wait3A_40 : memref<640x128xf32, #tpu.memory_space<hbm>>)
      tpu.yield
    }) : () -> ()
    return
  }
}

module attributes {stable_mosaic.version = 14 : i64} {
  func.func @body(%arg0: i32, %arg1: memref<1000x128xf32, #tpu.memory_space<vmem>>, %arg2: memref<1000x32xf32, #tpu.memory_space<vmem>>, %arg3: memref<128x256xf32, #tpu.memory_space<vmem>>, %arg4: memref<1x256xf32, #tpu.memory_space<vmem>>, %arg5: memref<256x128xf32, #tpu.memory_space<vmem>>, %arg6: memref<1x128xf32, #tpu.memory_space<vmem>>, %arg7: memref<128x64xf32, #tpu.memory_space<vmem>>, %arg8: memref<1000x128xf32, #tpu.memory_space<vmem>>, %arg9: memref<1000x1xf32, #tpu.memory_space<vmem>>) attributes {dimension_semantics = [#tpu.dimension_semantics<arbitrary>], iteration_bounds = array<i64: 10>, scalar_prefetch = 0 : i64, scratch_operands = 0 : i64, tpu.core_type = #tpu.core_type<tc>, window_params = [{transform_indices = @transform_0, window_bounds = array<i64: 1000, 128>}, {transform_indices = @transform_1, window_bounds = array<i64: 1000, 32>}, {pipeline_mode = #tpu.pipeline_mode<synchronous>, transform_indices = @transform_2, window_bounds = array<i64: 128, 256>}, {pipeline_mode = #tpu.pipeline_mode<synchronous>, transform_indices = @transform_3, window_bounds = array<i64: 1, 256>}, {pipeline_mode = #tpu.pipeline_mode<synchronous>, transform_indices = @transform_4, window_bounds = array<i64: 256, 128>}, {pipeline_mode = #tpu.pipeline_mode<synchronous>, transform_indices = @transform_5, window_bounds = array<i64: 1, 128>}, {pipeline_mode = #tpu.pipeline_mode<synchronous>, transform_indices = @transform_6, window_bounds = array<i64: 128, 64>}, {transform_indices = @transform_7, window_bounds = array<i64: 1000, 128>}, {transform_indices = @transform_8, window_bounds = array<i64: 1000, 1>}]} {
    %get3A = arith.constant 0 : index
    %get3A_0 = arith.constant 0 : index
    %get3A_1 = vector.load %arg2[%get3A, %get3A_0] : memref<1000x32xf32, #tpu.memory_space<vmem>>, vector<1000x32xf32>
    %reduce_sum3A = arith.constant dense<0.000000e+00> : vector<1000xf32>
    %reduce_sum3A_2 = vector.multi_reduction <add>, %get3A_1, %reduce_sum3A [1] : vector<1000x32xf32> to vector<1000xf32>
    %broadcast_in_dim3A = vector.shape_cast %reduce_sum3A_2 : vector<1000xf32> to vector<1000x1xf32>
    %add3A = arith.constant 1.000000e+00 : f32
    %add3A_3 = vector.broadcast %add3A : f32 to vector<1000x1xf32>
    %add3A_4 = arith.addf %broadcast_in_dim3A, %add3A_3 : vector<1000x1xf32>
    %rsqrt3A = math.rsqrt %add3A_4 : vector<1000x1xf32>
    %get3A_5 = arith.constant 0 : index
    %get3A_6 = arith.constant 0 : index
    %get3A_7 = vector.load %arg1[%get3A_5, %get3A_6] : memref<1000x128xf32, #tpu.memory_space<vmem>>, vector<1000x128xf32>
    %get3A_8 = arith.constant 0 : index
    %get3A_9 = arith.constant 0 : index
    %get3A_10 = vector.load %arg3[%get3A_8, %get3A_9] : memref<128x256xf32, #tpu.memory_space<vmem>>, vector<128x256xf32>
    %dot_general3A = arith.constant dense<0.000000e+00> : vector<1000x256xf32>
    %dot_general3A_11 = tpu.matmul %get3A_7, %get3A_10, %dot_general3A {dimension_numbers = #tpu.dot_dimension_numbers<[1], [0], [0], [1], [0, 0, 1, 1], [], []>, transpose_lhs_hint = false} : vector<1000x128xf32>, vector<128x256xf32>, vector<1000x256xf32> -> vector<1000x256xf32>
    %get3A_12 = arith.constant 0 : index
    %get3A_13 = arith.constant 0 : index
    %get3A_14 = vector.load %arg4[%get3A_12, %get3A_13] : memref<1x256xf32, #tpu.memory_space<vmem>>, vector<1x256xf32>
    %add3A_15 = vector.broadcast %get3A_14 : vector<1x256xf32> to vector<1000x256xf32>
    %add3A_16 = arith.addf %dot_general3A_11, %add3A_15 : vector<1000x256xf32>
    %max3A = arith.constant 0.000000e+00 : f32
    %max3A_17 = vector.broadcast %max3A : f32 to vector<1000x256xf32>
    %max3A_18 = arith.maximumf %add3A_16, %max3A_17 : vector<1000x256xf32>
    %get3A_19 = arith.constant 0 : index
    %get3A_20 = arith.constant 0 : index
    %get3A_21 = vector.load %arg5[%get3A_19, %get3A_20] : memref<256x128xf32, #tpu.memory_space<vmem>>, vector<256x128xf32>
    %dot_general3A_22 = arith.constant dense<0.000000e+00> : vector<1000x128xf32>
    %dot_general3A_23 = tpu.matmul %max3A_18, %get3A_21, %dot_general3A_22 {dimension_numbers = #tpu.dot_dimension_numbers<[1], [0], [0], [1], [0, 0, 1, 1], [], []>, transpose_lhs_hint = false} : vector<1000x256xf32>, vector<256x128xf32>, vector<1000x128xf32> -> vector<1000x128xf32>
    %get3A_24 = arith.constant 0 : index
    %get3A_25 = arith.constant 0 : index
    %get3A_26 = vector.load %arg6[%get3A_24, %get3A_25] : memref<1x128xf32, #tpu.memory_space<vmem>>, vector<1x128xf32>
    %add3A_27 = vector.broadcast %get3A_26 : vector<1x128xf32> to vector<1000x128xf32>
    %add3A_28 = arith.addf %dot_general3A_23, %add3A_27 : vector<1000x128xf32>
    %max3A_29 = arith.constant 0.000000e+00 : f32
    %max3A_30 = vector.broadcast %max3A_29 : f32 to vector<1000x128xf32>
    %max3A_31 = arith.maximumf %add3A_28, %max3A_30 : vector<1000x128xf32>
    %get3A_32 = arith.constant 0 : index
    %get3A_33 = arith.constant 0 : index
    %get3A_34 = vector.load %arg7[%get3A_32, %get3A_33] : memref<128x64xf32, #tpu.memory_space<vmem>>, vector<128x64xf32>
    %dot_general3A_35 = arith.constant dense<0.000000e+00> : vector<1000x64xf32>
    %dot_general3A_36 = tpu.matmul %max3A_31, %get3A_34, %dot_general3A_35 {dimension_numbers = #tpu.dot_dimension_numbers<[1], [0], [0], [1], [0, 0, 1, 1], [], []>, transpose_lhs_hint = false} : vector<1000x128xf32>, vector<128x64xf32>, vector<1000x64xf32> -> vector<1000x64xf32>
    %mul3A = vector.broadcast %rsqrt3A : vector<1000x1xf32> to vector<1000x64xf32>
    %mul3A_37 = arith.mulf %dot_general3A_36, %mul3A : vector<1000x64xf32>
    %broadcast_in_dim3A_38 = arith.constant 0.000000e+00 : f32
    %broadcast_in_dim3A_39 = vector.broadcast %broadcast_in_dim3A_38 : f32 to vector<1000x64xf32>
    %concatenate3A = tpu.concatenate %mul3A_37, %broadcast_in_dim3A_39 in 1 : vector<1000x64xf32>, vector<1000x64xf32> -> vector<1000x128xf32>
    %swap3A = arith.constant 0 : index
    %swap3A_40 = arith.constant 0 : index
    %swap3A_41 = vector.load %arg8[%swap3A, %swap3A_40] : memref<1000x128xf32, #tpu.memory_space<vmem>>, vector<1000x128xf32>
    tpu.vector_store %arg8[%swap3A, %swap3A_40], %concatenate3A {strides = array<i32>} : memref<1000x128xf32, #tpu.memory_space<vmem>>, vector<1000x128xf32>,
    %swap3A_42 = arith.constant 0 : index
    %swap3A_43 = arith.constant 0 : index
    %swap3A_44 = vector.load %arg9[%swap3A_42, %swap3A_43] : memref<1000x1xf32, #tpu.memory_space<vmem>>, vector<1000x1xf32>
    tpu.vector_store %arg9[%swap3A_42, %swap3A_43], %rsqrt3A {strides = array<i32>} : memref<1000x1xf32, #tpu.memory_space<vmem>>, vector<1000x1xf32>,
    return
  }
  func.func @transform_0(%arg0: i32) -> (i32, i32) {
    %c0_i32 = arith.constant 0 : i32
    %c0_i32_0 = arith.constant 0 : i32
    return %arg0, %c0_i32 : i32, i32
  }
  func.func @transform_1(%arg0: i32) -> (i32, i32) {
    %c0_i32 = arith.constant 0 : i32
    %c0_i32_0 = arith.constant 0 : i32
    return %arg0, %c0_i32 : i32, i32
  }
  func.func @transform_2(%arg0: i32) -> (i32, i32) {
    %c0_i32 = arith.constant 0 : i32
    %c0_i32_0 = arith.constant 0 : i32
    %c0_i32_1 = arith.constant 0 : i32
    return %c0_i32, %c0_i32_0 : i32, i32
  }
  func.func @transform_3(%arg0: i32) -> (i32, i32) {
    %c0_i32 = arith.constant 0 : i32
    %c0_i32_0 = arith.constant 0 : i32
    %c0_i32_1 = arith.constant 0 : i32
    return %c0_i32, %c0_i32_0 : i32, i32
  }
  func.func @transform_4(%arg0: i32) -> (i32, i32) {
    %c0_i32 = arith.constant 0 : i32
    %c0_i32_0 = arith.constant 0 : i32
    %c0_i32_1 = arith.constant 0 : i32
    return %c0_i32, %c0_i32_0 : i32, i32
  }
  func.func @transform_5(%arg0: i32) -> (i32, i32) {
    %c0_i32 = arith.constant 0 : i32
    %c0_i32_0 = arith.constant 0 : i32
    %c0_i32_1 = arith.constant 0 : i32
    return %c0_i32, %c0_i32_0 : i32, i32
  }
  func.func @transform_6(%arg0: i32) -> (i32, i32) {
    %c0_i32 = arith.constant 0 : i32
    %c0_i32_0 = arith.constant 0 : i32
    %c0_i32_1 = arith.constant 0 : i32
    return %c0_i32, %c0_i32_0 : i32, i32
  }
  func.func @transform_7(%arg0: i32) -> (i32, i32) {
    %c0_i32 = arith.constant 0 : i32
    %c0_i32_0 = arith.constant 0 : i32
    return %arg0, %c0_i32 : i32, i32
  }
  func.func @transform_8(%arg0: i32) -> (i32, i32) {
    %c0_i32 = arith.constant 0 : i32
    %c0_i32_0 = arith.constant 0 : i32
    return %arg0, %c0_i32 : i32, i32
  }
}

module attributes {stable_mosaic.version = 14 : i64} {
  func.func @body(%arg0: i32, %arg1: memref<2x1000x128xf32, #tpu.memory_space<vmem>>, %arg2: memref<1000x128xf32, #tpu.memory_space<vmem>>, %arg3: memref<1000x1xf32, #tpu.memory_space<vmem>>, %arg4: memref<64x32xf32, #tpu.memory_space<vmem>>, %arg5: memref<1x64xf32, #tpu.memory_space<vmem>>, %arg6: memref<1000x64xf32, #tpu.memory_space<vmem>>, %arg7: memref<1000x128xf32, #tpu.memory_space<vmem>>) attributes {dimension_semantics = [#tpu.dimension_semantics<arbitrary>], iteration_bounds = array<i64: 10>, scalar_prefetch = 0 : i64, scratch_operands = 0 : i64, tpu.core_type = #tpu.core_type<tc>, window_params = [{transform_indices = @transform_0, window_bounds = array<i64: 2, 1000, 128>}, {transform_indices = @transform_1, window_bounds = array<i64: 1000, 128>}, {transform_indices = @transform_2, window_bounds = array<i64: 1000, 1>}, {pipeline_mode = #tpu.pipeline_mode<synchronous>, transform_indices = @transform_3, window_bounds = array<i64: 64, 32>}, {pipeline_mode = #tpu.pipeline_mode<synchronous>, transform_indices = @transform_4, window_bounds = array<i64: 1, 64>}, {transform_indices = @transform_5, window_bounds = array<i64: 1000, 64>}, {transform_indices = @transform_6, window_bounds = array<i64: 1000, 128>}]} {
    %get3A = arith.constant 0 : index
    %get3A_0 = arith.constant 0 : index
    %get3A_1 = arith.constant 0 : index
    %get3A_2 = vector.load %arg1[%get3A, %get3A_0, %get3A_1] : memref<2x1000x128xf32, #tpu.memory_space<vmem>>, vector<1x1000x128xf32>
    %get3A_3 = vector.shape_cast %get3A_2 : vector<1x1000x128xf32> to vector<1000x128xf32>
    %get3A_4 = arith.constant 1 : index
    %get3A_5 = arith.constant 0 : index
    %get3A_6 = arith.constant 0 : index
    %get3A_7 = vector.load %arg1[%get3A_4, %get3A_5, %get3A_6] : memref<2x1000x128xf32, #tpu.memory_space<vmem>>, vector<1x1000x128xf32>
    %get3A_8 = vector.shape_cast %get3A_7 : vector<1x1000x128xf32> to vector<1000x128xf32>
    %add3A = arith.addf %get3A_3, %get3A_8 : vector<1000x128xf32>
    %get3A_9 = arith.constant 0 : index
    %get3A_10 = arith.constant 0 : index
    %get3A_11 = vector.load %arg2[%get3A_9, %get3A_10] : memref<1000x128xf32, #tpu.memory_space<vmem>>, vector<1000x128xf32>
    %add3A_12 = arith.addf %add3A, %get3A_11 : vector<1000x128xf32>
    %slice3A = vector.extract_strided_slice %add3A_12 {offsets = [0, 0], sizes = [1000, 64], strides = [1, 1]} : vector<1000x128xf32> to vector<1000x64xf32>
    %get3A_13 = arith.constant 0 : index
    %get3A_14 = arith.constant 0 : index
    %get3A_15 = vector.load %arg3[%get3A_13, %get3A_14] : memref<1000x1xf32, #tpu.memory_space<vmem>>, vector<1000x1xf32>
    %mul3A = vector.broadcast %get3A_15 : vector<1000x1xf32> to vector<1000x64xf32>
    %mul3A_16 = arith.mulf %mul3A, %slice3A : vector<1000x64xf32>
    %get3A_17 = arith.constant 0 : index
    %get3A_18 = arith.constant 0 : index
    %get3A_19 = vector.load %arg5[%get3A_17, %get3A_18] : memref<1x64xf32, #tpu.memory_space<vmem>>, vector<1x64xf32>
    %add3A_20 = vector.broadcast %get3A_19 : vector<1x64xf32> to vector<1000x64xf32>
    %add3A_21 = arith.addf %mul3A_16, %add3A_20 : vector<1000x64xf32>
    %max3A = arith.constant 0.000000e+00 : f32
    %max3A_22 = vector.broadcast %max3A : f32 to vector<1000x64xf32>
    %max3A_23 = arith.maximumf %add3A_21, %max3A_22 : vector<1000x64xf32>
    %swap3A = arith.constant 0 : index
    %swap3A_24 = arith.constant 0 : index
    %swap3A_25 = vector.load %arg6[%swap3A, %swap3A_24] : memref<1000x64xf32, #tpu.memory_space<vmem>>, vector<1000x64xf32>
    tpu.vector_store %arg6[%swap3A, %swap3A_24], %max3A_23 {strides = array<i32>} : memref<1000x64xf32, #tpu.memory_space<vmem>>, vector<1000x64xf32>,
    %get3A_26 = arith.constant 0 : index
    %get3A_27 = arith.constant 0 : index
    %get3A_28 = vector.load %arg4[%get3A_26, %get3A_27] : memref<64x32xf32, #tpu.memory_space<vmem>>, vector<64x32xf32>
    %dot_general3A = arith.constant dense<0.000000e+00> : vector<1000x32xf32>
    %dot_general3A_29 = tpu.matmul %max3A_23, %get3A_28, %dot_general3A {dimension_numbers = #tpu.dot_dimension_numbers<[1], [0], [0], [1], [0, 0, 1, 1], [], []>, transpose_lhs_hint = false} : vector<1000x64xf32>, vector<64x32xf32>, vector<1000x32xf32> -> vector<1000x32xf32>
    %get3A_30 = arith.constant 0 : index
    %get3A_31 = arith.constant 0 : index
    %get3A_32 = vector.load %arg3[%get3A_30, %get3A_31] : memref<1000x1xf32, #tpu.memory_space<vmem>>, vector<1000x1xf32>
    %mul3A_33 = vector.broadcast %get3A_32 : vector<1000x1xf32> to vector<1000x32xf32>
    %mul3A_34 = arith.mulf %dot_general3A_29, %mul3A_33 : vector<1000x32xf32>
    %broadcast_in_dim3A = arith.constant 0.000000e+00 : f32
    %broadcast_in_dim3A_35 = vector.broadcast %broadcast_in_dim3A : f32 to vector<1000x96xf32>
    %concatenate3A = tpu.concatenate %mul3A_34, %broadcast_in_dim3A_35 in 1 : vector<1000x32xf32>, vector<1000x96xf32> -> vector<1000x128xf32>
    %swap3A_36 = arith.constant 0 : index
    %swap3A_37 = arith.constant 0 : index
    %swap3A_38 = vector.load %arg7[%swap3A_36, %swap3A_37] : memref<1000x128xf32, #tpu.memory_space<vmem>>, vector<1000x128xf32>
    tpu.vector_store %arg7[%swap3A_36, %swap3A_37], %concatenate3A {strides = array<i32>} : memref<1000x128xf32, #tpu.memory_space<vmem>>, vector<1000x128xf32>,
    return
  }
  func.func @transform_0(%arg0: i32) -> (i32, i32, i32) {
    %c0_i32 = arith.constant 0 : i32
    %c0_i32_0 = arith.constant 0 : i32
    %c0_i32_1 = arith.constant 0 : i32
    return %c0_i32, %arg0, %c0_i32_0 : i32, i32, i32
  }
  func.func @transform_1(%arg0: i32) -> (i32, i32) {
    %c0_i32 = arith.constant 0 : i32
    %c0_i32_0 = arith.constant 0 : i32
    return %arg0, %c0_i32 : i32, i32
  }
  func.func @transform_2(%arg0: i32) -> (i32, i32) {
    %c0_i32 = arith.constant 0 : i32
    %c0_i32_0 = arith.constant 0 : i32
    return %arg0, %c0_i32 : i32, i32
  }
  func.func @transform_3(%arg0: i32) -> (i32, i32) {
    %c0_i32 = arith.constant 0 : i32
    %c0_i32_0 = arith.constant 0 : i32
    %c0_i32_1 = arith.constant 0 : i32
    return %c0_i32, %c0_i32_0 : i32, i32
  }
  func.func @transform_4(%arg0: i32) -> (i32, i32) {
    %c0_i32 = arith.constant 0 : i32
    %c0_i32_0 = arith.constant 0 : i32
    %c0_i32_1 = arith.constant 0 : i32
    return %c0_i32, %c0_i32_0 : i32, i32
  }
  func.func @transform_5(%arg0: i32) -> (i32, i32) {
    %c0_i32 = arith.constant 0 : i32
    %c0_i32_0 = arith.constant 0 : i32
    return %arg0, %c0_i32 : i32, i32
  }
  func.func @transform_6(%arg0: i32) -> (i32, i32) {
    %c0_i32 = arith.constant 0 : i32
    %c0_i32_0 = arith.constant 0 : i32
    return %arg0, %c0_i32 : i32, i32
  }
}

module attributes {stable_mosaic.version = 14 : i64} {
  func.func @body(%arg0: i32, %arg1: memref<2x1000x128xf32, #tpu.memory_space<vmem>>, %arg2: memref<1000x128xf32, #tpu.memory_space<vmem>>, %arg3: memref<1000x1xf32, #tpu.memory_space<vmem>>, %arg4: memref<1x32xf32, #tpu.memory_space<vmem>>, %arg5: memref<32x2xf32, #tpu.memory_space<vmem>>, %arg6: memref<1000x32xf32, #tpu.memory_space<vmem>>, %arg7: memref<8x4x16xf32, #tpu.memory_space<vmem>>) attributes {dimension_semantics = [#tpu.dimension_semantics<arbitrary>], iteration_bounds = array<i64: 10>, scalar_prefetch = 0 : i64, scratch_operands = 0 : i64, tpu.core_type = #tpu.core_type<tc>, window_params = [{transform_indices = @transform_0, window_bounds = array<i64: 2, 1000, 128>}, {transform_indices = @transform_1, window_bounds = array<i64: 1000, 128>}, {transform_indices = @transform_2, window_bounds = array<i64: 1000, 1>}, {pipeline_mode = #tpu.pipeline_mode<synchronous>, transform_indices = @transform_3, window_bounds = array<i64: 1, 32>}, {pipeline_mode = #tpu.pipeline_mode<synchronous>, transform_indices = @transform_4, window_bounds = array<i64: 32, 2>}, {transform_indices = @transform_5, window_bounds = array<i64: 1000, 32>}, {pipeline_mode = #tpu.pipeline_mode<synchronous>, transform_indices = @transform_6, window_bounds = array<i64: 8, 4, 16>}]} {
    %get3A = arith.constant 0 : index
    %get3A_0 = arith.constant 0 : index
    %get3A_1 = arith.constant 0 : index
    %get3A_2 = vector.load %arg1[%get3A, %get3A_0, %get3A_1] : memref<2x1000x128xf32, #tpu.memory_space<vmem>>, vector<1x1000x128xf32>
    %get3A_3 = vector.shape_cast %get3A_2 : vector<1x1000x128xf32> to vector<1000x128xf32>
    %get3A_4 = arith.constant 1 : index
    %get3A_5 = arith.constant 0 : index
    %get3A_6 = arith.constant 0 : index
    %get3A_7 = vector.load %arg1[%get3A_4, %get3A_5, %get3A_6] : memref<2x1000x128xf32, #tpu.memory_space<vmem>>, vector<1x1000x128xf32>
    %get3A_8 = vector.shape_cast %get3A_7 : vector<1x1000x128xf32> to vector<1000x128xf32>
    %add3A = arith.addf %get3A_3, %get3A_8 : vector<1000x128xf32>
    %get3A_9 = arith.constant 0 : index
    %get3A_10 = arith.constant 0 : index
    %get3A_11 = vector.load %arg2[%get3A_9, %get3A_10] : memref<1000x128xf32, #tpu.memory_space<vmem>>, vector<1000x128xf32>
    %add3A_12 = arith.addf %add3A, %get3A_11 : vector<1000x128xf32>
    %slice3A = vector.extract_strided_slice %add3A_12 {offsets = [0, 0], sizes = [1000, 32], strides = [1, 1]} : vector<1000x128xf32> to vector<1000x32xf32>
    %get3A_13 = arith.constant 0 : index
    %get3A_14 = arith.constant 0 : index
    %get3A_15 = vector.load %arg3[%get3A_13, %get3A_14] : memref<1000x1xf32, #tpu.memory_space<vmem>>, vector<1000x1xf32>
    %mul3A = vector.broadcast %get3A_15 : vector<1000x1xf32> to vector<1000x32xf32>
    %mul3A_16 = arith.mulf %mul3A, %slice3A : vector<1000x32xf32>
    %get3A_17 = arith.constant 0 : index
    %get3A_18 = arith.constant 0 : index
    %get3A_19 = vector.load %arg4[%get3A_17, %get3A_18] : memref<1x32xf32, #tpu.memory_space<vmem>>, vector<1x32xf32>
    %add3A_20 = vector.broadcast %get3A_19 : vector<1x32xf32> to vector<1000x32xf32>
    %add3A_21 = arith.addf %mul3A_16, %add3A_20 : vector<1000x32xf32>
    %max3A = arith.constant 0.000000e+00 : f32
    %max3A_22 = vector.broadcast %max3A : f32 to vector<1000x32xf32>
    %max3A_23 = arith.maximumf %add3A_21, %max3A_22 : vector<1000x32xf32>
    %swap3A = arith.constant 0 : index
    %swap3A_24 = arith.constant 0 : index
    %swap3A_25 = vector.load %arg6[%swap3A, %swap3A_24] : memref<1000x32xf32, #tpu.memory_space<vmem>>, vector<1000x32xf32>
    tpu.vector_store %arg6[%swap3A, %swap3A_24], %max3A_23 {strides = array<i32>} : memref<1000x32xf32, #tpu.memory_space<vmem>>, vector<1000x32xf32>,
    %eq3A = arith.constant 0 : i32
    %eq3A_26 = arith.cmpi eq, %arg0, %eq3A : i32
    %convert_element_type3A = arith.extui %eq3A_26 : i1 to i32
    %cond3A = arith.constant 0 : i32
    %cond3A_27 = arith.cmpi ne, %convert_element_type3A, %cond3A : i32
    scf.if %cond3A_27 {
      %get3A_28 = arith.constant 0 : index
      %get3A_29 = arith.constant 0 : index
      %get3A_30 = vector.load %arg5[%get3A_28, %get3A_29] : memref<32x2xf32, #tpu.memory_space<vmem>>, vector<32x2xf32>
      %convert_element_type3A_31 = arith.truncf %get3A_30 : vector<32x2xf32> to vector<32x2xbf16>
      %convert_element_type3A_32 = arith.extf %convert_element_type3A_31 : vector<32x2xbf16> to vector<32x2xf32>
      %reduce_sum3A = arith.constant dense<0.000000e+00> : vector<32xf32>
      %reduce_sum3A_33 = vector.multi_reduction <add>, %convert_element_type3A_32, %reduce_sum3A [1] : vector<32x2xf32> to vector<32xf32>
      %broadcast_in_dim3A = vector.shape_cast %reduce_sum3A_33 : vector<32xf32> to vector<32x1xf32>
      %broadcast_in_dim3A_34 = vector.shape_cast %broadcast_in_dim3A : vector<32x1xf32> to vector<32x1xf32>
      %broadcast_in_dim3A_35 = vector.broadcast %broadcast_in_dim3A_34 : vector<32x1xf32> to vector<32x16xf32>
      %reshape3A = vector.shape_cast %broadcast_in_dim3A_35 : vector<32x16xf32> to vector<8x4x16xf32>
      %swap3A_36 = arith.constant 0 : index
      %swap3A_37 = arith.constant 0 : index
      %swap3A_38 = arith.constant 0 : index
      %swap3A_39 = vector.load %arg7[%swap3A_36, %swap3A_37, %swap3A_38] : memref<8x4x16xf32, #tpu.memory_space<vmem>>, vector<8x4x16xf32>
      tpu.vector_store %arg7[%swap3A_36, %swap3A_37, %swap3A_38], %reshape3A {strides = array<i32>} : memref<8x4x16xf32, #tpu.memory_space<vmem>>, vector<8x4x16xf32>,
    } else {
    }
    return
  }
  func.func @transform_0(%arg0: i32) -> (i32, i32, i32) {
    %c0_i32 = arith.constant 0 : i32
    %c0_i32_0 = arith.constant 0 : i32
    %c0_i32_1 = arith.constant 0 : i32
    return %c0_i32, %arg0, %c0_i32_0 : i32, i32, i32
  }
  func.func @transform_1(%arg0: i32) -> (i32, i32) {
    %c0_i32 = arith.constant 0 : i32
    %c0_i32_0 = arith.constant 0 : i32
    return %arg0, %c0_i32 : i32, i32
  }
  func.func @transform_2(%arg0: i32) -> (i32, i32) {
    %c0_i32 = arith.constant 0 : i32
    %c0_i32_0 = arith.constant 0 : i32
    return %arg0, %c0_i32 : i32, i32
  }
  func.func @transform_3(%arg0: i32) -> (i32, i32) {
    %c0_i32 = arith.constant 0 : i32
    %c0_i32_0 = arith.constant 0 : i32
    %c0_i32_1 = arith.constant 0 : i32
    return %c0_i32, %c0_i32_0 : i32, i32
  }
  func.func @transform_4(%arg0: i32) -> (i32, i32) {
    %c0_i32 = arith.constant 0 : i32
    %c0_i32_0 = arith.constant 0 : i32
    %c0_i32_1 = arith.constant 0 : i32
    return %c0_i32, %c0_i32_0 : i32, i32
  }
  func.func @transform_5(%arg0: i32) -> (i32, i32) {
    %c0_i32 = arith.constant 0 : i32
    %c0_i32_0 = arith.constant 0 : i32
    return %arg0, %c0_i32 : i32, i32
  }
  func.func @transform_6(%arg0: i32) -> (i32, i32, i32) {
    %c0_i32 = arith.constant 0 : i32
    %c0_i32_0 = arith.constant 0 : i32
    %c0_i32_1 = arith.constant 0 : i32
    %c0_i32_2 = arith.constant 0 : i32
    return %c0_i32, %c0_i32_0, %c0_i32_1 : i32, i32, i32
  }
}

module attributes {stable_mosaic.version = 14 : i64} {
  func.func @body(%arg0: i32, %arg1: memref<1x8x640x128xf32, #tpu.memory_space<vmem>>, %arg2: memref<1x2xf32, #tpu.memory_space<vmem>>, %arg3: memref<1x640x128xf32, #tpu.memory_space<vmem>>) attributes {dimension_semantics = [#tpu.dimension_semantics<arbitrary>], iteration_bounds = array<i64: 4>, scalar_prefetch = 0 : i64, scratch_operands = 0 : i64, tpu.core_type = #tpu.core_type<tc>, window_params = [{transform_indices = @transform_0, window_bounds = array<i64: 1, 8, 640, 128>}, {pipeline_mode = #tpu.pipeline_mode<synchronous>, transform_indices = @transform_1, window_bounds = array<i64: 1, 2>}, {transform_indices = @transform_2, window_bounds = array<i64: 1, 640, 128>}]} {
    %get3A = arith.constant 0 : index
    %get3A_0 = arith.constant 0 : index
    %get3A_1 = arith.constant 0 : index
    %get3A_2 = arith.constant 0 : index
    %get3A_3 = vector.load %arg1[%get3A, %get3A_0, %get3A_1, %get3A_2] : memref<1x8x640x128xf32, #tpu.memory_space<vmem>>, vector<1x8x640x128xf32>
    %get3A_4 = vector.shape_cast %get3A_3 : vector<1x8x640x128xf32> to vector<8x640x128xf32>
    %reduce_sum3A = arith.constant dense<0.000000e+00> : vector<640x128xf32>
    %reduce_sum3A_5 = vector.multi_reduction <add>, %get3A_4, %reduce_sum3A [0] : vector<8x640x128xf32> to vector<640x128xf32>
    %get3A_6 = arith.constant 0 : index
    %get3A_7 = arith.constant 0 : index
    %get3A_8 = vector.load %arg2[%get3A_6, %get3A_7] : memref<1x2xf32, #tpu.memory_space<vmem>>, vector<1x2xf32>
    %reduce_sum3A_9 = vector.shape_cast %get3A_8 : vector<1x2xf32> to vector<1x1x2xf32>
    %reduce_sum3A_10 = arith.constant dense<0.000000e+00> : vector<1xf32>
    %reduce_sum3A_11 = vector.multi_reduction <add>, %reduce_sum3A_9, %reduce_sum3A_10 [1, 2] : vector<1x1x2xf32> to vector<1xf32>
    %reduce_sum3A_12 = vector.shape_cast %reduce_sum3A_11 : vector<1xf32> to vector<1x1x1xf32>
    %reduce_sum3A_13 = vector.extract %reduce_sum3A_12[0, 0, 0] : f32 from vector<1x1x1xf32>
    %add3A = vector.broadcast %reduce_sum3A_13 : f32 to vector<640x128xf32>
    %add3A_14 = arith.addf %reduce_sum3A_5, %add3A : vector<640x128xf32>
    %broadcast_in_dim3A = vector.shape_cast %add3A_14 : vector<640x128xf32> to vector<1x640x128xf32>
    %swap3A = arith.constant 0 : index
    %swap3A_15 = arith.constant 0 : index
    %swap3A_16 = arith.constant 0 : index
    %swap3A_17 = vector.load %arg3[%swap3A, %swap3A_15, %swap3A_16] : memref<1x640x128xf32, #tpu.memory_space<vmem>>, vector<1x640x128xf32>
    tpu.vector_store %arg3[%swap3A, %swap3A_15, %swap3A_16], %broadcast_in_dim3A {strides = array<i32>} : memref<1x640x128xf32, #tpu.memory_space<vmem>>, vector<1x640x128xf32>,
    return
  }
  func.func @transform_0(%arg0: i32) -> (i32, i32, i32, i32) {
    %jit3A = arith.constant 2 : i32
    %div3A = arith.divsi %arg0, %jit3A : i32
    %sign3A = arith.constant 0 : i32
    %sign3A_0 = arith.cmpi sgt, %arg0, %sign3A : i32
    %sign3A_1 = arith.extui %sign3A_0 : i1 to i32
    %sign3A_2 = arith.constant 0 : i32
    %sign3A_3 = arith.cmpi slt, %arg0, %sign3A_2 : i32
    %sign3A_4 = arith.extui %sign3A_3 : i1 to i32
    %sign3A_5 = arith.subi %sign3A_1, %sign3A_4 : i32
    %sign3A_6 = arith.constant 0 : i32
    %sign3A_7 = arith.cmpi sgt, %jit3A, %sign3A_6 : i32
    %sign3A_8 = arith.extui %sign3A_7 : i1 to i32
    %sign3A_9 = arith.constant 0 : i32
    %sign3A_10 = arith.cmpi slt, %jit3A, %sign3A_9 : i32
    %sign3A_11 = arith.extui %sign3A_10 : i1 to i32
    %sign3A_12 = arith.subi %sign3A_8, %sign3A_11 : i32
    %ne3A = arith.cmpi ne, %sign3A_5, %sign3A_12 : i32
    %rem3A = arith.remsi %arg0, %jit3A : i32
    %ne3A_13 = arith.constant 0 : i32
    %ne3A_14 = arith.cmpi ne, %rem3A, %ne3A_13 : i32
    %and3A = arith.andi %ne3A, %ne3A_14 : i1
    %sub3A = arith.constant 1 : i32
    %sub3A_15 = arith.subi %div3A, %sub3A : i32
    %select_n3A = arith.select %and3A, %sub3A_15, %div3A : i32
    %jit3A_16 = arith.constant 2 : i32
    %eq3A = arith.constant 0 : i32
    %eq3A_17 = arith.cmpi eq, %jit3A_16, %eq3A : i32
    %jit3A_18 = arith.constant 1 : i32
    %select_n3A_19 = arith.select %eq3A_17, %jit3A_18, %jit3A_16 : i32
    %rem3A_20 = arith.remsi %arg0, %select_n3A_19 : i32
    %ne3A_21 = arith.constant 0 : i32
    %ne3A_22 = arith.cmpi ne, %rem3A_20, %ne3A_21 : i32
    %lt3A = arith.constant 0 : i32
    %lt3A_23 = arith.cmpi slt, %rem3A_20, %lt3A : i32
    %lt3A_24 = arith.constant 0 : i32
    %lt3A_25 = arith.cmpi slt, %select_n3A_19, %lt3A_24 : i32
    %ne3A_26 = arith.xori %lt3A_23, %lt3A_25 : i1
    %and3A_27 = arith.andi %ne3A_26, %ne3A_22 : i1
    %add3A = arith.addi %rem3A_20, %select_n3A_19 : i32
    %select_n3A_28 = arith.select %and3A_27, %add3A, %rem3A_20 : i32
    %c0_i32 = arith.constant 0 : i32
    %c0_i32_29 = arith.constant 0 : i32
    %c0_i32_30 = arith.constant 0 : i32
    return %select_n3A, %select_n3A_28, %c0_i32, %c0_i32_29 : i32, i32, i32, i32
  }
  func.func @transform_1(%arg0: i32) -> (i32, i32) {
    %c0_i32 = arith.constant 0 : i32
    %c0_i32_0 = arith.constant 0 : i32
    %c0_i32_1 = arith.constant 0 : i32
    return %c0_i32, %c0_i32_0 : i32, i32
  }
  func.func @transform_2(%arg0: i32) -> (i32, i32, i32) {
    %c0_i32 = arith.constant 0 : i32
    %c0_i32_0 = arith.constant 0 : i32
    %c0_i32_1 = arith.constant 0 : i32
    return %arg0, %c0_i32, %c0_i32_0 : i32, i32, i32
  }
}

</mosaic_0001>

<sc_bundles>
// kernel: kernel.10.cloned.1.call-start
scs
__scs_entry_jumppad:
0x0: {  	(pc) =	sbr.rel $0x88, $3  }
0x1: {  	(tag) =	ssettag $0x0;
	lr =	simm.s32 $0x1  }
0x2: {  	[smem:$0x3F94] =	sst lr;
	_ =	strace $0xD0000000  }
0x3: {  	_ = 	snop  }
0x4: {  	_ = 	snop  }
0x5: {  	_ = 	snop  }
0x6: {  	_ = 	snop  }
0x7: {  	_ = 	snop  }
__scs_overlays_trampoline_lowered:
0x8: {  	[smem:$0x3FA3] =	sst s0  }
0x9: {  	[smem:$0x3FA4] =	sst s1  }
0xa: {  	[smem:$0x3FA5] =	sst s2  }
0xb: {  	[smem:$0x3FA6] =	sst s3  }
0xc: {  	[smem:$0x3FA7] =	sst s4  }
0xd: {  	[smem:$0x3FA8] =	sst s5  }
0xe: {  	[smem:$0x3FA9] =	sst s6  }
0xf: {  	[smem:$0x3FAA] =	sst s7  }
0x10: {  	[smem:$0x3FAB] =	sst s8  }
0x11: {  	[smem:$0x3FAC] =	sst s9;
	s0 =	simm.s32 @!p0 $0x0  }
0x12: {  	s1 =	sld [smem:$0x3F92];
	s0 =	simm.s32 @p0 $0x1  }
0x13: {  	[smem:$0x3FAD] =	sst s0;
	s0 =	simm.s32 @!p1 $0x0  }
0x14: {  	s2 =	sld [smem:$0x3F91];
	s0 =	simm.s32 @p1 $0x1  }
0x15: {  	[smem:$0x3FAE] =	sst s0;
	s0 =	simm.s32 @!p2 $0x0  }
0x16: {  	s3 =	sld [smem:$0x3FDB];
	s0 =	simm.s32 @p2 $0x1  }
0x17: {  	s4 =	simm.s32 $0x1BF5;
	[smem:$0x3FB0] =	sst s0  }
0x18: {  	s0 =	sld [smem:$0x3F93];
	_ =	swait.ge [sflag:s4], $0x0  }
0x19: {  	s7 =	sld [smem:$0x3F94]  }
0x1a: {  	s8 =	sadd.s32 $0xFFFFE003, lr  }
0x1b: {  	s9 =	sadd.s32 $0xFFFFFEF7, lr;
	s5 =	simm.s32 $0xFFFFFFFF;
	p2 =	slt.u32 s8, $0xFFFFF086  }
0x1c: {  	p1 =	slt.u32 s9, $0xF7A;
	s5 =	simm.s32 @!p2 $0x0  }
0x1d: {  	s5 =	simm.s32 @p1 $0x1;
	p0 =	seq.s32 s7, s2  }
0x1e: {  	s7 =	smul.u32 @!p0 $0xF7A, s2;
	p2 =	seq.s32 @!p0 s5, $0x0  }
0x1f: {  	s9 =	smul.u32 $0xF7A, s1;
	s8 =	simm.s32 @!p0 $0x1BF5;
	p2 =	por !p2, p0  }
0x20: {  	[sflag:s8] =	ssyncset.s32 @!p0 $0xFFFFF086;
	s6 =	sadd.s32 @!p0 s3, s7;
	s7 =	simm.s32 @!p0 $0x108  }
0x21: {  	s3 =	sadd.s32 s3, s9;
	s6 =	sadd.s32 @!p0 $0x88, s6;
	s7 =	simm.s32 @p2 $0x1082  }
0x22: {  	[simem:s7], [sflag:s8] =	dma.local @!p0 [hbm:s6], $0xF7A  }
0x23: {  	s9 =	sor.u32 $0xD0000000, s2;
	s6 =	simm.s32 $0x108;
	_ =	swait.ge @!p0 [sflag:s8], $0x0  }
0x24: {  	s3 =	sadd.s32 $0x88, s3;
	s6 =	simm.s32 @!p1 $0x1082;
	[sflag:s4] =	ssyncset.s32 $0xFFFFF086  }
0x25: {  	[simem:s6], [sflag:s4] =	dma.local [hbm:s3], $0xF7A  }
0x26: {  	[smem:$0x3F94] =	sst s1;
	(tag) =	ssettag s2;
	_ =	strace s9  }
0x27: {  	s1 =	sld [smem:$0x3FA4]  }
0x28: {  	s2 =	sld [smem:$0x3FA5]  }
0x29: {  	s4 =	sld [smem:$0x3FA7]  }
0x2a: {  	p0 =	seq.s32 s5, $0x0;
	s5 =	sld [smem:$0x3FA8]  }
0x2b: {  	s6 =	sld [smem:$0x3FA9]  }
0x2c: {  	s7 =	sld [smem:$0x3FAA]  }
0x2d: {  	s3 =	simm.s32 $0x108;
	s8 =	sld [smem:$0x3FAB]  }
0x2e: {  	s3 =	simm.s32 @!p0 $0x1082;
	s9 =	sld [smem:$0x3FAC]  }
0x2f: {  	lr =	sadd.s32 s0, s3;
	s0 =	sld [smem:$0x3FA3]  }
0x30: {  	s3 =	sld [smem:$0x3FA6]  }
0x31: {  	[smem:$0x3FAF] =	sst s10  }
0x32: {  	s10 =	sld [smem:$0x3FAD];
	_ =	sdelay $0x3  }
0x33: {  	p0 =	seq.s32 s10, $0x1;
	s10 =	sld [smem:$0x3FAF];
	_ =	sdelay $0x3  }
0x34: {  	[smem:$0x3FAF] =	sst s10  }
0x35: {  	s10 =	sld [smem:$0x3FAE];
	_ =	sdelay $0x3  }
0x36: {  	p1 =	seq.s32 s10, $0x1;
	s10 =	sld [smem:$0x3FAF];
	_ =	sdelay $0x3  }
0x37: {  	[smem:$0x3FAF] =	sst s10  }
0x38: {  	s10 =	sld [smem:$0x3FB0]  }
0x39: {  	_ = 	snop;
	(pc) =	sbr.ind lr, $3  }
0x3a: {  	_ = 	snop  }
0x3b: {  	_ = 	snop  }
0x3c: {  	p2 =	seq.s32 s10, $0x1;
	s10 =	sld [smem:$0x3FAF]  }
0x3d: {  	_ =	shalt  }
0x3e: {  	_ =	shalt  }
0x3f: {  	_ =	shalt  }
0x40: {  	_ =	shalt  }
0x41: {  	_ =	shalt  }
0x42: {  	_ =	shalt  }
0x43: {  	_ =	shalt  }
0x44: {  	_ =	shalt  }
0x45: {  	_ =	shalt  }
0x46: {  	_ =	shalt  }
0x47: {  	_ =	shalt  }
0x48: {  	_ =	shalt  }
0x49: {  	_ =	shalt  }
0x4a: {  	_ =	shalt  }
0x4b: {  	_ =	shalt  }
0x4c: {  	_ =	shalt  }
0x4d: {  	_ =	shalt  }
0x4e: {  	_ =	shalt  }
0x4f: {  	_ =	shalt  }
0x50: {  	_ =	shalt  }
0x51: {  	_ =	shalt  }
0x52: {  	_ =	shalt  }
0x53: {  	_ =	shalt  }
0x54: {  	_ =	shalt  }
0x55: {  	_ =	shalt  }
0x56: {  	_ =	shalt  }
0x57: {  	_ =	shalt  }
0x58: {  	_ =	shalt  }
0x59: {  	_ =	shalt  }
0x5a: {  	_ =	shalt  }
0x5b: {  	_ =	shalt  }
0x5c: {  	_ =	shalt  }
0x5d: {  	_ =	shalt  }
0x5e: {  	_ =	shalt  }
0x5f: {  	_ =	shalt  }
0x60: {  	_ =	shalt  }
0x61: {  	_ =	shalt  }
0x62: {  	_ =	shalt  }
0x63: {  	_ =	shalt  }
0x64: {  	_ =	shalt  }
0x65: {  	_ =	shalt  }
0x66: {  	_ =	shalt  }
0x67: {  	_ =	shalt  }
0x68: {  	_ =	shalt  }
0x69: {  	_ =	shalt  }
0x6a: {  	_ =	shalt  }
0x6b: {  	_ =	shalt  }
0x6c: {  	_ =	shalt  }
0x6d: {  	_ =	shalt  }
0x6e: {  	_ =	shalt  }
0x6f: {  	_ =	shalt  }
0x70: {  	_ =	shalt  }
0x71: {  	_ =	shalt  }
0x72: {  	_ =	shalt  }
0x73: {  	_ =	shalt  }
0x74: {  	_ =	shalt  }
0x75: {  	_ =	shalt  }
0x76: {  	_ =	shalt  }
0x77: {  	_ =	shalt  }
0x78: {  	_ =	shalt  }
0x79: {  	_ =	shalt  }
0x7a: {  	_ =	shalt  }
0x7b: {  	_ =	shalt  }
0x7c: {  	_ =	shalt  }
0x7d: {  	_ =	shalt  }
0x7e: {  	_ =	shalt  }
0x7f: {  	_ =	shalt  }
0x80: {  	_ =	shalt  }
0x81: {  	_ =	shalt  }
0x82: {  	_ =	shalt  }
0x83: {  	_ =	shalt  }
0x84: {  	_ =	shalt  }
0x85: {  	_ =	shalt  }
0x86: {  	_ =	shalt  }
0x87: {  	_ =	shalt  }
.Lfunc_end0:
.L_simem_size_0:
called_computation_lowered:
.L_overlay_start_0:
0x88: {  	s2 =	sld [smem:$0x3FD9]  }
0x89: {  	s3 =	sld [smem:$0x3FFE];
	_ =	sdelay $0x1  }
0x8a: {  	s1 =	srdreg.scid  }
0x8b: {  	s0 =	sand.u32 $0x1, s1  }
0x8c: {  	s14 =	sshll.u32 s0, $0xA;
	s2 =	sadd.s32 s3, s2  }
0x8d: {  	s2 =	sadd.s32 s2, s14  }
0x8e: {  	[smem:$0x3FBB] =	sst s2  }
0x8f: {  	_ = 	snop  }
0x90: {  	s2 =	sld [smem:$0x3FD0];
	_ =	sdelay $0x2  }
0x91: {  	s15 =	simm.s32 $0xA;
	s4 =	simm.s32 $0x10  }
0x92: {  	[smem:s4], [sflag:s15] =	dma.local [hbm:s2], $0x1  }
0x93: {  	_ =	swait.eq [sflag:s15], $0x1  }
0x94: {  	[sflag:s15] =	ssyncset.done $0x0  }
0x95: {  	[sflag:s15] =	ssyncadd.s32 $0xFFFFFFFF  }
0x96: {  	s16 =	sld [smem:$0x12];
	(tm) =	ssettm $0x1  }
0x97: {  	s17 =	sld [smem:$0x3FFB];
	_ =	sdelay $0x3  }
0x98: {  	_ =	strace s17  }
0x99: {  	s3 =	sld [smem:$0x3FFC];
	_ =	sdelay $0x3  }
0x9a: {  	_ =	strace s3  }
0x9b: {  	s3 =	sld [smem:$0x3FFD];
	_ =	sdelay $0x3  }
0x9c: {  	_ =	strace s3  }
0x9d: {  	_ =	strace $0x8FFFFFFF  }
0x9e: {  	s18 =	sld [smem:$0x3FDB];
	_ =	sdelay $0x1  }
0x9f: {  	s19 =	simm.s32 $_scs_section_size  }
0xa0: {  	s5 =	simm.s32 $_size__tile_overlayer_lowered;
	s6 =	simm.s32 $_tile_overlayer_lowered  }
0xa1: {  	s22 =	simm.s32 $0x1BFF;
	s21 =	sshll.u32 s6, $0x1;
	s3 =	sadd.s32 s19, s18  }
0xa2: {  	s7 =	simm.s32 $0x0;
	s20 =	sshll.u32 s5, $0x1;
	s5 =	sadd.s32 s21, s3  }
0xa3: {  	[timem:s7], [sflag:s22] =	dma.local [hbm:s5], s20  }
0xa4: {  	_ =	swait.ge [sflag:s22], s20  }
0xa5: {  	s4 =	ssub.s32 $0x0, s20;
	[sflag:s22] =	ssyncset.done $0x0  }
0xa6: {  	[sflag:s22] =	ssyncadd.s32 s4;
	_ =	sdelay $0x1  }
0xa7: {  	s23 =	simm.s32 $0x1B8B  }
0xa8: {  	_ =	swait.ge [sflag:s23], $0x1  }
0xa9: {  	[sflag:s23] =	ssyncset.done $0x0  }
0xaa: {  	s25 =	simm.s32 $0x1B8E;
	s24 =	sld [smem:$0x3FFE];
	[sflag:s23] =	ssyncadd.s32 $0xFFFFFFFF  }
0xab: {  	s26 =	simm.s32 $execute0_lowered;
	[smem:$0x3FD2] =	sst s25  }
0xac: {  	s5 =	sshll.u32 s26, $0x1;
	_ =	strace $0x80000046;
	[dreg:$0x1] =	wrdreg $0xFFFFFFFF  }
0xad: {  	s28 =	simm.s32 $_size_execute0_lowered;
	s3 =	sadd.s32 s3, s5;
	[dreg:$0x0] =	wrdreg $0x0  }
0xae: {  	s5 =	sshll.u32 s28, $0x1;
	[dreg:$0x2] =	wrdreg s3  }
0xaf: {  	[dreg:$0x3] =	wrdreg s5  }
0xb0: {  	[dreg:$0x4] =	wrdreg $0xC0  }
0xb1: {  	_ =	task [dreg:s7], $0x5FFFF  }
0xb2: {  	[dreg:$0x1] =	wrdreg $0xFFFFFFFF  }
0xb3: {  	[dreg:$0x0] =	wrdreg $0x60  }
0xb4: {  	[dreg:$0x2] =	wrdreg s16  }
0xb5: {  	[dreg:$0x3] =	wrdreg s24  }
0xb6: {  	[dreg:$0x4] =	wrdreg $0x9  }
0xb7: {  	_ =	task.clear_ibuf [dreg:s7], $0x5FFFF;
	_ =	strace $0x90000046  }
0xb8: {  	s29 =	simm.s32 $0x9;
	_ =	strace $0x80000048  }
0xb9: {  	_ =	swait.ge [sflag:s29], $0x1  }
0xba: {  	[sflag:s29] =	ssyncadd.s32 $0xFFFFFFFF  }
0xbb: {  	_ =	strace $0x90000048  }
0xbc: {  	_ =	sfence  }
0xbd: {  	s30 =	sld [smem:$0x0];
	_ =	sdelay $0x2  }
0xbe: {  	s31 =	sshll.u32 s1, $0xD;
	s1 =	sshrl.u32 s1, $0x2  }
0xbf: {  	s3 =	sand.u32 $0x4000, s31;
	s1 =	sadd.s32 s1, s30  }
0xc0: {  	s0 =	sor.u32 s3, s0;
	s1 =	sshll.u32 s1, $0x11  }
0xc1: {  	s0 =	sor.u32 s1, s0  }
0xc2: {  	s0 =	sadd.s32 $0x8F2B, s0  }
0xc3: {  	[sflag:s0] =	ssyncadd.remote.s32 $0x1  }
0xc4: {  	_ =	sfence.sel $0xFFFF  }
0xc5: {  	[dreg:$0x0] =	wrdreg $0xFFFFFFFF;
	(pc) =	sbr.abs _section_cstart, $3  }
0xc6: {  	[dreg:$0x1] =	wrdreg $0xFFFFFFFF  }
0xc7: {  	_ =	task.clear_ibuf [dreg:s7], $0x2FFFF;
	_ =	strace $0x9FFFFFFF  }
0xc8: {  	(tm) =	ssettm $0x7FFFFFFF  }
0xc9: {  	_ =	shalt  }
tec
execute0_lowered:
.L_overlay_start_1:
0x0: {  	(tag) =	ssettag $0x1  }
0x1: {  	s0 =	srdreg.scid  }
0x2: {  	s4 =	rddreg [dreg:$0x0];
	s3 =	sand.u32 $0x1, s0  }
0x3: {  	s5 =	rddreg [dreg:$0x1];
	s0 =	stileid.u32;
	s1 =	sshll.u32 s3, $0x4  }
0x4: {  	s2 =	simm.s32 $0x0;
	s9 =	simm.s32 $0x2780;
	s6 =	sor.u32 s0, s1  }
0x5: {  	s10 =	simm.s32 $0x0;
	[smem:$0x7FF] =	sst s2;
	s7 =	sshrl.u32 s6, $0x3  }
0x6: {  	s8 =	sshll.u32 s0, $0x7;
	s3 =	ssub.s32 $0x2, s3;
	s7 =	smul.u32 $0x13C00, s7  }
0x7: {  	s1 =	rddreg [dreg:$0x2];
	s8 =	sand.u32 $0x380, s8;
	s6 =	smul.u32 $0x2800, s6  }
0x8: {  	_ =	strace $0x80000047;
	s31 =	sshrl.u32 s3, $0x1;
	s7 =	sor.u32 s8, s7  }
0x9: {  	s5 =	sadd.s32 s6, s5;
	s6 =	ssub.s32 s3, s31;
	s7 =	sshrl.u32 s7, $0x3  }
0xa: {  	s8 =	simm.s32 $0x1;
	s3 =	sadd.s32 s4, s7;
	s4 =	sadd.s32 $0x3800, s5  }
0xb: {  	v0 =	vimm.f32 $0.0e+00;
	v1 =	vimm.f32 $1.000000000e+00;
	s5 =	smax.u32 s6, $0x1;
	s6 =	simm.s32 $0x80;
	s7 =	simm.s32 $0x400  }
.LBB2_1:
0xc: {  	s11 =	simm.s32 $0x200;
	s12 =	simm.s32 $0x0  }
.LBB2_2:
0xd: {  	p0 =	sne.s32 s11, $0x4FE00;
	[tilespmem:s12+$0x2780] =	vst v0;
	s12 =	smov.u32 s11;
	s11 =	sadd.s32 $0x200, s11  }
.Ltmp0:
0xe: {  	(pc) =	sbr.rel @p0 .LBB2_2-.Ltmp0, $2  }
0xf: {  	_ =	sdelay $0x2  }
0x10: {  	s12 =	sshra.s32 s12, $0x2  }
0x11: {  	[tilespmem:s12+$0x2780] =	vst v0;
	s11 =	simm.s32 $0x0  }
0x12: {  	[tilespmem:s11], [sflag:$0x1] =	stream.strided.gather [hbm4b:s3+s6], $0x2780, s7, s6, $0x38;
	[tilespmem:$0x16780] =	vst v63  }
0x13: {  	_ =	swait.ge [sflag:s8], $0x2780  }
0x14: {  	[sflag:s8] =	ssyncset.done $0x0  }
0x15: {  	s12 =	simm.s32 $0x0;
	s11 =	simm.s32 $0x40;
	[sflag:s8] =	ssyncadd.s32 $0xFFFFD880  }
.LBB2_4:
0x16: {  	p0 =	sne.s32 s11, $0x9C00;
	v2 =	vld [tilespmem:s12+$0x0];
	_ =	sdelay $0x4  }
0x17: {  	v3 =	vshll.u32 v2, $0x3  }
0x18: {  	v2 =	vand.u32 $0xF, v2;
	v3 =	vand.u32 $0xFFFFFF80, v3  }
0x19: {  	v2 =	vor.u32 v2, v3  }
.Ltmp1:
0x1a: {  	(pc) =	sbr.rel @p0 .LBB2_4-.Ltmp1, $2  }
0x1b: {  	_ =	sdelay $0x2  }
0x1c: {  	s12 =	sshra.s32 s11, $0x2;
	s11 =	sadd.s32 $0x40, s11;
	[tilespmem:v2+s9+$0x0] =	vst.idx.add.f32.msk $0xffff, v1  }
0x1d: {  	v2 =	vld [tilespmem:s12+$0x0];
	_ =	sdelay $0x4  }
0x1e: {  	v3 =	vshll.u32 v2, $0x3  }
0x1f: {  	v2 =	vand.u32 $0xF, v2;
	v3 =	vand.u32 $0xFFFFFF80, v3  }
0x20: {  	v2 =	vor.u32 v2, v3;
	_ =	sdelay $0x2  }
0x21: {  	s10 =	sadd.s32 $0x1, s10  }
0x22: {  	p0 =	sne.s32 s10, s5  }
.Ltmp2:
0x23: {  	[tilespmem:v2+s9+$0x0] =	vst.idx.add.f32.msk $0xffff, v1;
	(pc) =	sbr.rel @p0 .LBB2_1-.Ltmp2, $4  }
0x24: {  	[hbm4b:s4+s2] =	stream.linear.scatter [tilespmem:s9], [sflag:$0x1], $0x14000, $0x38;
	[tilespmem:$0x16780] =	vst v63  }
0x25: {  	_ =	swait.ge [sflag:s8], $0x14000  }
0x26: {  	[sflag:s8] =	ssyncset.done $0x0  }
0x27: {  	[sflag:s8] =	ssyncadd.s32 $0xFFFEC000  }
0x28: {  	_ =	sfence.sel $0x180000  }
0x29: {  	[bflag:$0x0] =	sbarrier.arrive $0xFFFF  }
0x2a: {  	p0 =	sne.s32 s0, $0x0;
	_ =	strace $0x90000047  }
0x2b: {  	s0 =	sadd.s32 @!p0 $0x100000, s1;
	[bflag:$0x2] =	sbarrier.arrive $0xFFFF  }
0x2c: {  	[sflag:s0] =	ssyncadd.tile.s32 @!p0 $0x1;
	_ =	shalt  }
.Lfunc_end2:
_tile_overlayer_lowered:
.L_overlay_start_2:
0x2d: {  	(tag) =	ssettag $0x2  }
0x2e: {  	s0 =	rddreg [dreg:$0x0];
	s2 =	stileid.u32  }
0x2f: {  	s1 =	rddreg [dreg:$0x1];
	p0 =	sne.s32 s2, $0x0  }
0x30: {  	s3 =	rddreg [dreg:$0x2];
	[bflag:$0x3] =	sbarrier.arrive $0xFFFF;
	s2 =	simm.s32 @!p0 $0x1C01  }
0x31: {  	[timem:s3], [sflag:s2] =	dma.local @!p0 [hbm:s0], s1  }
0x32: {  	s0 =	simm.s32 @!p0 $0x1  }
0x33: {  	_ =	swait.ge @!p0 [sflag:s0], s1  }
0x34: {  	s1 =	ssub.s32 @!p0 $0x0, s1;
	[sflag:s0] =	ssyncset.done @!p0 $0x0  }
0x35: {  	[sflag:s0] =	ssyncadd.s32 @!p0 s1  }
0x36: {  	[bflag:$0x3] =	sbarrier.arrive $0xFFFF  }
0x37: {  	_ =	shalt  }

// kernel: kernel.13.cloned.1.call-start
scs
__scs_entry_jumppad:
0x0: {  	(pc) =	sbr.rel $0x88, $3  }
0x1: {  	(tag) =	ssettag $0x0;
	lr =	simm.s32 $0x1  }
0x2: {  	[smem:$0x3F94] =	sst lr;
	_ =	strace $0xD0000000  }
0x3: {  	_ = 	snop  }
0x4: {  	_ = 	snop  }
0x5: {  	_ = 	snop  }
0x6: {  	_ = 	snop  }
0x7: {  	_ = 	snop  }
__scs_overlays_trampoline_lowered:
0x8: {  	[smem:$0x3FA3] =	sst s0  }
0x9: {  	[smem:$0x3FA4] =	sst s1  }
0xa: {  	[smem:$0x3FA5] =	sst s2  }
0xb: {  	[smem:$0x3FA6] =	sst s3  }
0xc: {  	[smem:$0x3FA7] =	sst s4  }
0xd: {  	[smem:$0x3FA8] =	sst s5  }
0xe: {  	[smem:$0x3FA9] =	sst s6  }
0xf: {  	[smem:$0x3FAA] =	sst s7  }
0x10: {  	[smem:$0x3FAB] =	sst s8  }
0x11: {  	[smem:$0x3FAC] =	sst s9;
	s0 =	simm.s32 @!p0 $0x0  }
0x12: {  	s1 =	sld [smem:$0x3F92];
	s0 =	simm.s32 @p0 $0x1  }
0x13: {  	[smem:$0x3FAD] =	sst s0;
	s0 =	simm.s32 @!p1 $0x0  }
0x14: {  	s2 =	sld [smem:$0x3F91];
	s0 =	simm.s32 @p1 $0x1  }
0x15: {  	[smem:$0x3FAE] =	sst s0;
	s0 =	simm.s32 @!p2 $0x0  }
0x16: {  	s3 =	sld [smem:$0x3FDB];
	s0 =	simm.s32 @p2 $0x1  }
0x17: {  	s4 =	simm.s32 $0x1BF5;
	[smem:$0x3FB0] =	sst s0  }
0x18: {  	s0 =	sld [smem:$0x3F93];
	_ =	swait.ge [sflag:s4], $0x0  }
0x19: {  	s7 =	sld [smem:$0x3F94]  }
0x1a: {  	s8 =	sadd.s32 $0xFFFFE003, lr  }
0x1b: {  	s9 =	sadd.s32 $0xFFFFFEF7, lr;
	s5 =	simm.s32 $0xFFFFFFFF;
	p2 =	slt.u32 s8, $0xFFFFF086  }
0x1c: {  	p1 =	slt.u32 s9, $0xF7A;
	s5 =	simm.s32 @!p2 $0x0  }
0x1d: {  	s5 =	simm.s32 @p1 $0x1;
	p0 =	seq.s32 s7, s2  }
0x1e: {  	s7 =	smul.u32 @!p0 $0xF7A, s2;
	p2 =	seq.s32 @!p0 s5, $0x0  }
0x1f: {  	s9 =	smul.u32 $0xF7A, s1;
	s8 =	simm.s32 @!p0 $0x1BF5;
	p2 =	por !p2, p0  }
0x20: {  	[sflag:s8] =	ssyncset.s32 @!p0 $0xFFFFF086;
	s6 =	sadd.s32 @!p0 s3, s7;
	s7 =	simm.s32 @!p0 $0x108  }
0x21: {  	s3 =	sadd.s32 s3, s9;
	s6 =	sadd.s32 @!p0 $0x88, s6;
	s7 =	simm.s32 @p2 $0x1082  }
0x22: {  	[simem:s7], [sflag:s8] =	dma.local @!p0 [hbm:s6], $0xF7A  }
0x23: {  	s9 =	sor.u32 $0xD0000000, s2;
	s6 =	simm.s32 $0x108;
	_ =	swait.ge @!p0 [sflag:s8], $0x0  }
0x24: {  	s3 =	sadd.s32 $0x88, s3;
	s6 =	simm.s32 @!p1 $0x1082;
	[sflag:s4] =	ssyncset.s32 $0xFFFFF086  }
0x25: {  	[simem:s6], [sflag:s4] =	dma.local [hbm:s3], $0xF7A  }
0x26: {  	[smem:$0x3F94] =	sst s1;
	(tag) =	ssettag s2;
	_ =	strace s9  }
0x27: {  	s1 =	sld [smem:$0x3FA4]  }
0x28: {  	s2 =	sld [smem:$0x3FA5]  }
0x29: {  	s4 =	sld [smem:$0x3FA7]  }
0x2a: {  	p0 =	seq.s32 s5, $0x0;
	s5 =	sld [smem:$0x3FA8]  }
0x2b: {  	s6 =	sld [smem:$0x3FA9]  }
0x2c: {  	s7 =	sld [smem:$0x3FAA]  }
0x2d: {  	s3 =	simm.s32 $0x108;
	s8 =	sld [smem:$0x3FAB]  }
0x2e: {  	s3 =	simm.s32 @!p0 $0x1082;
	s9 =	sld [smem:$0x3FAC]  }
0x2f: {  	lr =	sadd.s32 s0, s3;
	s0 =	sld [smem:$0x3FA3]  }
0x30: {  	s3 =	sld [smem:$0x3FA6]  }
0x31: {  	[smem:$0x3FAF] =	sst s10  }
0x32: {  	s10 =	sld [smem:$0x3FAD];
	_ =	sdelay $0x3  }
0x33: {  	p0 =	seq.s32 s10, $0x1;
	s10 =	sld [smem:$0x3FAF];
	_ =	sdelay $0x3  }
0x34: {  	[smem:$0x3FAF] =	sst s10  }
0x35: {  	s10 =	sld [smem:$0x3FAE];
	_ =	sdelay $0x3  }
0x36: {  	p1 =	seq.s32 s10, $0x1;
	s10 =	sld [smem:$0x3FAF];
	_ =	sdelay $0x3  }
0x37: {  	[smem:$0x3FAF] =	sst s10  }
0x38: {  	s10 =	sld [smem:$0x3FB0]  }
0x39: {  	_ = 	snop;
	(pc) =	sbr.ind lr, $3  }
0x3a: {  	_ = 	snop  }
0x3b: {  	_ = 	snop  }
0x3c: {  	p2 =	seq.s32 s10, $0x1;
	s10 =	sld [smem:$0x3FAF]  }
0x3d: {  	_ =	shalt  }
0x3e: {  	_ =	shalt  }
0x3f: {  	_ =	shalt  }
0x40: {  	_ =	shalt  }
0x41: {  	_ =	shalt  }
0x42: {  	_ =	shalt  }
0x43: {  	_ =	shalt  }
0x44: {  	_ =	shalt  }
0x45: {  	_ =	shalt  }
0x46: {  	_ =	shalt  }
0x47: {  	_ =	shalt  }
0x48: {  	_ =	shalt  }
0x49: {  	_ =	shalt  }
0x4a: {  	_ =	shalt  }
0x4b: {  	_ =	shalt  }
0x4c: {  	_ =	shalt  }
0x4d: {  	_ =	shalt  }
0x4e: {  	_ =	shalt  }
0x4f: {  	_ =	shalt  }
0x50: {  	_ =	shalt  }
0x51: {  	_ =	shalt  }
0x52: {  	_ =	shalt  }
0x53: {  	_ =	shalt  }
0x54: {  	_ =	shalt  }
0x55: {  	_ =	shalt  }
0x56: {  	_ =	shalt  }
0x57: {  	_ =	shalt  }
0x58: {  	_ =	shalt  }
0x59: {  	_ =	shalt  }
0x5a: {  	_ =	shalt  }
0x5b: {  	_ =	shalt  }
0x5c: {  	_ =	shalt  }
0x5d: {  	_ =	shalt  }
0x5e: {  	_ =	shalt  }
0x5f: {  	_ =	shalt  }
0x60: {  	_ =	shalt  }
0x61: {  	_ =	shalt  }
0x62: {  	_ =	shalt  }
0x63: {  	_ =	shalt  }
0x64: {  	_ =	shalt  }
0x65: {  	_ =	shalt  }
0x66: {  	_ =	shalt  }
0x67: {  	_ =	shalt  }
0x68: {  	_ =	shalt  }
0x69: {  	_ =	shalt  }
0x6a: {  	_ =	shalt  }
0x6b: {  	_ =	shalt  }
0x6c: {  	_ =	shalt  }
0x6d: {  	_ =	shalt  }
0x6e: {  	_ =	shalt  }
0x6f: {  	_ =	shalt  }
0x70: {  	_ =	shalt  }
0x71: {  	_ =	shalt  }
0x72: {  	_ =	shalt  }
0x73: {  	_ =	shalt  }
0x74: {  	_ =	shalt  }
0x75: {  	_ =	shalt  }
0x76: {  	_ =	shalt  }
0x77: {  	_ =	shalt  }
0x78: {  	_ =	shalt  }
0x79: {  	_ =	shalt  }
0x7a: {  	_ =	shalt  }
0x7b: {  	_ =	shalt  }
0x7c: {  	_ =	shalt  }
0x7d: {  	_ =	shalt  }
0x7e: {  	_ =	shalt  }
0x7f: {  	_ =	shalt  }
0x80: {  	_ =	shalt  }
0x81: {  	_ =	shalt  }
0x82: {  	_ =	shalt  }
0x83: {  	_ =	shalt  }
0x84: {  	_ =	shalt  }
0x85: {  	_ =	shalt  }
0x86: {  	_ =	shalt  }
0x87: {  	_ =	shalt  }
.Lfunc_end0:
.L_simem_size_0:
called_computation.1_lowered:
.L_overlay_start_0:
0x88: {  	s2 =	sld [smem:$0x3FD9]  }
0x89: {  	s3 =	sld [smem:$0x3FFE];
	_ =	sdelay $0x1  }
0x8a: {  	s1 =	srdreg.scid  }
0x8b: {  	s0 =	sand.u32 $0x1, s1  }
0x8c: {  	s14 =	sshll.u32 s0, $0xA;
	s2 =	sadd.s32 s3, s2  }
0x8d: {  	s2 =	sadd.s32 s2, s14  }
0x8e: {  	[smem:$0x3FBB] =	sst s2  }
0x8f: {  	_ = 	snop  }
0x90: {  	s2 =	sld [smem:$0x3FD0];
	_ =	sdelay $0x2  }
0x91: {  	s15 =	simm.s32 $0xA;
	s4 =	simm.s32 $0x10  }
0x92: {  	[smem:s4], [sflag:s15] =	dma.local [hbm:s2], $0x1  }
0x93: {  	_ =	swait.eq [sflag:s15], $0x1  }
0x94: {  	[sflag:s15] =	ssyncset.done $0x0  }
0x95: {  	[sflag:s15] =	ssyncadd.s32 $0xFFFFFFFF  }
0x96: {  	s16 =	sld [smem:$0x11];
	(tm) =	ssettm $0x1  }
0x97: {  	s17 =	sld [smem:$0x3FFB];
	_ =	sdelay $0x3  }
0x98: {  	_ =	strace s17  }
0x99: {  	s3 =	sld [smem:$0x3FFC];
	_ =	sdelay $0x3  }
0x9a: {  	_ =	strace s3  }
0x9b: {  	s3 =	sld [smem:$0x3FFD];
	_ =	sdelay $0x3  }
0x9c: {  	_ =	strace s3  }
0x9d: {  	_ =	strace $0x8FFFFFFF  }
0x9e: {  	s18 =	sld [smem:$0x3FDB];
	_ =	sdelay $0x1  }
0x9f: {  	s19 =	simm.s32 $_scs_section_size  }
0xa0: {  	s5 =	simm.s32 $_size__tile_overlayer_lowered;
	s6 =	simm.s32 $_tile_overlayer_lowered  }
0xa1: {  	s22 =	simm.s32 $0x1BFF;
	s21 =	sshll.u32 s6, $0x1;
	s3 =	sadd.s32 s19, s18  }
0xa2: {  	s7 =	simm.s32 $0x0;
	s20 =	sshll.u32 s5, $0x1;
	s5 =	sadd.s32 s21, s3  }
0xa3: {  	[timem:s7], [sflag:s22] =	dma.local [hbm:s5], s20  }
0xa4: {  	_ =	swait.ge [sflag:s22], s20  }
0xa5: {  	s4 =	ssub.s32 $0x0, s20;
	[sflag:s22] =	ssyncset.done $0x0  }
0xa6: {  	[sflag:s22] =	ssyncadd.s32 s4;
	_ =	sdelay $0x1  }
0xa7: {  	s23 =	simm.s32 $0x1B8B  }
0xa8: {  	_ =	swait.ge [sflag:s23], $0x1  }
0xa9: {  	[sflag:s23] =	ssyncset.done $0x0  }
0xaa: {  	s25 =	simm.s32 $0x1B8E;
	s24 =	sld [smem:$0x3FFE];
	[sflag:s23] =	ssyncadd.s32 $0xFFFFFFFF  }
0xab: {  	s26 =	simm.s32 $execute0_lowered;
	[smem:$0x3FD2] =	sst s25  }
0xac: {  	s5 =	sshll.u32 s26, $0x1;
	_ =	strace $0x80000049;
	[dreg:$0x1] =	wrdreg $0xFFFFFFFF  }
0xad: {  	s28 =	simm.s32 $_size_execute0_lowered;
	s3 =	sadd.s32 s3, s5;
	[dreg:$0x0] =	wrdreg $0x0  }
0xae: {  	s5 =	sshll.u32 s28, $0x1;
	[dreg:$0x2] =	wrdreg s3  }
0xaf: {  	[dreg:$0x3] =	wrdreg s5  }
0xb0: {  	[dreg:$0x4] =	wrdreg $0xC0  }
0xb1: {  	_ =	task [dreg:s7], $0x5FFFF  }
0xb2: {  	[dreg:$0x1] =	wrdreg $0xFFFFFFFF  }
0xb3: {  	[dreg:$0x0] =	wrdreg $0x60  }
0xb4: {  	[dreg:$0x2] =	wrdreg s24  }
0xb5: {  	[dreg:$0x3] =	wrdreg s16  }
0xb6: {  	[dreg:$0x4] =	wrdreg $0x96000  }
0xb7: {  	[dreg:$0x5] =	wrdreg $0x9  }
0xb8: {  	_ =	task.clear_ibuf [dreg:s7], $0x6FFFF;
	_ =	strace $0x90000049  }
0xb9: {  	s29 =	simm.s32 $0x9;
	_ =	strace $0x8000004B  }
0xba: {  	_ =	swait.ge [sflag:s29], $0x1  }
0xbb: {  	[sflag:s29] =	ssyncadd.s32 $0xFFFFFFFF  }
0xbc: {  	_ =	strace $0x9000004B  }
0xbd: {  	_ =	sfence  }
0xbe: {  	s30 =	sld [smem:$0x0];
	_ =	sdelay $0x2  }
0xbf: {  	s31 =	sshll.u32 s1, $0xD;
	s1 =	sshrl.u32 s1, $0x2  }
0xc0: {  	s3 =	sand.u32 $0x4000, s31;
	s1 =	sadd.s32 s1, s30  }
0xc1: {  	s0 =	sor.u32 s3, s0;
	s1 =	sshll.u32 s1, $0x11  }
0xc2: {  	s0 =	sor.u32 s1, s0  }
0xc3: {  	s0 =	sadd.s32 $0x8F2B, s0  }
0xc4: {  	[sflag:s0] =	ssyncadd.remote.s32 $0x1  }
0xc5: {  	_ =	sfence.sel $0xFFFF  }
0xc6: {  	[dreg:$0x0] =	wrdreg $0xFFFFFFFF;
	(pc) =	sbr.abs _section_cstart, $3  }
0xc7: {  	[dreg:$0x1] =	wrdreg $0xFFFFFFFF  }
0xc8: {  	_ =	task.clear_ibuf [dreg:s7], $0x2FFFF;
	_ =	strace $0x9FFFFFFF  }
0xc9: {  	(tm) =	ssettm $0x7FFFFFFF  }
tec
execute0_lowered:
.L_overlay_start_1:
0x0: {  	(tag) =	ssettag $0x1  }
0x1: {  	s5 =	rddreg [dreg:$0x0]  }
0x2: {  	s6 =	rddreg [dreg:$0x1]  }
0x3: {  	s1 =	rddreg [dreg:$0x2]  }
0x4: {  	s0 =	rddreg [dreg:$0x3];
	s2 =	simm.s32 $0x0  }
0x5: {  	s3 =	srdreg.scid;
	s11 =	simm.s32 $0x4000;
	s12 =	simm.s32 $0x4200  }
0x6: {  	s13 =	simm.s32 $0x1;
	s14 =	simm.s32 $0x4080;
	s15 =	simm.s32 $0x6A00  }
0x7: {  	s16 =	simm.s32 $0x4100;
	s17 =	simm.s32 $0x4;
	s18 =	simm.s32 $0x2  }
0x8: {  	s19 =	simm.s32 $0x4180;
	s23 =	simm.s32 $0x0;
	[smem:$0x7FF] =	sst s2  }
0x9: {  	s7 =	sand.u32 $0x1, s3;
	s3 =	stileid.u32;
	s4 =	sadd.s32 $0x3800, s5  }
0xa: {  	s8 =	smul.u32 $0x28000, s7;
	_ =	strace $0x8000004A;
	s9 =	ssub.s32 $0x2, s7  }
0xb: {  	s10 =	smul.u32 $0x50000, s3;
	s30 =	sshll.u32 s3, $0xB;
	s7 =	sshll.u32 s7, $0xF  }
0xc: {  	s21 =	smul.u32 $0x2800, s3;
	s31 =	sshll.u32 s3, $0x6;
	s28 =	sshrl.u32 s9, $0x1  }
.Ltmp0:
0xd: {  	s6 =	sadd.s32 s6, s30;
	s8 =	sadd.s32 s8, s5;
	(pc) =	sbr.rel .LBB2_1-.Ltmp0, $4  }
0xe: {  	s9 =	ssub.s32 s9, s28;
	s29 =	sshrl.u32 s10, $0x2;
	s6 =	sadd.s32 s7, s6  }
0xf: {  	s10 =	simm.s32 $0x50;
	s5 =	sadd.s32 s29, s1;
	s20 =	sadd.s32 $0x2AA00, s8  }
0x10: {  	s7 =	smax.u32 s9, $0x1;
	s8 =	simm.s32 $0x9200;
	s9 =	simm.s32 $0x3  }
0x11: {  	v0 =	vimm.f32 $0.0e+00;
	s20 =	sadd.s32 s21, s20;
	s21 =	sor.u32 $0x1C03, s31;
	s22 =	sshrl.u32 s5, $0x3  }
.LBB2_8:
0x12: {  	s23 =	sadd.s32 $0x1, s23  }
0x13: {  	p0 =	sne.s32 s23, s7  }
.Ltmp1:
0x14: {  	[bflag:$0x0] =	sbarrier.arrive $0xFFFF;
	(pc) =	sbr.rel @!p0 .LBB2_9-.Ltmp1, $4  }
0x15: {  	[hbm:s20], [sflag:s21] =	dma.local [spmem:s22], $0x2800  }
0x16: {  	_ =	swait.ge [sflag:s9], $0x2800  }
0x17: {  	[sflag:s9] =	ssyncset.done $0x0  }
0x18: {  	[sflag:s9] =	ssyncadd.s32 $0xFFFFD800  }
.LBB2_1:
0x19: {  	[tilespmem:$0x9200] =	vst v0  }
0x1a: {  	[tilespmem:$0x9210] =	vst v0  }
0x1b: {  	[tilespmem:$0x9220] =	vst v0  }
0x1c: {  	[tilespmem:$0x9230] =	vst v0  }
0x1d: {  	[tilespmem:$0x9240] =	vst v0  }
0x1e: {  	[tilespmem:$0x9250] =	vst v0  }
0x1f: {  	[tilespmem:$0x9260] =	vst v0  }
0x20: {  	[tilespmem:$0x9270] =	vst v0  }
0x21: {  	[tilespmem:$0x9280] =	vst v0  }
0x22: {  	[tilespmem:$0x9290] =	vst v0  }
0x23: {  	[tilespmem:$0x92A0] =	vst v0  }
0x24: {  	[tilespmem:$0x92B0] =	vst v0  }
0x25: {  	[tilespmem:$0x92C0] =	vst v0  }
0x26: {  	[tilespmem:$0x92D0] =	vst v0  }
0x27: {  	[tilespmem:$0x92E0] =	vst v0  }
0x28: {  	[tilespmem:$0x92F0] =	vst v0  }
0x29: {  	[tilespmem:$0x9300] =	vst v0  }
0x2a: {  	[tilespmem:$0x9310] =	vst v0  }
0x2b: {  	[tilespmem:$0x9320] =	vst v0  }
0x2c: {  	[tilespmem:$0x9330] =	vst v0  }
0x2d: {  	[tilespmem:$0x9340] =	vst v0  }
0x2e: {  	[tilespmem:$0x9350] =	vst v0  }
0x2f: {  	[tilespmem:$0x9360] =	vst v0  }
0x30: {  	[tilespmem:$0x9370] =	vst v0  }
0x31: {  	[tilespmem:$0x9380] =	vst v0  }
0x32: {  	[tilespmem:$0x9390] =	vst v0  }
0x33: {  	[tilespmem:$0x93A0] =	vst v0  }
0x34: {  	[tilespmem:$0x93B0] =	vst v0  }
0x35: {  	[tilespmem:$0x93C0] =	vst v0  }
0x36: {  	[tilespmem:$0x93D0] =	vst v0  }
0x37: {  	[tilespmem:$0x93E0] =	vst v0  }
0x38: {  	[tilespmem:$0x93F0] =	vst v0  }
0x39: {  	[tilespmem:$0x9400] =	vst v0  }
0x3a: {  	[tilespmem:$0x9410] =	vst v0  }
0x3b: {  	[tilespmem:$0x9420] =	vst v0  }
0x3c: {  	[tilespmem:$0x9430] =	vst v0  }
0x3d: {  	[tilespmem:$0x9440] =	vst v0  }
0x3e: {  	[tilespmem:$0x9450] =	vst v0  }
0x3f: {  	[tilespmem:$0x9460] =	vst v0  }
0x40: {  	[tilespmem:$0x9470] =	vst v0  }
0x41: {  	[tilespmem:$0x9480] =	vst v0  }
0x42: {  	[tilespmem:$0x9490] =	vst v0  }
0x43: {  	[tilespmem:$0x94A0] =	vst v0  }
0x44: {  	[tilespmem:$0x94B0] =	vst v0  }
0x45: {  	[tilespmem:$0x94C0] =	vst v0  }
0x46: {  	[tilespmem:$0x94D0] =	vst v0  }
0x47: {  	[tilespmem:$0x94E0] =	vst v0  }
0x48: {  	[tilespmem:$0x94F0] =	vst v0  }
0x49: {  	[tilespmem:$0x9500] =	vst v0  }
0x4a: {  	[tilespmem:$0x9510] =	vst v0  }
0x4b: {  	[tilespmem:$0x9520] =	vst v0  }
0x4c: {  	[tilespmem:$0x9530] =	vst v0  }
0x4d: {  	[tilespmem:$0x9540] =	vst v0  }
0x4e: {  	[tilespmem:$0x9550] =	vst v0  }
0x4f: {  	[tilespmem:$0x9560] =	vst v0  }
0x50: {  	[tilespmem:$0x9570] =	vst v0  }
0x51: {  	[tilespmem:$0x9580] =	vst v0  }
0x52: {  	[tilespmem:$0x9590] =	vst v0  }
0x53: {  	[tilespmem:$0x95A0] =	vst v0  }
0x54: {  	[tilespmem:$0x95B0] =	vst v0  }
0x55: {  	[tilespmem:$0x95C0] =	vst v0  }
0x56: {  	[tilespmem:$0x95D0] =	vst v0  }
0x57: {  	[tilespmem:$0x95E0] =	vst v0  }
0x58: {  	[tilespmem:$0x95F0] =	vst v0;
	s24 =	sadd.s32 $0x0, s5  }
0x59: {  	[spmem:s24] =	stream.linear.scatter [tilespmem:s8], [sflag:$0x3], $0x400, $0x38;
	[tilespmem:$0x1D600] =	vst v63  }
0x5a: {  	s24 =	simm.s32 $0x1000;
	_ =	swait.ge [sflag:s9], $0x400  }
.LBB2_2:
0x5b: {  	s25 =	sshra.s32 s24, $0x2;
	[sflag:s9] =	ssyncset.done $0x0;
	p0 =	sne.s32 s24, $0x4F000  }
.Ltmp2:
0x5c: {  	s25 =	sadd.s32 s25, s5;
	[sflag:s9] =	ssyncadd.s32 $0xFFFFFC00;
	(pc) =	sbr.rel @p0 .LBB2_2-.Ltmp2, $3  }
0x5d: {  	[spmem:s25] =	stream.linear.scatter [tilespmem:s8], [sflag:$0x3], $0x400, $0x38;
	[tilespmem:$0x1D600] =	vst v63  }
0x5e: {  	s24 =	sadd.s32 $0x1000, s24;
	_ =	sdelay $0x1  }
0x5f: {  	_ =	swait.ge [sflag:s9], $0x400  }
0x60: {  	[sflag:s9] =	ssyncset.done $0x0  }
0x61: {  	[sflag:s9] =	ssyncadd.s32 $0xFFFFFC00  }
0x62: {  	[tilespmem:s2], [sflag:$0x3] =	stream.linear.gather [hbm4b:s6+s2], $0x3E80, $0x38;
	[tilespmem:$0x1D600] =	vst v63  }
0x63: {  	_ =	swait.ge [sflag:s9], $0x3E80  }
0x64: {  	[sflag:s9] =	ssyncset.done $0x0  }
0x65: {  	[sflag:s9] =	ssyncadd.s32 $0xFFFFC180  }
0x66: {  	[bflag:$0x0] =	sbarrier.arrive $0xFFFF  }
0x67: {  	v1 =	vld [tilespmem:$0x0];
	_ =	sdelay $0x1  }
0x68: {  	v2 =	vld [tilespmem:$0x10];
	_ =	sdelay $0x1  }
0x69: {  	v3 =	vld [tilespmem:$0x20]  }
0x6a: {  	v4 =	vshrl.u32 v1, $0xE  }
0x6b: {  	v63 =	vld [tilespmem:$0x30];
	v1 =	vand.u32 $0x3FFF, v1;
	[tilespmem:$0x4000] =	vst v4  }
0x6c: {  	[tilespmem:$0x4100] =	vst v1;
	v1 =	vshrl.u32 v2, $0xE  }
0x6d: {  	[tilespmem:$0x4010] =	vst v1;
	v1 =	vand.u32 $0x3FFF, v2;
	v2 =	vld [tilespmem:$0x40]  }
0x6e: {  	[tilespmem:$0x4110] =	vst v1;
	v1 =	vshrl.u32 v3, $0xE  }
0x6f: {  	[tilespmem:$0x4020] =	vst v1;
	v1 =	vand.u32 $0x3FFF, v3  }
0x70: {  	[tilespmem:$0x4120] =	vst v1;
	v1 =	vshrl.u32 v63, $0xE  }
.Ltmp3:
0x71: {  	[tilespmem:$0x4030] =	vst v1;
	v1 =	vand.u32 $0x3FFF, v63;
	(pc) =	sbr.rel .LBB2_4-.Ltmp3, $4  }
0x72: {  	[tilespmem:$0x4130] =	vst v1;
	v1 =	vshrl.u32 v2, $0xE  }
0x73: {  	[tilespmem:$0x4040] =	vst v1;
	v1 =	vand.u32 $0x3FFF, v2  }
0x74: {  	s24 =	simm.s32 $0x1;
	s25 =	simm.s32 $0xA0;
	[tilespmem:$0x4140] =	vst v1  }
0x75: {  	[tilespmem:s12], [sflag:$0x1] =	stream.indirect.gather [hbm4b:s4+s10], $0x80, s11, s10, $0xb8;
	[tilespmem:$0x1D600] =	vst v63  }
.LBB2_6:
0x76: {  	[spmem:s1] =	stream.indirect.scatter.add.f32 [tilespmem:s12], [sflag:$0x4], $0x80, s16, s10, $0xb8;
	[tilespmem:$0x1D600] =	vst v63  }
0x77: {  	s26 =	simm.s32 $0x4  }
.LBB2_7:
0x78: {  	s24 =	sadd.s32 $0x2, s24  }
0x79: {  	p0 =	sne.s32 s24, $0x7F  }
.Ltmp4:
0x7a: {  	_ = 	snop;
	(pc) =	sbr.rel @!p0 .LBB2_8-.Ltmp4, $4  }
0x7b: {  	_ = 	snop  }
0x7c: {  	_ =	swait.ge [sflag:s26], $0x2800  }
0x7d: {  	[sflag:s26] =	ssyncset.done $0x0  }
0x7e: {  	s25 =	sadd.s32 $0x100, s25;
	[sflag:s26] =	ssyncadd.s32 $0xFFFFD800  }
.LBB2_4:
0x7f: {  	p0 =	sgt.u32 s24, $0x7C  }
.Ltmp5:
0x80: {  	_ = 	snop;
	(pc) =	sbr.rel @p0 .LBB2_6-.Ltmp5, $4  }
0x81: {  	_ = 	snop  }
0x82: {  	_ =	swait.ge [sflag:s13], $0x2800  }
0x83: {  	[sflag:s13] =	ssyncset.done $0x0  }
0x84: {  	[sflag:s13] =	ssyncadd.s32 $0xFFFFD800  }
0x85: {  	v1 =	vld [tilespmem:s25+$0xFFFFFFE0];
	_ =	sdelay $0x4  }
0x86: {  	v2 =	vshrl.u32 v1, $0xE  }
0x87: {  	v1 =	vand.u32 $0x3FFF, v1;
	[tilespmem:$0x4080] =	vst v2  }
0x88: {  	[tilespmem:$0x4180] =	vst v1  }
0x89: {  	v1 =	vld [tilespmem:s25+$0xFFFFFFF0];
	_ =	sdelay $0x4  }
0x8a: {  	v2 =	vshrl.u32 v1, $0xE  }
0x8b: {  	v1 =	vand.u32 $0x3FFF, v1;
	[tilespmem:$0x4090] =	vst v2  }
0x8c: {  	[tilespmem:$0x4190] =	vst v1  }
0x8d: {  	v1 =	vld [tilespmem:s25+$0x0];
	_ =	sdelay $0x4  }
0x8e: {  	v2 =	vshrl.u32 v1, $0xE  }
0x8f: {  	v1 =	vand.u32 $0x3FFF, v1;
	[tilespmem:$0x40A0] =	vst v2  }
0x90: {  	[tilespmem:$0x41A0] =	vst v1  }
0x91: {  	v1 =	vld [tilespmem:s25+$0x10];
	_ =	sdelay $0x4  }
0x92: {  	v2 =	vshrl.u32 v1, $0xE  }
0x93: {  	v1 =	vand.u32 $0x3FFF, v1;
	[tilespmem:$0x40B0] =	vst v2  }
0x94: {  	[tilespmem:$0x41B0] =	vst v1  }
0x95: {  	v1 =	vld [tilespmem:s25+$0x20];
	_ =	sdelay $0x4  }
0x96: {  	v2 =	vshrl.u32 v1, $0xE  }
0x97: {  	v1 =	vand.u32 $0x3FFF, v1;
	[tilespmem:$0x40C0] =	vst v2  }
0x98: {  	[tilespmem:$0x41C0] =	vst v1  }
0x99: {  	[tilespmem:s15], [sflag:$0x2] =	stream.indirect.gather [hbm4b:s4+s10], $0x80, s14, s10, $0xb8;
	[tilespmem:$0x1D600] =	vst v63  }
0x9a: {  	_ = 	snop  }
0x9b: {  	[spmem:s1] =	stream.indirect.scatter.add.f32 [tilespmem:s12], [sflag:$0x4], $0x80, s16, s10, $0xb8;
	[tilespmem:$0x1D600] =	vst v63  }
0x9c: {  	_ =	swait.ge [sflag:s17], $0x2800  }
0x9d: {  	[sflag:s17] =	ssyncset.done $0x0  }
0x9e: {  	[sflag:s17] =	ssyncadd.s32 $0xFFFFD800  }
0x9f: {  	_ =	swait.ge [sflag:s18], $0x2800  }
0xa0: {  	[sflag:s18] =	ssyncset.done $0x0  }
0xa1: {  	[sflag:s18] =	ssyncadd.s32 $0xFFFFD800  }
0xa2: {  	v1 =	vld [tilespmem:s25+$0x60];
	_ =	sdelay $0x4  }
0xa3: {  	v2 =	vshrl.u32 v1, $0xE  }
0xa4: {  	v1 =	vand.u32 $0x3FFF, v1;
	[tilespmem:$0x4000] =	vst v2  }
0xa5: {  	[tilespmem:$0x4100] =	vst v1  }
0xa6: {  	v1 =	vld [tilespmem:s25+$0x70];
	_ =	sdelay $0x4  }
0xa7: {  	v2 =	vshrl.u32 v1, $0xE  }
0xa8: {  	v1 =	vand.u32 $0x3FFF, v1;
	[tilespmem:$0x4010] =	vst v2  }
0xa9: {  	[tilespmem:$0x4110] =	vst v1  }
0xaa: {  	v1 =	vld [tilespmem:s25+$0x80];
	_ =	sdelay $0x4  }
0xab: {  	v2 =	vshrl.u32 v1, $0xE  }
0xac: {  	v1 =	vand.u32 $0x3FFF, v1;
	[tilespmem:$0x4020] =	vst v2  }
0xad: {  	[tilespmem:$0x4120] =	vst v1  }
0xae: {  	v1 =	vld [tilespmem:s25+$0x90];
	_ =	sdelay $0x4  }
0xaf: {  	v2 =	vshrl.u32 v1, $0xE  }
0xb0: {  	v1 =	vand.u32 $0x3FFF, v1;
	[tilespmem:$0x4030] =	vst v2  }
0xb1: {  	[tilespmem:$0x4130] =	vst v1  }
0xb2: {  	v1 =	vld [tilespmem:s25+$0xA0];
	_ =	sdelay $0x4  }
0xb3: {  	v2 =	vshrl.u32 v1, $0xE  }
.Ltmp6:
0xb4: {  	v1 =	vand.u32 $0x3FFF, v1;
	[tilespmem:$0x4040] =	vst v2;
	(pc) =	sbr.rel .LBB2_7-.Ltmp6, $4  }
0xb5: {  	[tilespmem:$0x4140] =	vst v1  }
0xb6: {  	[tilespmem:s12], [sflag:$0x1] =	stream.indirect.gather [hbm4b:s4+s10], $0x80, s11, s10, $0xb8;
	[tilespmem:$0x1D600] =	vst v63  }
0xb7: {  	s26 =	simm.s32 $0x3  }
0xb8: {  	[spmem:s1] =	stream.indirect.scatter.add.f32 [tilespmem:s15], [sflag:$0x3], $0x80, s19, s10, $0xb8;
	[tilespmem:$0x1D600] =	vst v63  }
.LBB2_9:
0xb9: {  	_ =	sfence.sel $0x180000  }
0xba: {  	[bflag:$0x0] =	sbarrier.arrive $0xFFFF  }
0xbb: {  	p0 =	sne.s32 s3, $0x0;
	_ =	strace $0x9000004A  }
0xbc: {  	s0 =	sadd.s32 @!p0 $0x100000, s0;
	[bflag:$0x2] =	sbarrier.arrive $0xFFFF  }
0xbd: {  	[sflag:s0] =	ssyncadd.tile.s32 @!p0 $0x1;
	_ =	shalt  }
.Lfunc_end2:
_tile_overlayer_lowered:
.L_overlay_start_2:
0xbe: {  	(tag) =	ssettag $0x2  }
0xbf: {  	s0 =	rddreg [dreg:$0x0];
	s2 =	stileid.u32  }
0xc0: {  	s1 =	rddreg [dreg:$0x1];
	p0 =	sne.s32 s2, $0x0  }
0xc1: {  	s3 =	rddreg [dreg:$0x2];
	[bflag:$0x3] =	sbarrier.arrive $0xFFFF;
	s2 =	simm.s32 @!p0 $0x1C03  }
0xc2: {  	[timem:s3], [sflag:s2] =	dma.local @!p0 [hbm:s0], s1  }
0xc3: {  	s0 =	simm.s32 @!p0 $0x3  }
0xc4: {  	_ =	swait.ge @!p0 [sflag:s0], s1  }
0xc5: {  	s1 =	ssub.s32 @!p0 $0x0, s1;
	[sflag:s0] =	ssyncset.done @!p0 $0x0  }
0xc6: {  	[sflag:s0] =	ssyncadd.s32 @!p0 s1  }
0xc7: {  	[bflag:$0x3] =	sbarrier.arrive $0xFFFF  }
0xc8: {  	_ =	shalt  }

// kernel: kernel.16.cloned.1.call-start
scs
__scs_entry_jumppad:
0x0: {  	(pc) =	sbr.rel $0x88, $3  }
0x1: {  	(tag) =	ssettag $0x0;
	lr =	simm.s32 $0x1  }
0x2: {  	[smem:$0x3F94] =	sst lr;
	_ =	strace $0xD0000000  }
0x3: {  	_ = 	snop  }
0x4: {  	_ = 	snop  }
0x5: {  	_ = 	snop  }
0x6: {  	_ = 	snop  }
0x7: {  	_ = 	snop  }
__scs_overlays_trampoline_lowered:
0x8: {  	[smem:$0x3FA3] =	sst s0  }
0x9: {  	[smem:$0x3FA4] =	sst s1  }
0xa: {  	[smem:$0x3FA5] =	sst s2  }
0xb: {  	[smem:$0x3FA6] =	sst s3  }
0xc: {  	[smem:$0x3FA7] =	sst s4  }
0xd: {  	[smem:$0x3FA8] =	sst s5  }
0xe: {  	[smem:$0x3FA9] =	sst s6  }
0xf: {  	[smem:$0x3FAA] =	sst s7  }
0x10: {  	[smem:$0x3FAB] =	sst s8  }
0x11: {  	[smem:$0x3FAC] =	sst s9;
	s0 =	simm.s32 @!p0 $0x0  }
0x12: {  	s1 =	sld [smem:$0x3F92];
	s0 =	simm.s32 @p0 $0x1  }
0x13: {  	[smem:$0x3FAD] =	sst s0;
	s0 =	simm.s32 @!p1 $0x0  }
0x14: {  	s2 =	sld [smem:$0x3F91];
	s0 =	simm.s32 @p1 $0x1  }
0x15: {  	[smem:$0x3FAE] =	sst s0;
	s0 =	simm.s32 @!p2 $0x0  }
0x16: {  	s3 =	sld [smem:$0x3FDB];
	s0 =	simm.s32 @p2 $0x1  }
0x17: {  	s4 =	simm.s32 $0x1BF5;
	[smem:$0x3FB0] =	sst s0  }
0x18: {  	s0 =	sld [smem:$0x3F93];
	_ =	swait.ge [sflag:s4], $0x0  }
0x19: {  	s7 =	sld [smem:$0x3F94]  }
0x1a: {  	s8 =	sadd.s32 $0xFFFFE003, lr  }
0x1b: {  	s9 =	sadd.s32 $0xFFFFFEF7, lr;
	s5 =	simm.s32 $0xFFFFFFFF;
	p2 =	slt.u32 s8, $0xFFFFF086  }
0x1c: {  	p1 =	slt.u32 s9, $0xF7A;
	s5 =	simm.s32 @!p2 $0x0  }
0x1d: {  	s5 =	simm.s32 @p1 $0x1;
	p0 =	seq.s32 s7, s2  }
0x1e: {  	s7 =	smul.u32 @!p0 $0xF7A, s2;
	p2 =	seq.s32 @!p0 s5, $0x0  }
0x1f: {  	s9 =	smul.u32 $0xF7A, s1;
	s8 =	simm.s32 @!p0 $0x1BF5;
	p2 =	por !p2, p0  }
0x20: {  	[sflag:s8] =	ssyncset.s32 @!p0 $0xFFFFF086;
	s6 =	sadd.s32 @!p0 s3, s7;
	s7 =	simm.s32 @!p0 $0x108  }
0x21: {  	s3 =	sadd.s32 s3, s9;
	s6 =	sadd.s32 @!p0 $0x88, s6;
	s7 =	simm.s32 @p2 $0x1082  }
0x22: {  	[simem:s7], [sflag:s8] =	dma.local @!p0 [hbm:s6], $0xF7A  }
0x23: {  	s9 =	sor.u32 $0xD0000000, s2;
	s6 =	simm.s32 $0x108;
	_ =	swait.ge @!p0 [sflag:s8], $0x0  }
0x24: {  	s3 =	sadd.s32 $0x88, s3;
	s6 =	simm.s32 @!p1 $0x1082;
	[sflag:s4] =	ssyncset.s32 $0xFFFFF086  }
0x25: {  	[simem:s6], [sflag:s4] =	dma.local [hbm:s3], $0xF7A  }
0x26: {  	[smem:$0x3F94] =	sst s1;
	(tag) =	ssettag s2;
	_ =	strace s9  }
0x27: {  	s1 =	sld [smem:$0x3FA4]  }
0x28: {  	s2 =	sld [smem:$0x3FA5]  }
0x29: {  	s4 =	sld [smem:$0x3FA7]  }
0x2a: {  	p0 =	seq.s32 s5, $0x0;
	s5 =	sld [smem:$0x3FA8]  }
0x2b: {  	s6 =	sld [smem:$0x3FA9]  }
0x2c: {  	s7 =	sld [smem:$0x3FAA]  }
0x2d: {  	s3 =	simm.s32 $0x108;
	s8 =	sld [smem:$0x3FAB]  }
0x2e: {  	s3 =	simm.s32 @!p0 $0x1082;
	s9 =	sld [smem:$0x3FAC]  }
0x2f: {  	lr =	sadd.s32 s0, s3;
	s0 =	sld [smem:$0x3FA3]  }
0x30: {  	s3 =	sld [smem:$0x3FA6]  }
0x31: {  	[smem:$0x3FAF] =	sst s10  }
0x32: {  	s10 =	sld [smem:$0x3FAD];
	_ =	sdelay $0x3  }
0x33: {  	p0 =	seq.s32 s10, $0x1;
	s10 =	sld [smem:$0x3FAF];
	_ =	sdelay $0x3  }
0x34: {  	[smem:$0x3FAF] =	sst s10  }
0x35: {  	s10 =	sld [smem:$0x3FAE];
	_ =	sdelay $0x3  }
0x36: {  	p1 =	seq.s32 s10, $0x1;
	s10 =	sld [smem:$0x3FAF];
	_ =	sdelay $0x3  }
0x37: {  	[smem:$0x3FAF] =	sst s10  }
0x38: {  	s10 =	sld [smem:$0x3FB0]  }
0x39: {  	_ = 	snop;
	(pc) =	sbr.ind lr, $3  }
0x3a: {  	_ = 	snop  }
0x3b: {  	_ = 	snop  }
0x3c: {  	p2 =	seq.s32 s10, $0x1;
	s10 =	sld [smem:$0x3FAF]  }
0x3d: {  	_ =	shalt  }
0x3e: {  	_ =	shalt  }
0x3f: {  	_ =	shalt  }
0x40: {  	_ =	shalt  }
0x41: {  	_ =	shalt  }
0x42: {  	_ =	shalt  }
0x43: {  	_ =	shalt  }
0x44: {  	_ =	shalt  }
0x45: {  	_ =	shalt  }
0x46: {  	_ =	shalt  }
0x47: {  	_ =	shalt  }
0x48: {  	_ =	shalt  }
0x49: {  	_ =	shalt  }
0x4a: {  	_ =	shalt  }
0x4b: {  	_ =	shalt  }
0x4c: {  	_ =	shalt  }
0x4d: {  	_ =	shalt  }
0x4e: {  	_ =	shalt  }
0x4f: {  	_ =	shalt  }
0x50: {  	_ =	shalt  }
0x51: {  	_ =	shalt  }
0x52: {  	_ =	shalt  }
0x53: {  	_ =	shalt  }
0x54: {  	_ =	shalt  }
0x55: {  	_ =	shalt  }
0x56: {  	_ =	shalt  }
0x57: {  	_ =	shalt  }
0x58: {  	_ =	shalt  }
0x59: {  	_ =	shalt  }
0x5a: {  	_ =	shalt  }
0x5b: {  	_ =	shalt  }
0x5c: {  	_ =	shalt  }
0x5d: {  	_ =	shalt  }
0x5e: {  	_ =	shalt  }
0x5f: {  	_ =	shalt  }
0x60: {  	_ =	shalt  }
0x61: {  	_ =	shalt  }
0x62: {  	_ =	shalt  }
0x63: {  	_ =	shalt  }
0x64: {  	_ =	shalt  }
0x65: {  	_ =	shalt  }
0x66: {  	_ =	shalt  }
0x67: {  	_ =	shalt  }
0x68: {  	_ =	shalt  }
0x69: {  	_ =	shalt  }
0x6a: {  	_ =	shalt  }
0x6b: {  	_ =	shalt  }
0x6c: {  	_ =	shalt  }
0x6d: {  	_ =	shalt  }
0x6e: {  	_ =	shalt  }
0x6f: {  	_ =	shalt  }
0x70: {  	_ =	shalt  }
0x71: {  	_ =	shalt  }
0x72: {  	_ =	shalt  }
0x73: {  	_ =	shalt  }
0x74: {  	_ =	shalt  }
0x75: {  	_ =	shalt  }
0x76: {  	_ =	shalt  }
0x77: {  	_ =	shalt  }
0x78: {  	_ =	shalt  }
0x79: {  	_ =	shalt  }
0x7a: {  	_ =	shalt  }
0x7b: {  	_ =	shalt  }
0x7c: {  	_ =	shalt  }
0x7d: {  	_ =	shalt  }
0x7e: {  	_ =	shalt  }
0x7f: {  	_ =	shalt  }
0x80: {  	_ =	shalt  }
0x81: {  	_ =	shalt  }
0x82: {  	_ =	shalt  }
0x83: {  	_ =	shalt  }
0x84: {  	_ =	shalt  }
0x85: {  	_ =	shalt  }
0x86: {  	_ =	shalt  }
0x87: {  	_ =	shalt  }
.Lfunc_end0:
.L_simem_size_0:
called_computation.2_lowered:
.L_overlay_start_0:
0x88: {  	s2 =	sld [smem:$0x3FD9]  }
0x89: {  	s3 =	sld [smem:$0x3FFE];
	_ =	sdelay $0x1  }
0x8a: {  	s1 =	srdreg.scid  }
0x8b: {  	s0 =	sand.u32 $0x1, s1  }
0x8c: {  	s14 =	sshll.u32 s0, $0xA;
	s2 =	sadd.s32 s3, s2  }
0x8d: {  	s2 =	sadd.s32 s2, s14  }
0x8e: {  	[smem:$0x3FBB] =	sst s2  }
0x8f: {  	_ = 	snop  }
0x90: {  	s2 =	sld [smem:$0x3FD0];
	_ =	sdelay $0x2  }
0x91: {  	s15 =	simm.s32 $0xA;
	s4 =	simm.s32 $0x10  }
0x92: {  	[smem:s4], [sflag:s15] =	dma.local [hbm:s2], $0x1  }
0x93: {  	_ =	swait.eq [sflag:s15], $0x1  }
0x94: {  	[sflag:s15] =	ssyncset.done $0x0  }
0x95: {  	[sflag:s15] =	ssyncadd.s32 $0xFFFFFFFF  }
0x96: {  	s16 =	sld [smem:$0x11];
	(tm) =	ssettm $0x1  }
0x97: {  	s17 =	sld [smem:$0x3FFB];
	_ =	sdelay $0x3  }
0x98: {  	_ =	strace s17  }
0x99: {  	s3 =	sld [smem:$0x3FFC];
	_ =	sdelay $0x3  }
0x9a: {  	_ =	strace s3  }
0x9b: {  	s3 =	sld [smem:$0x3FFD];
	_ =	sdelay $0x3  }
0x9c: {  	_ =	strace s3  }
0x9d: {  	_ =	strace $0x8FFFFFFF  }
0x9e: {  	s18 =	sld [smem:$0x3FDB];
	_ =	sdelay $0x1  }
0x9f: {  	s19 =	simm.s32 $_scs_section_size  }
0xa0: {  	s5 =	simm.s32 $_size__tile_overlayer_lowered;
	s6 =	simm.s32 $_tile_overlayer_lowered  }
0xa1: {  	s22 =	simm.s32 $0x1BFF;
	s21 =	sshll.u32 s6, $0x1;
	s3 =	sadd.s32 s19, s18  }
0xa2: {  	s7 =	simm.s32 $0x0;
	s20 =	sshll.u32 s5, $0x1;
	s5 =	sadd.s32 s21, s3  }
0xa3: {  	[timem:s7], [sflag:s22] =	dma.local [hbm:s5], s20  }
0xa4: {  	_ =	swait.ge [sflag:s22], s20  }
0xa5: {  	s4 =	ssub.s32 $0x0, s20;
	[sflag:s22] =	ssyncset.done $0x0  }
0xa6: {  	[sflag:s22] =	ssyncadd.s32 s4;
	_ =	sdelay $0x1  }
0xa7: {  	s23 =	simm.s32 $0x1B8B  }
0xa8: {  	_ =	swait.ge [sflag:s23], $0x1  }
0xa9: {  	[sflag:s23] =	ssyncset.done $0x0  }
0xaa: {  	s25 =	simm.s32 $0x1B8E;
	s24 =	sld [smem:$0x3FFE];
	[sflag:s23] =	ssyncadd.s32 $0xFFFFFFFF  }
0xab: {  	s26 =	simm.s32 $execute0_lowered;
	[smem:$0x3FD2] =	sst s25  }
0xac: {  	s5 =	sshll.u32 s26, $0x1;
	_ =	strace $0x8000004C;
	[dreg:$0x1] =	wrdreg $0xFFFFFFFF  }
0xad: {  	s28 =	simm.s32 $_size_execute0_lowered;
	s3 =	sadd.s32 s3, s5;
	[dreg:$0x0] =	wrdreg $0x0  }
0xae: {  	s5 =	sshll.u32 s28, $0x1;
	[dreg:$0x2] =	wrdreg s3  }
0xaf: {  	[dreg:$0x3] =	wrdreg s5  }
0xb0: {  	[dreg:$0x4] =	wrdreg $0xC0  }
0xb1: {  	_ =	task [dreg:s7], $0x5FFFF  }
0xb2: {  	[dreg:$0x1] =	wrdreg $0xFFFFFFFF  }
0xb3: {  	[dreg:$0x0] =	wrdreg $0x60  }
0xb4: {  	[dreg:$0x2] =	wrdreg s24  }
0xb5: {  	[dreg:$0x3] =	wrdreg s16  }
0xb6: {  	[dreg:$0x4] =	wrdreg $0x96000  }
0xb7: {  	[dreg:$0x5] =	wrdreg $0x9  }
0xb8: {  	_ =	task.clear_ibuf [dreg:s7], $0x6FFFF;
	_ =	strace $0x9000004C  }
0xb9: {  	s29 =	simm.s32 $0x9;
	_ =	strace $0x8000004E  }
0xba: {  	_ =	swait.ge [sflag:s29], $0x1  }
0xbb: {  	[sflag:s29] =	ssyncadd.s32 $0xFFFFFFFF  }
0xbc: {  	_ =	strace $0x9000004E  }
0xbd: {  	_ =	sfence  }
0xbe: {  	s30 =	sld [smem:$0x0];
	_ =	sdelay $0x2  }
0xbf: {  	s31 =	sshll.u32 s1, $0xD;
	s1 =	sshrl.u32 s1, $0x2  }
0xc0: {  	s3 =	sand.u32 $0x4000, s31;
	s1 =	sadd.s32 s1, s30  }
0xc1: {  	s0 =	sor.u32 s3, s0;
	s1 =	sshll.u32 s1, $0x11  }
0xc2: {  	s0 =	sor.u32 s1, s0  }
0xc3: {  	s0 =	sadd.s32 $0x8F2B, s0  }
0xc4: {  	[sflag:s0] =	ssyncadd.remote.s32 $0x1  }
0xc5: {  	_ =	sfence.sel $0xFFFF  }
0xc6: {  	[dreg:$0x0] =	wrdreg $0xFFFFFFFF;
	(pc) =	sbr.abs _section_cstart, $3  }
0xc7: {  	[dreg:$0x1] =	wrdreg $0xFFFFFFFF  }
0xc8: {  	_ =	task.clear_ibuf [dreg:s7], $0x2FFFF;
	_ =	strace $0x9FFFFFFF  }
0xc9: {  	(tm) =	ssettm $0x7FFFFFFF  }
tec
execute0_lowered:
.L_overlay_start_1:
0x0: {  	(tag) =	ssettag $0x1  }
0x1: {  	s5 =	rddreg [dreg:$0x0]  }
0x2: {  	s6 =	rddreg [dreg:$0x1]  }
0x3: {  	s1 =	rddreg [dreg:$0x2]  }
0x4: {  	s0 =	rddreg [dreg:$0x3];
	s2 =	simm.s32 $0x0  }
0x5: {  	s3 =	srdreg.scid;
	s11 =	simm.s32 $0x4000;
	s12 =	simm.s32 $0x4200  }
0x6: {  	s13 =	simm.s32 $0x1;
	s14 =	simm.s32 $0x4080;
	s15 =	simm.s32 $0x6A00  }
0x7: {  	s16 =	simm.s32 $0x4100;
	s17 =	simm.s32 $0x4;
	s18 =	simm.s32 $0x2  }
0x8: {  	s19 =	simm.s32 $0x4180;
	s23 =	simm.s32 $0x0;
	[smem:$0x7FF] =	sst s2  }
0x9: {  	s7 =	sand.u32 $0x1, s3;
	s3 =	stileid.u32;
	s4 =	sadd.s32 $0x3800, s5  }
0xa: {  	s8 =	smul.u32 $0x28000, s7;
	_ =	strace $0x8000004D;
	s9 =	ssub.s32 $0x2, s7  }
0xb: {  	s10 =	smul.u32 $0x50000, s3;
	s30 =	sshll.u32 s3, $0xB;
	s7 =	sshll.u32 s7, $0xF  }
0xc: {  	s21 =	smul.u32 $0x2800, s3;
	s31 =	sshll.u32 s3, $0x6;
	s28 =	sshrl.u32 s9, $0x1  }
.Ltmp0:
0xd: {  	s6 =	sadd.s32 s6, s30;
	s8 =	sadd.s32 s8, s5;
	(pc) =	sbr.rel .LBB2_1-.Ltmp0, $4  }
0xe: {  	s9 =	ssub.s32 s9, s28;
	s29 =	sshrl.u32 s10, $0x2;
	s6 =	sadd.s32 s7, s6  }
0xf: {  	s10 =	simm.s32 $0x50;
	s5 =	sadd.s32 s29, s1;
	s20 =	sadd.s32 $0x2AA00, s8  }
0x10: {  	s7 =	smax.u32 s9, $0x1;
	s8 =	simm.s32 $0x9200;
	s9 =	simm.s32 $0x3  }
0x11: {  	v0 =	vimm.f32 $0.0e+00;
	s20 =	sadd.s32 s21, s20;
	s21 =	sor.u32 $0x1C03, s31;
	s22 =	sshrl.u32 s5, $0x3  }
.LBB2_8:
0x12: {  	s23 =	sadd.s32 $0x1, s23  }
0x13: {  	p0 =	sne.s32 s23, s7  }
.Ltmp1:
0x14: {  	[bflag:$0x0] =	sbarrier.arrive $0xFFFF;
	(pc) =	sbr.rel @!p0 .LBB2_9-.Ltmp1, $4  }
0x15: {  	[hbm:s20], [sflag:s21] =	dma.local [spmem:s22], $0x2800  }
0x16: {  	_ =	swait.ge [sflag:s9], $0x2800  }
0x17: {  	[sflag:s9] =	ssyncset.done $0x0  }
0x18: {  	[sflag:s9] =	ssyncadd.s32 $0xFFFFD800  }
.LBB2_1:
0x19: {  	[tilespmem:$0x9200] =	vst v0  }
0x1a: {  	[tilespmem:$0x9210] =	vst v0  }
0x1b: {  	[tilespmem:$0x9220] =	vst v0  }
0x1c: {  	[tilespmem:$0x9230] =	vst v0  }
0x1d: {  	[tilespmem:$0x9240] =	vst v0  }
0x1e: {  	[tilespmem:$0x9250] =	vst v0  }
0x1f: {  	[tilespmem:$0x9260] =	vst v0  }
0x20: {  	[tilespmem:$0x9270] =	vst v0  }
0x21: {  	[tilespmem:$0x9280] =	vst v0  }
0x22: {  	[tilespmem:$0x9290] =	vst v0  }
0x23: {  	[tilespmem:$0x92A0] =	vst v0  }
0x24: {  	[tilespmem:$0x92B0] =	vst v0  }
0x25: {  	[tilespmem:$0x92C0] =	vst v0  }
0x26: {  	[tilespmem:$0x92D0] =	vst v0  }
0x27: {  	[tilespmem:$0x92E0] =	vst v0  }
0x28: {  	[tilespmem:$0x92F0] =	vst v0  }
0x29: {  	[tilespmem:$0x9300] =	vst v0  }
0x2a: {  	[tilespmem:$0x9310] =	vst v0  }
0x2b: {  	[tilespmem:$0x9320] =	vst v0  }
0x2c: {  	[tilespmem:$0x9330] =	vst v0  }
0x2d: {  	[tilespmem:$0x9340] =	vst v0  }
0x2e: {  	[tilespmem:$0x9350] =	vst v0  }
0x2f: {  	[tilespmem:$0x9360] =	vst v0  }
0x30: {  	[tilespmem:$0x9370] =	vst v0  }
0x31: {  	[tilespmem:$0x9380] =	vst v0  }
0x32: {  	[tilespmem:$0x9390] =	vst v0  }
0x33: {  	[tilespmem:$0x93A0] =	vst v0  }
0x34: {  	[tilespmem:$0x93B0] =	vst v0  }
0x35: {  	[tilespmem:$0x93C0] =	vst v0  }
0x36: {  	[tilespmem:$0x93D0] =	vst v0  }
0x37: {  	[tilespmem:$0x93E0] =	vst v0  }
0x38: {  	[tilespmem:$0x93F0] =	vst v0  }
0x39: {  	[tilespmem:$0x9400] =	vst v0  }
0x3a: {  	[tilespmem:$0x9410] =	vst v0  }
0x3b: {  	[tilespmem:$0x9420] =	vst v0  }
0x3c: {  	[tilespmem:$0x9430] =	vst v0  }
0x3d: {  	[tilespmem:$0x9440] =	vst v0  }
0x3e: {  	[tilespmem:$0x9450] =	vst v0  }
0x3f: {  	[tilespmem:$0x9460] =	vst v0  }
0x40: {  	[tilespmem:$0x9470] =	vst v0  }
0x41: {  	[tilespmem:$0x9480] =	vst v0  }
0x42: {  	[tilespmem:$0x9490] =	vst v0  }
0x43: {  	[tilespmem:$0x94A0] =	vst v0  }
0x44: {  	[tilespmem:$0x94B0] =	vst v0  }
0x45: {  	[tilespmem:$0x94C0] =	vst v0  }
0x46: {  	[tilespmem:$0x94D0] =	vst v0  }
0x47: {  	[tilespmem:$0x94E0] =	vst v0  }
0x48: {  	[tilespmem:$0x94F0] =	vst v0  }
0x49: {  	[tilespmem:$0x9500] =	vst v0  }
0x4a: {  	[tilespmem:$0x9510] =	vst v0  }
0x4b: {  	[tilespmem:$0x9520] =	vst v0  }
0x4c: {  	[tilespmem:$0x9530] =	vst v0  }
0x4d: {  	[tilespmem:$0x9540] =	vst v0  }
0x4e: {  	[tilespmem:$0x9550] =	vst v0  }
0x4f: {  	[tilespmem:$0x9560] =	vst v0  }
0x50: {  	[tilespmem:$0x9570] =	vst v0  }
0x51: {  	[tilespmem:$0x9580] =	vst v0  }
0x52: {  	[tilespmem:$0x9590] =	vst v0  }
0x53: {  	[tilespmem:$0x95A0] =	vst v0  }
0x54: {  	[tilespmem:$0x95B0] =	vst v0  }
0x55: {  	[tilespmem:$0x95C0] =	vst v0  }
0x56: {  	[tilespmem:$0x95D0] =	vst v0  }
0x57: {  	[tilespmem:$0x95E0] =	vst v0  }
0x58: {  	[tilespmem:$0x95F0] =	vst v0;
	s24 =	sadd.s32 $0x0, s5  }
0x59: {  	[spmem:s24] =	stream.linear.scatter [tilespmem:s8], [sflag:$0x3], $0x400, $0x38;
	[tilespmem:$0x1D600] =	vst v63  }
0x5a: {  	s24 =	simm.s32 $0x1000;
	_ =	swait.ge [sflag:s9], $0x400  }
.LBB2_2:
0x5b: {  	s25 =	sshra.s32 s24, $0x2;
	[sflag:s9] =	ssyncset.done $0x0;
	p0 =	sne.s32 s24, $0x4F000  }
.Ltmp2:
0x5c: {  	s25 =	sadd.s32 s25, s5;
	[sflag:s9] =	ssyncadd.s32 $0xFFFFFC00;
	(pc) =	sbr.rel @p0 .LBB2_2-.Ltmp2, $3  }
0x5d: {  	[spmem:s25] =	stream.linear.scatter [tilespmem:s8], [sflag:$0x3], $0x400, $0x38;
	[tilespmem:$0x1D600] =	vst v63  }
0x5e: {  	s24 =	sadd.s32 $0x1000, s24;
	_ =	sdelay $0x1  }
0x5f: {  	_ =	swait.ge [sflag:s9], $0x400  }
0x60: {  	[sflag:s9] =	ssyncset.done $0x0  }
0x61: {  	[sflag:s9] =	ssyncadd.s32 $0xFFFFFC00  }
0x62: {  	[tilespmem:s2], [sflag:$0x3] =	stream.linear.gather [hbm4b:s6+s2], $0x3E80, $0x38;
	[tilespmem:$0x1D600] =	vst v63  }
0x63: {  	_ =	swait.ge [sflag:s9], $0x3E80  }
0x64: {  	[sflag:s9] =	ssyncset.done $0x0  }
0x65: {  	[sflag:s9] =	ssyncadd.s32 $0xFFFFC180  }
0x66: {  	[bflag:$0x0] =	sbarrier.arrive $0xFFFF  }
0x67: {  	v1 =	vld [tilespmem:$0x0];
	_ =	sdelay $0x1  }
0x68: {  	v2 =	vld [tilespmem:$0x10];
	_ =	sdelay $0x1  }
0x69: {  	v3 =	vld [tilespmem:$0x20]  }
0x6a: {  	v4 =	vshrl.u32 v1, $0xE  }
0x6b: {  	v63 =	vld [tilespmem:$0x30];
	v1 =	vand.u32 $0x3FFF, v1;
	[tilespmem:$0x4000] =	vst v4  }
0x6c: {  	[tilespmem:$0x4100] =	vst v1;
	v1 =	vshrl.u32 v2, $0xE  }
0x6d: {  	[tilespmem:$0x4010] =	vst v1;
	v1 =	vand.u32 $0x3FFF, v2;
	v2 =	vld [tilespmem:$0x40]  }
0x6e: {  	[tilespmem:$0x4110] =	vst v1;
	v1 =	vshrl.u32 v3, $0xE  }
0x6f: {  	[tilespmem:$0x4020] =	vst v1;
	v1 =	vand.u32 $0x3FFF, v3  }
0x70: {  	[tilespmem:$0x4120] =	vst v1;
	v1 =	vshrl.u32 v63, $0xE  }
.Ltmp3:
0x71: {  	[tilespmem:$0x4030] =	vst v1;
	v1 =	vand.u32 $0x3FFF, v63;
	(pc) =	sbr.rel .LBB2_4-.Ltmp3, $4  }
0x72: {  	[tilespmem:$0x4130] =	vst v1;
	v1 =	vshrl.u32 v2, $0xE  }
0x73: {  	[tilespmem:$0x4040] =	vst v1;
	v1 =	vand.u32 $0x3FFF, v2  }
0x74: {  	s24 =	simm.s32 $0x1;
	s25 =	simm.s32 $0xA0;
	[tilespmem:$0x4140] =	vst v1  }
0x75: {  	[tilespmem:s12], [sflag:$0x1] =	stream.indirect.gather [hbm4b:s4+s10], $0x80, s11, s10, $0xb8;
	[tilespmem:$0x1D600] =	vst v63  }
.LBB2_6:
0x76: {  	[spmem:s1] =	stream.indirect.scatter.add.f32 [tilespmem:s12], [sflag:$0x4], $0x80, s16, s10, $0xb8;
	[tilespmem:$0x1D600] =	vst v63  }
0x77: {  	s26 =	simm.s32 $0x4  }
.LBB2_7:
0x78: {  	s24 =	sadd.s32 $0x2, s24  }
0x79: {  	p0 =	sne.s32 s24, $0x7F  }
.Ltmp4:
0x7a: {  	_ = 	snop;
	(pc) =	sbr.rel @!p0 .LBB2_8-.Ltmp4, $4  }
0x7b: {  	_ = 	snop  }
0x7c: {  	_ =	swait.ge [sflag:s26], $0x2800  }
0x7d: {  	[sflag:s26] =	ssyncset.done $0x0  }
0x7e: {  	s25 =	sadd.s32 $0x100, s25;
	[sflag:s26] =	ssyncadd.s32 $0xFFFFD800  }
.LBB2_4:
0x7f: {  	p0 =	sgt.u32 s24, $0x7C  }
.Ltmp5:
0x80: {  	_ = 	snop;
	(pc) =	sbr.rel @p0 .LBB2_6-.Ltmp5, $4  }
0x81: {  	_ = 	snop  }
0x82: {  	_ =	swait.ge [sflag:s13], $0x2800  }
0x83: {  	[sflag:s13] =	ssyncset.done $0x0  }
0x84: {  	[sflag:s13] =	ssyncadd.s32 $0xFFFFD800  }
0x85: {  	v1 =	vld [tilespmem:s25+$0xFFFFFFE0];
	_ =	sdelay $0x4  }
0x86: {  	v2 =	vshrl.u32 v1, $0xE  }
0x87: {  	v1 =	vand.u32 $0x3FFF, v1;
	[tilespmem:$0x4080] =	vst v2  }
0x88: {  	[tilespmem:$0x4180] =	vst v1  }
0x89: {  	v1 =	vld [tilespmem:s25+$0xFFFFFFF0];
	_ =	sdelay $0x4  }
0x8a: {  	v2 =	vshrl.u32 v1, $0xE  }
0x8b: {  	v1 =	vand.u32 $0x3FFF, v1;
	[tilespmem:$0x4090] =	vst v2  }
0x8c: {  	[tilespmem:$0x4190] =	vst v1  }
0x8d: {  	v1 =	vld [tilespmem:s25+$0x0];
	_ =	sdelay $0x4  }
0x8e: {  	v2 =	vshrl.u32 v1, $0xE  }
0x8f: {  	v1 =	vand.u32 $0x3FFF, v1;
	[tilespmem:$0x40A0] =	vst v2  }
0x90: {  	[tilespmem:$0x41A0] =	vst v1  }
0x91: {  	v1 =	vld [tilespmem:s25+$0x10];
	_ =	sdelay $0x4  }
0x92: {  	v2 =	vshrl.u32 v1, $0xE  }
0x93: {  	v1 =	vand.u32 $0x3FFF, v1;
	[tilespmem:$0x40B0] =	vst v2  }
0x94: {  	[tilespmem:$0x41B0] =	vst v1  }
0x95: {  	v1 =	vld [tilespmem:s25+$0x20];
	_ =	sdelay $0x4  }
0x96: {  	v2 =	vshrl.u32 v1, $0xE  }
0x97: {  	v1 =	vand.u32 $0x3FFF, v1;
	[tilespmem:$0x40C0] =	vst v2  }
0x98: {  	[tilespmem:$0x41C0] =	vst v1  }
0x99: {  	[tilespmem:s15], [sflag:$0x2] =	stream.indirect.gather [hbm4b:s4+s10], $0x80, s14, s10, $0xb8;
	[tilespmem:$0x1D600] =	vst v63  }
0x9a: {  	_ = 	snop  }
0x9b: {  	[spmem:s1] =	stream.indirect.scatter.add.f32 [tilespmem:s12], [sflag:$0x4], $0x80, s16, s10, $0xb8;
	[tilespmem:$0x1D600] =	vst v63  }
0x9c: {  	_ =	swait.ge [sflag:s17], $0x2800  }
0x9d: {  	[sflag:s17] =	ssyncset.done $0x0  }
0x9e: {  	[sflag:s17] =	ssyncadd.s32 $0xFFFFD800  }
0x9f: {  	_ =	swait.ge [sflag:s18], $0x2800  }
0xa0: {  	[sflag:s18] =	ssyncset.done $0x0  }
0xa1: {  	[sflag:s18] =	ssyncadd.s32 $0xFFFFD800  }
0xa2: {  	v1 =	vld [tilespmem:s25+$0x60];
	_ =	sdelay $0x4  }
0xa3: {  	v2 =	vshrl.u32 v1, $0xE  }
0xa4: {  	v1 =	vand.u32 $0x3FFF, v1;
	[tilespmem:$0x4000] =	vst v2  }
0xa5: {  	[tilespmem:$0x4100] =	vst v1  }
0xa6: {  	v1 =	vld [tilespmem:s25+$0x70];
	_ =	sdelay $0x4  }
0xa7: {  	v2 =	vshrl.u32 v1, $0xE  }
0xa8: {  	v1 =	vand.u32 $0x3FFF, v1;
	[tilespmem:$0x4010] =	vst v2  }
0xa9: {  	[tilespmem:$0x4110] =	vst v1  }
0xaa: {  	v1 =	vld [tilespmem:s25+$0x80];
	_ =	sdelay $0x4  }
0xab: {  	v2 =	vshrl.u32 v1, $0xE  }
0xac: {  	v1 =	vand.u32 $0x3FFF, v1;
	[tilespmem:$0x4020] =	vst v2  }
0xad: {  	[tilespmem:$0x4120] =	vst v1  }
0xae: {  	v1 =	vld [tilespmem:s25+$0x90];
	_ =	sdelay $0x4  }
0xaf: {  	v2 =	vshrl.u32 v1, $0xE  }
0xb0: {  	v1 =	vand.u32 $0x3FFF, v1;
	[tilespmem:$0x4030] =	vst v2  }
0xb1: {  	[tilespmem:$0x4130] =	vst v1  }
0xb2: {  	v1 =	vld [tilespmem:s25+$0xA0];
	_ =	sdelay $0x4  }
0xb3: {  	v2 =	vshrl.u32 v1, $0xE  }
.Ltmp6:
0xb4: {  	v1 =	vand.u32 $0x3FFF, v1;
	[tilespmem:$0x4040] =	vst v2;
	(pc) =	sbr.rel .LBB2_7-.Ltmp6, $4  }
0xb5: {  	[tilespmem:$0x4140] =	vst v1  }
0xb6: {  	[tilespmem:s12], [sflag:$0x1] =	stream.indirect.gather [hbm4b:s4+s10], $0x80, s11, s10, $0xb8;
	[tilespmem:$0x1D600] =	vst v63  }
0xb7: {  	s26 =	simm.s32 $0x3  }
0xb8: {  	[spmem:s1] =	stream.indirect.scatter.add.f32 [tilespmem:s15], [sflag:$0x3], $0x80, s19, s10, $0xb8;
	[tilespmem:$0x1D600] =	vst v63  }
.LBB2_9:
0xb9: {  	_ =	sfence.sel $0x180000  }
0xba: {  	[bflag:$0x0] =	sbarrier.arrive $0xFFFF  }
0xbb: {  	p0 =	sne.s32 s3, $0x0;
	_ =	strace $0x9000004D  }
0xbc: {  	s0 =	sadd.s32 @!p0 $0x100000, s0;
	[bflag:$0x2] =	sbarrier.arrive $0xFFFF  }
0xbd: {  	[sflag:s0] =	ssyncadd.tile.s32 @!p0 $0x1;
	_ =	shalt  }
.Lfunc_end2:
_tile_overlayer_lowered:
.L_overlay_start_2:
0xbe: {  	(tag) =	ssettag $0x2  }
0xbf: {  	s0 =	rddreg [dreg:$0x0];
	s2 =	stileid.u32  }
0xc0: {  	s1 =	rddreg [dreg:$0x1];
	p0 =	sne.s32 s2, $0x0  }
0xc1: {  	s3 =	rddreg [dreg:$0x2];
	[bflag:$0x3] =	sbarrier.arrive $0xFFFF;
	s2 =	simm.s32 @!p0 $0x1C03  }
0xc2: {  	[timem:s3], [sflag:s2] =	dma.local @!p0 [hbm:s0], s1  }
0xc3: {  	s0 =	simm.s32 @!p0 $0x3  }
0xc4: {  	_ =	swait.ge @!p0 [sflag:s0], s1  }
0xc5: {  	s1 =	ssub.s32 @!p0 $0x0, s1;
	[sflag:s0] =	ssyncset.done @!p0 $0x0  }
0xc6: {  	[sflag:s0] =	ssyncadd.s32 @!p0 s1  }
0xc7: {  	[bflag:$0x3] =	sbarrier.arrive $0xFFFF  }
0xc8: {  	_ =	shalt  }

// kernel: kernel.19.cloned.1.call-start
scs
__scs_entry_jumppad:
0x0: {  	(pc) =	sbr.rel $0x88, $3  }
0x1: {  	(tag) =	ssettag $0x0;
	lr =	simm.s32 $0x1  }
0x2: {  	[smem:$0x3F94] =	sst lr;
	_ =	strace $0xD0000000  }
0x3: {  	_ = 	snop  }
0x4: {  	_ = 	snop  }
0x5: {  	_ = 	snop  }
0x6: {  	_ = 	snop  }
0x7: {  	_ = 	snop  }
__scs_overlays_trampoline_lowered:
0x8: {  	[smem:$0x3FA3] =	sst s0  }
0x9: {  	[smem:$0x3FA4] =	sst s1  }
0xa: {  	[smem:$0x3FA5] =	sst s2  }
0xb: {  	[smem:$0x3FA6] =	sst s3  }
0xc: {  	[smem:$0x3FA7] =	sst s4  }
0xd: {  	[smem:$0x3FA8] =	sst s5  }
0xe: {  	[smem:$0x3FA9] =	sst s6  }
0xf: {  	[smem:$0x3FAA] =	sst s7  }
0x10: {  	[smem:$0x3FAB] =	sst s8  }
0x11: {  	[smem:$0x3FAC] =	sst s9;
	s0 =	simm.s32 @!p0 $0x0  }
0x12: {  	s1 =	sld [smem:$0x3F92];
	s0 =	simm.s32 @p0 $0x1  }
0x13: {  	[smem:$0x3FAD] =	sst s0;
	s0 =	simm.s32 @!p1 $0x0  }
0x14: {  	s2 =	sld [smem:$0x3F91];
	s0 =	simm.s32 @p1 $0x1  }
0x15: {  	[smem:$0x3FAE] =	sst s0;
	s0 =	simm.s32 @!p2 $0x0  }
0x16: {  	s3 =	sld [smem:$0x3FDB];
	s0 =	simm.s32 @p2 $0x1  }
0x17: {  	s4 =	simm.s32 $0x1BF5;
	[smem:$0x3FB0] =	sst s0  }
0x18: {  	s0 =	sld [smem:$0x3F93];
	_ =	swait.ge [sflag:s4], $0x0  }
0x19: {  	s7 =	sld [smem:$0x3F94]  }
0x1a: {  	s8 =	sadd.s32 $0xFFFFE003, lr  }
0x1b: {  	s9 =	sadd.s32 $0xFFFFFEF7, lr;
	s5 =	simm.s32 $0xFFFFFFFF;
	p2 =	slt.u32 s8, $0xFFFFF086  }
0x1c: {  	p1 =	slt.u32 s9, $0xF7A;
	s5 =	simm.s32 @!p2 $0x0  }
0x1d: {  	s5 =	simm.s32 @p1 $0x1;
	p0 =	seq.s32 s7, s2  }
0x1e: {  	s7 =	smul.u32 @!p0 $0xF7A, s2;
	p2 =	seq.s32 @!p0 s5, $0x0  }
0x1f: {  	s9 =	smul.u32 $0xF7A, s1;
	s8 =	simm.s32 @!p0 $0x1BF5;
	p2 =	por !p2, p0  }
0x20: {  	[sflag:s8] =	ssyncset.s32 @!p0 $0xFFFFF086;
	s6 =	sadd.s32 @!p0 s3, s7;
	s7 =	simm.s32 @!p0 $0x108  }
0x21: {  	s3 =	sadd.s32 s3, s9;
	s6 =	sadd.s32 @!p0 $0x88, s6;
	s7 =	simm.s32 @p2 $0x1082  }
0x22: {  	[simem:s7], [sflag:s8] =	dma.local @!p0 [hbm:s6], $0xF7A  }
0x23: {  	s9 =	sor.u32 $0xD0000000, s2;
	s6 =	simm.s32 $0x108;
	_ =	swait.ge @!p0 [sflag:s8], $0x0  }
0x24: {  	s3 =	sadd.s32 $0x88, s3;
	s6 =	simm.s32 @!p1 $0x1082;
	[sflag:s4] =	ssyncset.s32 $0xFFFFF086  }
0x25: {  	[simem:s6], [sflag:s4] =	dma.local [hbm:s3], $0xF7A  }
0x26: {  	[smem:$0x3F94] =	sst s1;
	(tag) =	ssettag s2;
	_ =	strace s9  }
0x27: {  	s1 =	sld [smem:$0x3FA4]  }
0x28: {  	s2 =	sld [smem:$0x3FA5]  }
0x29: {  	s4 =	sld [smem:$0x3FA7]  }
0x2a: {  	p0 =	seq.s32 s5, $0x0;
	s5 =	sld [smem:$0x3FA8]  }
0x2b: {  	s6 =	sld [smem:$0x3FA9]  }
0x2c: {  	s7 =	sld [smem:$0x3FAA]  }
0x2d: {  	s3 =	simm.s32 $0x108;
	s8 =	sld [smem:$0x3FAB]  }
0x2e: {  	s3 =	simm.s32 @!p0 $0x1082;
	s9 =	sld [smem:$0x3FAC]  }
0x2f: {  	lr =	sadd.s32 s0, s3;
	s0 =	sld [smem:$0x3FA3]  }
0x30: {  	s3 =	sld [smem:$0x3FA6]  }
0x31: {  	[smem:$0x3FAF] =	sst s10  }
0x32: {  	s10 =	sld [smem:$0x3FAD];
	_ =	sdelay $0x3  }
0x33: {  	p0 =	seq.s32 s10, $0x1;
	s10 =	sld [smem:$0x3FAF];
	_ =	sdelay $0x3  }
0x34: {  	[smem:$0x3FAF] =	sst s10  }
0x35: {  	s10 =	sld [smem:$0x3FAE];
	_ =	sdelay $0x3  }
0x36: {  	p1 =	seq.s32 s10, $0x1;
	s10 =	sld [smem:$0x3FAF];
	_ =	sdelay $0x3  }
0x37: {  	[smem:$0x3FAF] =	sst s10  }
0x38: {  	s10 =	sld [smem:$0x3FB0]  }
0x39: {  	_ = 	snop;
	(pc) =	sbr.ind lr, $3  }
0x3a: {  	_ = 	snop  }
0x3b: {  	_ = 	snop  }
0x3c: {  	p2 =	seq.s32 s10, $0x1;
	s10 =	sld [smem:$0x3FAF]  }
0x3d: {  	_ =	shalt  }
0x3e: {  	_ =	shalt  }
0x3f: {  	_ =	shalt  }
0x40: {  	_ =	shalt  }
0x41: {  	_ =	shalt  }
0x42: {  	_ =	shalt  }
0x43: {  	_ =	shalt  }
0x44: {  	_ =	shalt  }
0x45: {  	_ =	shalt  }
0x46: {  	_ =	shalt  }
0x47: {  	_ =	shalt  }
0x48: {  	_ =	shalt  }
0x49: {  	_ =	shalt  }
0x4a: {  	_ =	shalt  }
0x4b: {  	_ =	shalt  }
0x4c: {  	_ =	shalt  }
0x4d: {  	_ =	shalt  }
0x4e: {  	_ =	shalt  }
0x4f: {  	_ =	shalt  }
0x50: {  	_ =	shalt  }
0x51: {  	_ =	shalt  }
0x52: {  	_ =	shalt  }
0x53: {  	_ =	shalt  }
0x54: {  	_ =	shalt  }
0x55: {  	_ =	shalt  }
0x56: {  	_ =	shalt  }
0x57: {  	_ =	shalt  }
0x58: {  	_ =	shalt  }
0x59: {  	_ =	shalt  }
0x5a: {  	_ =	shalt  }
0x5b: {  	_ =	shalt  }
0x5c: {  	_ =	shalt  }
0x5d: {  	_ =	shalt  }
0x5e: {  	_ =	shalt  }
0x5f: {  	_ =	shalt  }
0x60: {  	_ =	shalt  }
0x61: {  	_ =	shalt  }
0x62: {  	_ =	shalt  }
0x63: {  	_ =	shalt  }
0x64: {  	_ =	shalt  }
0x65: {  	_ =	shalt  }
0x66: {  	_ =	shalt  }
0x67: {  	_ =	shalt  }
0x68: {  	_ =	shalt  }
0x69: {  	_ =	shalt  }
0x6a: {  	_ =	shalt  }
0x6b: {  	_ =	shalt  }
0x6c: {  	_ =	shalt  }
0x6d: {  	_ =	shalt  }
0x6e: {  	_ =	shalt  }
0x6f: {  	_ =	shalt  }
0x70: {  	_ =	shalt  }
0x71: {  	_ =	shalt  }
0x72: {  	_ =	shalt  }
0x73: {  	_ =	shalt  }
0x74: {  	_ =	shalt  }
0x75: {  	_ =	shalt  }
0x76: {  	_ =	shalt  }
0x77: {  	_ =	shalt  }
0x78: {  	_ =	shalt  }
0x79: {  	_ =	shalt  }
0x7a: {  	_ =	shalt  }
0x7b: {  	_ =	shalt  }
0x7c: {  	_ =	shalt  }
0x7d: {  	_ =	shalt  }
0x7e: {  	_ =	shalt  }
0x7f: {  	_ =	shalt  }
0x80: {  	_ =	shalt  }
0x81: {  	_ =	shalt  }
0x82: {  	_ =	shalt  }
0x83: {  	_ =	shalt  }
0x84: {  	_ =	shalt  }
0x85: {  	_ =	shalt  }
0x86: {  	_ =	shalt  }
0x87: {  	_ =	shalt  }
.Lfunc_end0:
.L_simem_size_0:
called_computation.3_lowered:
.L_overlay_start_0:
0x88: {  	s2 =	sld [smem:$0x3FD9]  }
0x89: {  	s3 =	sld [smem:$0x3FFE];
	_ =	sdelay $0x1  }
0x8a: {  	s1 =	srdreg.scid  }
0x8b: {  	s0 =	sand.u32 $0x1, s1  }
0x8c: {  	s14 =	sshll.u32 s0, $0xA;
	s2 =	sadd.s32 s3, s2  }
0x8d: {  	s2 =	sadd.s32 s2, s14  }
0x8e: {  	[smem:$0x3FBB] =	sst s2  }
0x8f: {  	_ = 	snop  }
0x90: {  	s2 =	sld [smem:$0x3FD0];
	_ =	sdelay $0x2  }
0x91: {  	s15 =	simm.s32 $0xA;
	s4 =	simm.s32 $0x10  }
0x92: {  	[smem:s4], [sflag:s15] =	dma.local [hbm:s2], $0x1  }
0x93: {  	_ =	swait.eq [sflag:s15], $0x1  }
0x94: {  	[sflag:s15] =	ssyncset.done $0x0  }
0x95: {  	[sflag:s15] =	ssyncadd.s32 $0xFFFFFFFF  }
0x96: {  	s16 =	sld [smem:$0x10];
	(tm) =	ssettm $0x1  }
0x97: {  	s17 =	sld [smem:$0x3FFB];
	_ =	sdelay $0x3  }
0x98: {  	_ =	strace s17  }
0x99: {  	s3 =	sld [smem:$0x3FFC];
	_ =	sdelay $0x3  }
0x9a: {  	_ =	strace s3  }
0x9b: {  	s3 =	sld [smem:$0x3FFD];
	_ =	sdelay $0x3  }
0x9c: {  	_ =	strace s3  }
0x9d: {  	_ =	strace $0x8FFFFFFF  }
0x9e: {  	s18 =	sld [smem:$0x3FDB];
	_ =	sdelay $0x1  }
0x9f: {  	s19 =	simm.s32 $_scs_section_size  }
0xa0: {  	s5 =	simm.s32 $_size__tile_overlayer_lowered;
	s6 =	simm.s32 $_tile_overlayer_lowered  }
0xa1: {  	s22 =	simm.s32 $0x1BFF;
	s21 =	sshll.u32 s6, $0x1;
	s3 =	sadd.s32 s19, s18  }
0xa2: {  	s7 =	simm.s32 $0x0;
	s20 =	sshll.u32 s5, $0x1;
	s5 =	sadd.s32 s21, s3  }
0xa3: {  	[timem:s7], [sflag:s22] =	dma.local [hbm:s5], s20  }
0xa4: {  	_ =	swait.ge [sflag:s22], s20  }
0xa5: {  	s4 =	ssub.s32 $0x0, s20;
	[sflag:s22] =	ssyncset.done $0x0  }
0xa6: {  	[sflag:s22] =	ssyncadd.s32 s4;
	_ =	sdelay $0x1  }
0xa7: {  	s23 =	simm.s32 $0x1B8B  }
0xa8: {  	_ =	swait.ge [sflag:s23], $0x1  }
0xa9: {  	[sflag:s23] =	ssyncset.done $0x0  }
0xaa: {  	s25 =	simm.s32 $0x1B8E;
	s24 =	sld [smem:$0x3FFE];
	[sflag:s23] =	ssyncadd.s32 $0xFFFFFFFF  }
0xab: {  	s26 =	simm.s32 $execute0_lowered;
	[smem:$0x3FD2] =	sst s25  }
0xac: {  	s5 =	sshll.u32 s26, $0x1;
	_ =	strace $0x8000004F;
	[dreg:$0x1] =	wrdreg $0xFFFFFFFF  }
0xad: {  	s28 =	simm.s32 $_size_execute0_lowered;
	s3 =	sadd.s32 s3, s5;
	[dreg:$0x0] =	wrdreg $0x0  }
0xae: {  	s5 =	sshll.u32 s28, $0x1;
	[dreg:$0x2] =	wrdreg s3  }
0xaf: {  	[dreg:$0x3] =	wrdreg s5  }
0xb0: {  	[dreg:$0x4] =	wrdreg $0xC0  }
0xb1: {  	_ =	task [dreg:s7], $0x5FFFF  }
0xb2: {  	[dreg:$0x1] =	wrdreg $0xFFFFFFFF  }
0xb3: {  	[dreg:$0x0] =	wrdreg $0x60  }
0xb4: {  	[dreg:$0x2] =	wrdreg s24  }
0xb5: {  	[dreg:$0x3] =	wrdreg s16  }
0xb6: {  	[dreg:$0x4] =	wrdreg $0x9  }
0xb7: {  	_ =	task.clear_ibuf [dreg:s7], $0x5FFFF;
	_ =	strace $0x9000004F  }
0xb8: {  	s29 =	simm.s32 $0x9;
	_ =	strace $0x80000051  }
0xb9: {  	_ =	swait.ge [sflag:s29], $0x1  }
0xba: {  	[sflag:s29] =	ssyncadd.s32 $0xFFFFFFFF  }
0xbb: {  	_ =	strace $0x90000051  }
0xbc: {  	_ =	sfence  }
0xbd: {  	s30 =	sld [smem:$0x0];
	_ =	sdelay $0x2  }
0xbe: {  	s31 =	sshll.u32 s1, $0xD;
	s1 =	sshrl.u32 s1, $0x2  }
0xbf: {  	s3 =	sand.u32 $0x4000, s31;
	s1 =	sadd.s32 s1, s30  }
0xc0: {  	s0 =	sor.u32 s3, s0;
	s1 =	sshll.u32 s1, $0x11  }
0xc1: {  	s0 =	sor.u32 s1, s0  }
0xc2: {  	s0 =	sadd.s32 $0x8F2B, s0  }
0xc3: {  	[sflag:s0] =	ssyncadd.remote.s32 $0x1  }
0xc4: {  	_ =	sfence.sel $0xFFFF  }
0xc5: {  	[dreg:$0x0] =	wrdreg $0xFFFFFFFF;
	(pc) =	sbr.abs _section_cstart, $3  }
0xc6: {  	[dreg:$0x1] =	wrdreg $0xFFFFFFFF  }
0xc7: {  	_ =	task.clear_ibuf [dreg:s7], $0x2FFFF;
	_ =	strace $0x9FFFFFFF  }
0xc8: {  	(tm) =	ssettm $0x7FFFFFFF  }
0xc9: {  	_ =	shalt  }
tec
execute0_lowered:
.L_overlay_start_1:
0x0: {  	(tag) =	ssettag $0x1  }
0x1: {  	s3 =	rddreg [dreg:$0x0]  }
0x2: {  	s4 =	rddreg [dreg:$0x1]  }
0x3: {  	s0 =	rddreg [dreg:$0x2];
	s2 =	simm.s32 $0x0;
	s1 =	stileid.u32  }
0x4: {  	s7 =	srdreg.scid;
	s11 =	simm.s32 $0xA000;
	s13 =	simm.s32 $0x1  }
0x5: {  	s14 =	simm.s32 $0xA800;
	s17 =	simm.s32 $0x2;
	s18 =	simm.s32 $0xB800  }
0x6: {  	s19 =	simm.s32 $0x3;
	s20 =	simm.s32 $0x4;
	s21 =	simm.s32 $0x0  }
0x7: {  	[smem:$0x7FF] =	sst s2;
	s5 =	sand.u32 $0x7, s1;
	s16 =	smul.u32 $0x2800, s1  }
0x8: {  	s7 =	sand.u32 $0x1, s7;
	s10 =	sshll.u32 s1, $0x1;
	s6 =	smul.u32 $0x13C0, s5  }
0x9: {  	_ =	strace $0x80000050;
	s8 =	sshll.u32 s7, $0x5;
	s9 =	smul.u32 $0x28000, s7  }
0xa: {  	s7 =	ssub.s32 $0x2, s7;
	s10 =	sand.u32 $0x10, s10;
	s5 =	sshll.u32 s5, $0x6  }
0xb: {  	s8 =	sadd.s32 s8, s3;
	s31 =	sshrl.u32 s7, $0x1;
	s4 =	sadd.s32 s4, s5  }
0xc: {  	s6 =	sadd.s32 s6, s3;
	s9 =	sadd.s32 s9, s3;
	s7 =	ssub.s32 s7, s31  }
0xd: {  	s8 =	sadd.s32 s10, s8;
	s10 =	simm.s32 $0x200;
	s3 =	sadd.s32 $0x3800, s6  }
0xe: {  	s5 =	sadd.s32 $0x7AA00, s8;
	s15 =	sadd.s32 $0xD600, s9;
	s6 =	smax.u32 s7, $0x1  }
0xf: {  	s7 =	simm.s32 $0x5;
	s8 =	simm.s32 $0x9E00;
	s9 =	simm.s32 $0x80  }
0x10: {  	s12 =	sadd.s32 $0x800, s5;
	s15 =	sadd.s32 s16, s15;
	s16 =	simm.s32 $0xB000  }
.LBB2_1:
0x11: {  	[tilespmem:s2], [sflag:$0x5] =	stream.linear.gather [hbm4b:s3+s2], $0x9E00, $0x38;
	[tilespmem:$0xC000] =	vst v63  }
0x12: {  	_ =	swait.ge [sflag:s7], $0x9E00  }
0x13: {  	[sflag:s7] =	ssyncset.done $0x0  }
0x14: {  	[sflag:s7] =	ssyncadd.s32 $0xFFFF6200  }
0x15: {  	[tilespmem:s8], [sflag:$0x5] =	stream.linear.gather [hbm4b:s4+s2], $0x200, $0x38;
	[tilespmem:$0xC000] =	vst v63  }
0x16: {  	_ =	swait.ge [sflag:s7], $0x200  }
0x17: {  	[sflag:s7] =	ssyncset.done $0x0  }
0x18: {  	s22 =	simm.s32 $0x0;
	[sflag:s7] =	ssyncadd.s32 $0xFFFFFE00  }
0x19: {  	[tilespmem:s11], [sflag:$0x1] =	stream.strided.gather [hbm4b:s5+s9], $0x800, s10, s9, $0x38;
	[tilespmem:$0xC000] =	vst v63  }
.LBB2_2:
0x1a: {  	_ =	swait.ge [sflag:s13], $0x800;
	s23 =	sshllo.u32 s22, $0x1  }
0x1b: {  	[sflag:s13] =	ssyncset.done $0x0;
	s24 =	sshll.u32 s23, $0xA  }
0x1c: {  	p0 =	seq.s32 s22, $0x0;
	[sflag:s13] =	ssyncadd.s32 $0xFFFFF800;
	s24 =	sadd.s32 s5, s24  }
0x1d: {  	[tilespmem:s14], [sflag:$0x2] =	stream.strided.gather [hbm4b:s24+s9], $0x800, s10, s9, $0x38;
	[tilespmem:$0xC000] =	vst v63  }
0x1e: {  	s24 =	simm.s32 @!p0 $0x3  }
0x1f: {  	_ =	swait.ge @!p0 [sflag:s24], $0x800  }
0x20: {  	[sflag:s24] =	ssyncset.done @!p0 $0x0  }
0x21: {  	s31 =	simm.s32 $0x0;
	[sflag:s24] =	ssyncadd.s32 @!p0 $0xFFFFF800  }
0x22: {  	v0 =	vld [tilespmem:s31+$0xA000];
	_ =	sdelay $0x4  }
0x23: {  	v1 =	vshrl.u32 v0, $0xE;
	v2 =	vshll.u32 v0, $0x2  }
0x24: {  	v3 =	vand.u32 $0x7F, v0;
	v0 =	vshrl.u32 v0, $0xC;
	v2 =	vand.u32 $0xFE00, v2  }
0x25: {  	v1 =	vand.u32 $0x7F, v1;
	v0 =	vand.u32 $0xFFE00, v0;
	v4 =	vor.u32 v3, v2  }
0x26: {  	v2 =	vor.u32 v1, v0  }
0x27: {  	v0 =	vor.u32 $0x80, v4  }
0x28: {  	v7 =	vor.u32 $0x100, v2  }
0x29: {  	v3 =	vor.u32 $0x80, v2  }
0x2a: {  	v8 =	vor.u32 $0x100, v4;
	v5 =	vld.idx.msk [tilespmem:v4+s2+$0x0], $0xffff  }
0x2b: {  	v6 =	vld.idx.msk [tilespmem:v2+s2+$0x0], $0xffff  }
0x2c: {  	v1 =	vld.idx.msk [tilespmem:v0+s2+$0x0], $0xffff  }
0x2d: {  	v0 =	vld.idx.msk [tilespmem:v7+s2+$0x0], $0xffff;
	v7 =	vor.u32 $0x180, v4  }
0x2e: {  	s26 =	simm.s32 $0x0;
	v2 =	vor.u32 $0x180, v2;
	v3 =	vld.idx.msk [tilespmem:v3+s2+$0x0], $0xffff  }
0x2f: {  	s28 =	simm.s32 $0x40;
	s25 =	simm.s32 $0x0;
	s24 =	simm.s32 $0x0;
	v4 =	vld.idx.msk [tilespmem:v8+s2+$0x0], $0xffff  }
.LBB2_3:
0x30: {  	p0 =	sne.s32 s28, $0x1FC0  }
0x31: {  	s26 =	sadd.s32 $0x10, s26;
	s29 =	smov.u32 s28;
	s28 =	sadd.s32 $0x40, s28  }
0x32: {  	v5 =	vmul.f32 v5, v6;
	v6 =	vld.idx.msk [tilespmem:v7+s2+$0x0], $0xffff  }
0x33: {  	s30 =	sshra.s32 s29, $0x2;
	v2 =	vld.idx.msk [tilespmem:v2+s2+$0x0], $0xffff  }
0x34: {  	v7 =	vshrl.u32 v5, $0x10;
	v1 =	vmul.f32 v1, v3;
	v8 =	vld [tilespmem:$0x9E00]  }
0x35: {  	v3 =	vand.u32 $0x1, v7  }
0x36: {  	v3 =	vadd.s32 v3, v5;
	v5 =	vshrl.u32 v1, $0x10;
	v0 =	vmul.f32 v4, v0  }
0x37: {  	v3 =	vadd.s32 $0x7FFF, v3;
	v4 =	vand.u32 $0x1, v5;
	v5 =	vld [tilespmem:$0x9E80]  }
0x38: {  	v3 =	vand.u32 $0xFFFF0000, v3;
	v1 =	vadd.s32 v4, v1;
	v4 =	vshrl.u32 v0, $0x10  }
0x39: {  	v1 =	vadd.s32 $0x7FFF, v1;
	v2 =	vmul.f32 v6, v2;
	v3 =	vmul.f32 v3, v8;
	v7 =	vld [tilespmem:$0x9F00]  }
0x3a: {  	v4 =	vand.u32 $0x1, v4;
	v1 =	vand.u32 $0xFFFF0000, v1;
	v6 =	vld [tilespmem:$0x9F80]  }
0x3b: {  	v0 =	vadd.s32 v4, v0;
	v4 =	vshrl.u32 v2, $0x10;
	v3 =	vadd.f32 $0.0e+00, v3  }
0x3c: {  	v0 =	vadd.s32 $0x7FFF, v0;
	v4 =	vand.u32 $0x1, v4;
	v1 =	vmul.f32 v1, v5  }
0x3d: {  	v0 =	vand.u32 $0xFFFF0000, v0;
	v2 =	vadd.s32 v4, v2  }
0x3e: {  	v2 =	vadd.s32 $0x7FFF, v2;
	v1 =	vadd.f32 v1, v3;
	v0 =	vmul.f32 v0, v7  }
0x3f: {  	v2 =	vand.u32 $0xFFFF0000, v2  }
0x40: {  	s31 =	sand.u32 $0x1E00, s24;
	s24 =	smov.u32 s29;
	v0 =	vadd.f32 v0, v1;
	v1 =	vmul.f32 v2, v6  }
0x41: {  	s29 =	sand.u32 $0x70, s25;
	s31 =	sshrl.u32 s31, $0x2;
	s25 =	smov.u32 s26  }
0x42: {  	s29 =	sor.u32 s29, s31;
	v0 =	vadd.f32 v1, v0;
	_ =	sdelay $0x1  }
0x43: {  	[tilespmem:s29+$0xB000] =	vst v0  }
0x44: {  	v0 =	vld [tilespmem:s30+$0xA000];
	_ =	sdelay $0x4  }
0x45: {  	v1 =	vshrl.u32 v0, $0xE;
	v2 =	vand.u32 $0x7F, v0;
	v3 =	vshll.u32 v0, $0x2  }
0x46: {  	v0 =	vshrl.u32 v0, $0xC;
	v3 =	vand.u32 $0xFE00, v3  }
0x47: {  	v1 =	vand.u32 $0x7F, v1;
	v0 =	vand.u32 $0xFFE00, v0;
	v3 =	vor.u32 v2, v3  }
0x48: {  	v0 =	vor.u32 v1, v0;
	v1 =	vor.u32 $0x80, v3;
	v4 =	vor.u32 $0x100, v3  }
0x49: {  	v8 =	vor.u32 $0x80, v0;
	v2 =	vor.u32 $0x180, v0;
	_ =	sdelay $0x1  }
0x4a: {  	v9 =	vor.u32 $0x100, v0  }
0x4b: {  	v5 =	vld.idx.msk [tilespmem:v3+s2+$0x0], $0xffff  }
.Ltmp0:
0x4c: {  	v6 =	vld.idx.msk [tilespmem:v0+s2+$0x0], $0xffff;
	(pc) =	sbr.rel @p0 .LBB2_3-.Ltmp0, $4  }
0x4d: {  	v7 =	vor.u32 $0x180, v3;
	v1 =	vld.idx.msk [tilespmem:v1+s2+$0x0], $0xffff  }
0x4e: {  	v3 =	vld.idx.msk [tilespmem:v8+s2+$0x0], $0xffff  }
0x4f: {  	v0 =	vld.idx.msk [tilespmem:v9+s2+$0x0], $0xffff  }
0x50: {  	v4 =	vld.idx.msk [tilespmem:v4+s2+$0x0], $0xffff  }
0x51: {  	_ =	sdelay $0x3  }
0x52: {  	v5 =	vmul.f32 v5, v6;
	v6 =	vld.idx.msk [tilespmem:v7+s2+$0x0], $0xffff  }
0x53: {  	v2 =	vld.idx.msk [tilespmem:v2+s2+$0x0], $0xffff  }
0x54: {  	v8 =	vld [tilespmem:$0x9E00];
	v7 =	vshrl.u32 v5, $0x10;
	v1 =	vmul.f32 v1, v3  }
0x55: {  	v3 =	vand.u32 $0x1, v7  }
0x56: {  	v3 =	vadd.s32 v3, v5;
	v5 =	vshrl.u32 v1, $0x10  }
0x57: {  	v0 =	vmul.f32 v4, v0;
	v3 =	vadd.s32 $0x7FFF, v3;
	v4 =	vand.u32 $0x1, v5;
	v5 =	vld [tilespmem:$0x9E80]  }
0x58: {  	v2 =	vmul.f32 v6, v2;
	v3 =	vand.u32 $0xFFFF0000, v3;
	v1 =	vadd.s32 v4, v1  }
0x59: {  	v7 =	vld [tilespmem:$0x9F00];
	v4 =	vshrl.u32 v0, $0x10;
	v3 =	vmul.f32 v3, v8;
	v1 =	vadd.s32 $0x7FFF, v1  }
0x5a: {  	v4 =	vand.u32 $0x1, v4;
	v1 =	vand.u32 $0xFFFF0000, v1  }
0x5b: {  	v6 =	vld [tilespmem:$0x9F80];
	v0 =	vadd.s32 v4, v0;
	v4 =	vshrl.u32 v2, $0x10;
	v3 =	vadd.f32 $0.0e+00, v3  }
0x5c: {  	v0 =	vadd.s32 $0x7FFF, v0;
	v4 =	vand.u32 $0x1, v4;
	v1 =	vmul.f32 v1, v5  }
0x5d: {  	v0 =	vand.u32 $0xFFFF0000, v0;
	v2 =	vadd.s32 v4, v2  }
0x5e: {  	v0 =	vmul.f32 v0, v7;
	v2 =	vadd.s32 $0x7FFF, v2;
	v1 =	vadd.f32 v1, v3  }
0x5f: {  	v2 =	vand.u32 $0xFFFF0000, v2  }
0x60: {  	v0 =	vadd.f32 v0, v1;
	v1 =	vmul.f32 v2, v6  }
0x61: {  	s24 =	sand.u32 $0x1E00, s24  }
0x62: {  	s25 =	sand.u32 $0x70, s25;
	s24 =	sshrl.u32 s24, $0x2;
	v0 =	vadd.f32 v1, v0  }
0x63: {  	s29 =	sshll.u32 s22, $0x9;
	s24 =	sor.u32 s25, s24  }
0x64: {  	p0 =	seq.s32 s22, $0x13;
	s30 =	sadd.s32 s29, s15;
	[tilespmem:s24+$0xB000] =	vst v0  }
0x65: {  	[hbm4b:s30+s2] =	stream.linear.scatter [tilespmem:s16], [sflag:$0x3], $0x800, $0x38;
	[tilespmem:$0xC000] =	vst v63  }
0x66: {  	p1 =	seq.s32 @!p0 s22, $0x0;
	s26 =	simm.s32 @!p0 $0x200;
	_ =	swait.ge [sflag:s17], $0x800  }
0x67: {  	s28 =	simm.s32 @!p0 $0xA000;
	s24 =	sshll.u32 @!p0 s22, $0xB;
	[sflag:s17] =	ssyncset.done $0x0  }
0x68: {  	s25 =	simm.s32 @!p0 $0x80;
	s24 =	sadd.s32 @!p0 s24, s12;
	[sflag:s17] =	ssyncadd.s32 $0xFFFFF800  }
0x69: {  	[tilespmem:s28], [sflag:$0x1] =	stream.strided.gather @!p0 [hbm4b:s24+s25], $0x800, s26, s25, $0x38;
	[tilespmem:$0xC000] =	vst v63  }
0x6a: {  	p0 =	por p0, !p1  }
0x6b: {  	_ =	swait.ge @p0 [sflag:s20], $0x800  }
0x6c: {  	[sflag:s20] =	ssyncset.done @p0 $0x0  }
0x6d: {  	s31 =	simm.s32 $0x0;
	[sflag:s20] =	ssyncadd.s32 @p0 $0xFFFFF800  }
0x6e: {  	v0 =	vld [tilespmem:s31+$0xA800];
	_ =	sdelay $0x4  }
0x6f: {  	v1 =	vshrl.u32 v0, $0xE;
	v2 =	vshll.u32 v0, $0x2  }
0x70: {  	v3 =	vand.u32 $0x7F, v0;
	v0 =	vshrl.u32 v0, $0xC;
	v2 =	vand.u32 $0xFE00, v2  }
0x71: {  	v1 =	vand.u32 $0x7F, v1;
	v0 =	vand.u32 $0xFFE00, v0;
	v4 =	vor.u32 v3, v2  }
0x72: {  	v2 =	vor.u32 v1, v0  }
0x73: {  	v0 =	vor.u32 $0x80, v4  }
0x74: {  	v7 =	vor.u32 $0x100, v2  }
0x75: {  	v3 =	vor.u32 $0x80, v2  }
0x76: {  	v8 =	vor.u32 $0x100, v4;
	v5 =	vld.idx.msk [tilespmem:v4+s2+$0x0], $0xffff  }
0x77: {  	v6 =	vld.idx.msk [tilespmem:v2+s2+$0x0], $0xffff  }
0x78: {  	v1 =	vld.idx.msk [tilespmem:v0+s2+$0x0], $0xffff  }
0x79: {  	v0 =	vld.idx.msk [tilespmem:v7+s2+$0x0], $0xffff;
	v7 =	vor.u32 $0x180, v4  }
0x7a: {  	s26 =	simm.s32 $0x0;
	v2 =	vor.u32 $0x180, v2;
	v3 =	vld.idx.msk [tilespmem:v3+s2+$0x0], $0xffff  }
0x7b: {  	s28 =	simm.s32 $0x40;
	s24 =	simm.s32 $0x0;
	s25 =	simm.s32 $0x0;
	v4 =	vld.idx.msk [tilespmem:v8+s2+$0x0], $0xffff  }
.LBB2_5:
0x7c: {  	p0 =	sne.s32 s28, $0x1FC0  }
0x7d: {  	s26 =	sadd.s32 $0x10, s26;
	s29 =	smov.u32 s28;
	s28 =	sadd.s32 $0x40, s28  }
0x7e: {  	v5 =	vmul.f32 v5, v6;
	v6 =	vld.idx.msk [tilespmem:v7+s2+$0x0], $0xffff  }
0x7f: {  	s30 =	sshra.s32 s29, $0x2;
	v2 =	vld.idx.msk [tilespmem:v2+s2+$0x0], $0xffff  }
0x80: {  	v7 =	vshrl.u32 v5, $0x10;
	v1 =	vmul.f32 v1, v3;
	v8 =	vld [tilespmem:$0x9E00]  }
0x81: {  	v3 =	vand.u32 $0x1, v7  }
0x82: {  	v3 =	vadd.s32 v3, v5;
	v5 =	vshrl.u32 v1, $0x10;
	v0 =	vmul.f32 v4, v0  }
0x83: {  	v3 =	vadd.s32 $0x7FFF, v3;
	v4 =	vand.u32 $0x1, v5;
	v5 =	vld [tilespmem:$0x9E80]  }
0x84: {  	v3 =	vand.u32 $0xFFFF0000, v3;
	v1 =	vadd.s32 v4, v1;
	v4 =	vshrl.u32 v0, $0x10  }
0x85: {  	v1 =	vadd.s32 $0x7FFF, v1;
	v2 =	vmul.f32 v6, v2;
	v3 =	vmul.f32 v3, v8;
	v7 =	vld [tilespmem:$0x9F00]  }
0x86: {  	v4 =	vand.u32 $0x1, v4;
	v1 =	vand.u32 $0xFFFF0000, v1;
	v6 =	vld [tilespmem:$0x9F80]  }
0x87: {  	v0 =	vadd.s32 v4, v0;
	v4 =	vshrl.u32 v2, $0x10;
	v3 =	vadd.f32 $0.0e+00, v3  }
0x88: {  	v0 =	vadd.s32 $0x7FFF, v0;
	v4 =	vand.u32 $0x1, v4;
	v1 =	vmul.f32 v1, v5  }
0x89: {  	v0 =	vand.u32 $0xFFFF0000, v0;
	v2 =	vadd.s32 v4, v2  }
0x8a: {  	v2 =	vadd.s32 $0x7FFF, v2;
	v1 =	vadd.f32 v1, v3;
	v0 =	vmul.f32 v0, v7  }
0x8b: {  	v2 =	vand.u32 $0xFFFF0000, v2  }
0x8c: {  	s31 =	sand.u32 $0x1E00, s24;
	s24 =	smov.u32 s29;
	v0 =	vadd.f32 v0, v1;
	v1 =	vmul.f32 v2, v6  }
0x8d: {  	s29 =	sand.u32 $0x70, s25;
	s31 =	sshrl.u32 s31, $0x2;
	s25 =	smov.u32 s26  }
0x8e: {  	s29 =	sor.u32 s29, s31;
	v0 =	vadd.f32 v1, v0;
	_ =	sdelay $0x1  }
0x8f: {  	[tilespmem:s29+$0xB800] =	vst v0  }
0x90: {  	v0 =	vld [tilespmem:s30+$0xA800];
	_ =	sdelay $0x4  }
0x91: {  	v1 =	vshrl.u32 v0, $0xE;
	v2 =	vand.u32 $0x7F, v0;
	v3 =	vshll.u32 v0, $0x2  }
0x92: {  	v0 =	vshrl.u32 v0, $0xC;
	v3 =	vand.u32 $0xFE00, v3  }
0x93: {  	v1 =	vand.u32 $0x7F, v1;
	v0 =	vand.u32 $0xFFE00, v0;
	v3 =	vor.u32 v2, v3  }
0x94: {  	v0 =	vor.u32 v1, v0;
	v1 =	vor.u32 $0x80, v3;
	v4 =	vor.u32 $0x100, v3  }
0x95: {  	v8 =	vor.u32 $0x80, v0;
	v2 =	vor.u32 $0x180, v0;
	_ =	sdelay $0x1  }
0x96: {  	v9 =	vor.u32 $0x100, v0  }
0x97: {  	v5 =	vld.idx.msk [tilespmem:v3+s2+$0x0], $0xffff  }
.Ltmp1:
0x98: {  	v6 =	vld.idx.msk [tilespmem:v0+s2+$0x0], $0xffff;
	(pc) =	sbr.rel @p0 .LBB2_5-.Ltmp1, $4  }
0x99: {  	v7 =	vor.u32 $0x180, v3;
	v1 =	vld.idx.msk [tilespmem:v1+s2+$0x0], $0xffff  }
0x9a: {  	v3 =	vld.idx.msk [tilespmem:v8+s2+$0x0], $0xffff  }
0x9b: {  	v0 =	vld.idx.msk [tilespmem:v9+s2+$0x0], $0xffff  }
0x9c: {  	v4 =	vld.idx.msk [tilespmem:v4+s2+$0x0], $0xffff  }
0x9d: {  	_ =	sdelay $0x3  }
0x9e: {  	v5 =	vmul.f32 v5, v6;
	v53 =	vld.idx.msk [tilespmem:v7+s2+$0x0], $0xffff  }
0x9f: {  	v2 =	vld.idx.msk [tilespmem:v2+s2+$0x0], $0xffff  }
0xa0: {  	v8 =	vld [tilespmem:$0x9E00];
	v54 =	vshrl.u32 v5, $0x10  }
0xa1: {  	v1 =	vmul.f32 v1, v3;
	v55 =	vand.u32 $0x1, v54  }
0xa2: {  	v3 =	vadd.s32 v55, v5  }
0xa3: {  	v58 =	vld [tilespmem:$0x9E80];
	v56 =	vshrl.u32 v1, $0x10;
	v0 =	vmul.f32 v4, v0;
	v3 =	vadd.s32 $0x7FFF, v3  }
0xa4: {  	v57 =	vand.u32 $0x1, v56;
	v2 =	vmul.f32 v53, v2;
	v3 =	vand.u32 $0xFFFF0000, v3  }
0xa5: {  	v60 =	vld [tilespmem:$0x9F00];
	v1 =	vadd.s32 v57, v1;
	v59 =	vshrl.u32 v0, $0x10;
	v3 =	vmul.f32 v3, v8  }
0xa6: {  	v1 =	vadd.s32 $0x7FFF, v1;
	v4 =	vand.u32 $0x1, v59;
	v62 =	vshrl.u32 v2, $0x10  }
0xa7: {  	v61 =	vld [tilespmem:$0x9F80];
	v1 =	vand.u32 $0xFFFF0000, v1;
	v0 =	vadd.s32 v4, v0;
	v4 =	vand.u32 $0x1, v62  }
0xa8: {  	v3 =	vadd.f32 $0.0e+00, v3;
	v1 =	vmul.f32 v1, v58;
	v0 =	vadd.s32 $0x7FFF, v0  }
0xa9: {  	v2 =	vadd.s32 v4, v2;
	v0 =	vand.u32 $0xFFFF0000, v0  }
0xaa: {  	v2 =	vadd.s32 $0x7FFF, v2;
	v1 =	vadd.f32 v1, v3;
	v0 =	vmul.f32 v0, v60  }
0xab: {  	s22 =	sadd.s32 $0x1, s22;
	v2 =	vand.u32 $0xFFFF0000, v2  }
0xac: {  	p0 =	sne.s32 s22, $0x14;
	v63 =	vmul.f32 v2, v61;
	v0 =	vadd.f32 v0, v1  }
.Ltmp2:
0xad: {  	s24 =	sand.u32 $0x1E00, s24;
	(pc) =	sbr.rel @p0 .LBB2_2-.Ltmp2, $4  }
0xae: {  	s25 =	sand.u32 $0x70, s25;
	s24 =	sshrl.u32 s24, $0x2;
	v0 =	vadd.f32 v63, v0  }
0xaf: {  	s23 =	sshll.u32 s23, $0x8;
	s24 =	sor.u32 s25, s24  }
0xb0: {  	s23 =	sadd.s32 s23, s15;
	[tilespmem:s24+$0xB800] =	vst v0  }
0xb1: {  	[hbm4b:s23+s2] =	stream.linear.scatter [tilespmem:s18], [sflag:$0x4], $0x800, $0x38;
	[tilespmem:$0xC000] =	vst v63  }
0xb2: {  	s21 =	sadd.s32 $0x1, s21  }
0xb3: {  	_ =	swait.ge [sflag:s19], $0x800;
	p0 =	sne.s32 s21, s6  }
.Ltmp3:
0xb4: {  	[sflag:s19] =	ssyncset.done $0x0;
	(pc) =	sbr.rel @p0 .LBB2_1-.Ltmp3, $4  }
0xb5: {  	[sflag:s19] =	ssyncadd.s32 $0xFFFFF800  }
0xb6: {  	_ =	swait.ge [sflag:s20], $0x800  }
0xb7: {  	[sflag:s20] =	ssyncset.done $0x0  }
0xb8: {  	[sflag:s20] =	ssyncadd.s32 $0xFFFFF800  }
0xb9: {  	_ =	sfence.sel $0x180000  }
0xba: {  	[bflag:$0x0] =	sbarrier.arrive $0xFFFF  }
0xbb: {  	p0 =	sne.s32 s1, $0x0;
	_ =	strace $0x90000050  }
0xbc: {  	s0 =	sadd.s32 @!p0 $0x100000, s0;
	[bflag:$0x2] =	sbarrier.arrive $0xFFFF  }
0xbd: {  	[sflag:s0] =	ssyncadd.tile.s32 @!p0 $0x1;
	_ =	shalt  }
.Lfunc_end2:
_tile_overlayer_lowered:
.L_overlay_start_2:
0xbe: {  	(tag) =	ssettag $0x2  }
0xbf: {  	s0 =	rddreg [dreg:$0x0];
	s2 =	stileid.u32  }
0xc0: {  	s1 =	rddreg [dreg:$0x1];
	p0 =	sne.s32 s2, $0x0  }
0xc1: {  	s3 =	rddreg [dreg:$0x2];
	[bflag:$0x3] =	sbarrier.arrive $0xFFFF;
	s2 =	simm.s32 @!p0 $0x1C05  }
0xc2: {  	[timem:s3], [sflag:s2] =	dma.local @!p0 [hbm:s0], s1  }
0xc3: {  	s0 =	simm.s32 @!p0 $0x5  }
0xc4: {  	_ =	swait.ge @!p0 [sflag:s0], s1  }
0xc5: {  	s1 =	ssub.s32 @!p0 $0x0, s1;
	[sflag:s0] =	ssyncset.done @!p0 $0x0  }
0xc6: {  	[sflag:s0] =	ssyncadd.s32 @!p0 s1  }
0xc7: {  	[bflag:$0x3] =	sbarrier.arrive $0xFFFF  }
0xc8: {  	_ =	shalt  }

</sc_bundles>
